<compile_context>
chip_gen: v7x
topology: tpu7x:2x2x1
jax: 0.10.2.dev20260603
libtpu: 0.0.44.dev20260713+nightly
codegen_flags: <defaults>
</compile_context>

<pallas_src>
import functools

import jax
import jax.numpy as jnp
from jax import lax
from jax.experimental import pallas as pl
from jax.experimental.pallas import tpu as pltpu
from jax.experimental.pallas import tpu_sc as plsc

N_EDGES = 3_200_000
N_ROWS = 100_000

NC = 2
NS = 16
NW = NC * NS
LANES = 128
EROWS = N_EDGES // LANES
HR = 800
HC = 128
K = 32
CE = K * LANES
FULL = 768
EXTRA = 16
TAIL = 8
NPAIRS = (FULL // K) // 2

_mesh = plsc.VectorSubcoreMesh(
    core_axis_name="c", subcore_axis_name="s", num_cores=NC, num_subcores=NS
)


@functools.partial(
    pl.kernel,
    out_type=jax.ShapeDtypeStruct((NW, HR, HC), jnp.float32),
    mesh=_mesh,
    compiler_params=pltpu.CompilerParams(needs_layout_passes=False),
    scratch_types=[
        pltpu.VMEM((HR, HC), jnp.float32),
        pltpu.VMEM((2, CE), jnp.int32),
        pltpu.VMEM((2, CE), jnp.float32),
        pltpu.SemaphoreType.DMA,
        pltpu.SemaphoreType.DMA,
    ],
)
def _segment_sum_sc(ei_hbm, w_hbm, hist_hbm, hist, idx_buf, w_buf, ld0, ld1):
    c = lax.axis_index("c")
    s = lax.axis_index("s")
    tid = c * NS + s
    ld = (ld0, ld1)

    base = tid * 776 + 8 * jnp.minimum(tid, 21)

    def _load(e0, b, n):
        pltpu.async_copy(
            ei_hbm.at[1, pl.ds(e0 * LANES, n * LANES)],
            idx_buf.at[b, pl.ds(0, n * LANES)], ld[b],
        )
        pltpu.async_copy(
            w_hbm.at[pl.ds(e0 * LANES, n * LANES)],
            w_buf.at[b, pl.ds(0, n * LANES)], ld[b],
        )

    def _drain_load(b, n):
        pltpu.make_async_copy(
            ei_hbm.at[1, pl.ds(0, n * LANES)],
            idx_buf.at[b, pl.ds(0, n * LANES)], ld[b],
        ).wait()
        pltpu.make_async_copy(
            w_hbm.at[pl.ds(0, n * LANES)],
            w_buf.at[b, pl.ds(0, n * LANES)], ld[b],
        ).wait()

    def _scatter_rows(b, nrows):
        def _grp(i):
            sl = pl.ds(i * 16, 16)
            idx16 = idx_buf[b, sl]
            hi = lax.shift_right_logical(idx16, 7)
            lo = jnp.bitwise_and(idx16, 127)
            plsc.addupdate_scatter(hist, [hi, lo], w_buf[b, sl])

        plsc.parallel_loop(0, nrows * (LANES // 16), unroll=16)(_grp)

    _load(base, 0, K)

    z16 = jnp.zeros((16,), jnp.float32)

    def _zero(i):
        hist[lax.shift_right_logical(i, 3),
             pl.ds(jnp.bitwise_and(i, 7) * 16, 16)] = z16

    plsc.parallel_loop(0, HR * (HC // 16), unroll=8)(_zero)

    def _pair(gg, _):
        for b in range(2):
            g = gg * 2 + b

            @pl.when(g + 1 < FULL // K)
            def _():
                _load(base + (g + 1) * K, 1 - b, K)

            _drain_load(b, K)
            _scatter_rows(b, K)
        return 0

    lax.fori_loop(0, NPAIRS, _pair, 0)

    @pl.when(tid < 21)
    def _():
        _load(base + FULL, 0, EXTRA)
        _drain_load(0, EXTRA)
        _scatter_rows(0, EXTRA)

    @pl.when(tid >= 21)
    def _():
        _load(base + FULL, 1, TAIL)
        _drain_load(1, TAIL)
        _scatter_rows(1, TAIL)

    pltpu.sync_copy(hist, hist_hbm.at[tid])


def _finalize_tc(p_ref, inv_ref, rs_ref):
    p = jnp.sum(p_ref[...], axis=0)
    inv = 1.0 / (p + 1e-8)
    inv_ref[...] = inv
    rs_ref[...] = p * inv


_finalize = pl.pallas_call(
    _finalize_tc,
    out_shape=[
        jax.ShapeDtypeStruct((HR, HC), jnp.float32),
        jax.ShapeDtypeStruct((HR, HC), jnp.float32),
    ],
)


@functools.partial(
    pl.kernel,
    out_type=jax.ShapeDtypeStruct((N_EDGES,), jnp.float32),
    mesh=_mesh,
    compiler_params=pltpu.CompilerParams(needs_layout_passes=False),
    scratch_types=[
        pltpu.VMEM((HR, HC), jnp.float32),
        pltpu.VMEM((2, CE), jnp.int32),
        pltpu.VMEM((2, CE), jnp.float32),
        pltpu.VMEM((2, CE), jnp.float32),
        pltpu.SemaphoreType.DMA,
        pltpu.SemaphoreType.DMA,
        pltpu.SemaphoreType.DMA,
        pltpu.SemaphoreType.DMA,
    ],
)
def _gather_mul_sc(
    ei_hbm, w_hbm, inv_hbm, wn_hbm,
    inv_vmem, idx_buf, w_buf, out_buf, ld0, ld1, st0, st1,
):
    c = lax.axis_index("c")
    s = lax.axis_index("s")
    tid = c * NS + s
    ld = (ld0, ld1)
    st = (st0, st1)

    bcps = [
        pltpu.async_copy(
            inv_hbm.at[pl.ds(q * (HR // 4), HR // 4)],
            inv_vmem.at[pl.ds(q * (HR // 4), HR // 4)], st0,
        )
        for q in range(4)
    ]
    base = tid * 776 + 8 * jnp.minimum(tid, 21)

    def _load(e0, b, n):
        pltpu.async_copy(
            ei_hbm.at[1, pl.ds(e0 * LANES, n * LANES)],
            idx_buf.at[b, pl.ds(0, n * LANES)], ld[b],
        )
        pltpu.async_copy(
            w_hbm.at[pl.ds(e0 * LANES, n * LANES)],
            w_buf.at[b, pl.ds(0, n * LANES)], ld[b],
        )

    def _drain_load(b, n):
        pltpu.make_async_copy(
            ei_hbm.at[1, pl.ds(0, n * LANES)],
            idx_buf.at[b, pl.ds(0, n * LANES)], ld[b],
        ).wait()
        pltpu.make_async_copy(
            w_hbm.at[pl.ds(0, n * LANES)],
            w_buf.at[b, pl.ds(0, n * LANES)], ld[b],
        ).wait()

    def _gather_rows(b, nrows):
        def _grp(i):
            sl = pl.ds(i * 16, 16)
            idx16 = idx_buf[b, sl]
            hi = lax.shift_right_logical(idx16, 7)
            lo = jnp.bitwise_and(idx16, 127)
            g16 = plsc.load_gather(inv_vmem, [hi, lo])
            out_buf[b, sl] = w_buf[b, sl] * g16

        plsc.parallel_loop(0, nrows * (LANES // 16), unroll=16)(_grp)

    _load(base, 0, K)
    for bcp in bcps:
        bcp.wait()

    def _pair(gg, _):
        for b in range(2):
            g = gg * 2 + b

            @pl.when(g + 1 < FULL // K)
            def _():
                _load(base + (g + 1) * K, 1 - b, K)

            _drain_load(b, K)

            @pl.when(gg >= 1)
            def _():
                pltpu.make_async_copy(
                    out_buf.at[b], wn_hbm.at[pl.ds(0, CE)], st[b]
                ).wait()

            _gather_rows(b, K)
            pltpu.async_copy(
                out_buf.at[b], wn_hbm.at[pl.ds((base + g * K) * LANES, CE)], st[b]
            )
        return 0

    lax.fori_loop(0, NPAIRS, _pair, 0)
    pltpu.make_async_copy(out_buf.at[0], wn_hbm.at[pl.ds(0, CE)], st[0]).wait()
    pltpu.make_async_copy(out_buf.at[1], wn_hbm.at[pl.ds(0, CE)], st[1]).wait()

    @pl.when(tid < 21)
    def _():
        _load(base + FULL, 0, EXTRA)
        _drain_load(0, EXTRA)
        _gather_rows(0, EXTRA)
        pltpu.sync_copy(
            out_buf.at[0, pl.ds(0, EXTRA * LANES)],
            wn_hbm.at[pl.ds((base + FULL) * LANES, EXTRA * LANES)],
        )

    @pl.when(tid >= 21)
    def _():
        _load(base + FULL, 1, TAIL)
        _drain_load(1, TAIL)
        _gather_rows(1, TAIL)
        pltpu.sync_copy(
            out_buf.at[1, pl.ds(0, TAIL * LANES)],
            wn_hbm.at[pl.ds((base + FULL) * LANES, TAIL * LANES)],
        )


def kernel(edge_index, weights):
    partial = _segment_sum_sc(edge_index, weights)
    inv_norm, row_sums = _finalize(partial)
    wn = _gather_mul_sc(edge_index, weights, inv_norm)
    return wn, row_sums.reshape(-1)[:N_ROWS]

# --- scband reference (transcript-rebuilt; emitter-appended) ---
"""Pipeline reference for scband-projection-graph-provider-21036749816203 (READ-ONLY COPY).

The authoritative reference and input builder live on the scoring server;
editing this copy changes nothing except your own understanding.
"""

import jax, jax.numpy as jnp
import numpy as np

SRC_SIZE = 100000  # num dst nodes in the HeteroData graph -> rows of projection matrix
DST_SIZE = 100000  # num src nodes -> cols of projection matrix
N_EDGES = 3200000


def setup_inputs(seed: int = 0) -> dict:
    key = jax.random.key(seed)
    k1, k2 = jax.random.split(key)
    # edge_index follows PyG convention: row 0 = src nodes, row 1 = dst nodes
    edge_index = jax.random.randint(k1, (2, N_EDGES), 0, SRC_SIZE, dtype=jnp.int32)
    # edge weights (what the module reads from edge_weight_attribute, or ones)
    weights = jax.random.uniform(k2, (N_EDGES,), dtype=jnp.float32)
    return {"edge_index": edge_index, "weights": weights}


def reference(edge_index, weights):
    # _build_from_graph: edge_index_for_coo = stack([edge_index[1], edge_index[0]])
    # so the COO row index is the destination node, col index is the source node.
    rows = edge_index[1]
    cols = edge_index[0]
    # _row_normalize_weights: scatter_add weights per row, then divide
    norm = jax.ops.segment_sum(weights, rows, num_segments=SRC_SIZE)
    w_norm = weights / (norm[rows] + 1e-08)
    # _create_matrix sanity check: row sums via scatter_add (computed in torch forward)
    row_sums = jnp.zeros((SRC_SIZE,), dtype=jnp.float32).at[rows].add(w_norm)
    # get_edges returns the sparse projection matrix; we return its COO components
    # (indices are constants, values are the normalized weights) plus the row sums.
    return w_norm, row_sums

if __name__ == "__main__":
    import jax
    _d = setup_inputs()
    print(jax.jit(kernel)(*tuple(_d.values())))

</pallas_src>

<mosaic_0001>
#map = affine_map<(d0, d1) -> (0, 0)>
#map1 = affine_map<(d0, d1) -> (0)>
#map2 = affine_map<(d0, d1) -> (0, 0, 0)>
module attributes {stable_mosaic.version = 14 : i64} {
  func.func @_segment_sum_sc(%arg0: i32, %arg1: i32, %arg2: memref<2x3200000xi32, #tpu.memory_space<hbm>>, %arg3: memref<3200000xf32, #tpu.memory_space<hbm>>, %arg4: memref<32x800x128xf32, #tpu.memory_space<hbm>>, %arg5: memref<800x128xf32, #tpu.memory_space<vmem>>, %arg6: memref<2x4096xi32, #tpu.memory_space<vmem>>, %arg7: memref<2x4096xf32, #tpu.memory_space<vmem>>, %arg8: memref<!tpu.dma_semaphore, #tpu.memory_space<semaphore_mem>>, %arg9: memref<!tpu.dma_semaphore, #tpu.memory_space<semaphore_mem>>) attributes {dimension_semantics = [#tpu.dimension_semantics<core_parallel>, #tpu.dimension_semantics<subcore_parallel>], iteration_bounds = array<i64: 2, 16>, scalar_prefetch = 0 : i64, scratch_operands = 5 : i64, tpu.core_type = #tpu.core_type<sc_vector_subcore>, window_params = [{transform_indices = #map}, {transform_indices = #map1}, {transform_indices = #map2}]} {
    %mul3A = arith.constant 16 : i32
    %mul3A_0 = arith.muli %arg0, %mul3A : i32
    %add3A = arith.addi %mul3A_0, %arg1 : i32
    %mul3A_1 = arith.constant 776 : i32
    %mul3A_2 = arith.muli %add3A, %mul3A_1 : i32
    %min3A = arith.constant 21 : i32
    %min3A_3 = arith.minsi %add3A, %min3A : i32
    %mul3A_4 = arith.constant 8 : i32
    %mul3A_5 = arith.muli %mul3A_4, %min3A_3 : i32
    %add3A_6 = arith.addi %mul3A_2, %mul3A_5 : i32
    %mul3A_7 = arith.constant 128 : i32
    %mul3A_8 = arith.muli %add3A_6, %mul3A_7 : i32
    %dma_start3A = arith.constant 1 : i32
    %dma_start3A_9 = arith.constant 0 : i32
    %dma_start3A_10 = arith.constant 0 : i32
    %dma_start3A_11 = tpu.memref_slice %arg6[%dma_start3A_9, %dma_start3A_10] : memref<2x4096xi32, #tpu.memory_space<vmem>> -> memref<1x4096xi32, #tpu.memory_space<vmem>>
    %dma_start3A_12 = tpu.memref_squeeze %dma_start3A_11 : memref<1x4096xi32, #tpu.memory_space<vmem>> -> memref<4096xi32, #tpu.memory_space<vmem>>
    %dma_start3A_13 = tpu.memref_slice %arg2[%dma_start3A, %mul3A_8] : memref<2x3200000xi32, #tpu.memory_space<hbm>> -> memref<1x4096xi32, #tpu.memory_space<hbm>>
    %dma_start3A_14 = tpu.memref_squeeze %dma_start3A_13 : memref<1x4096xi32, #tpu.memory_space<hbm>> -> memref<4096xi32, #tpu.memory_space<hbm>>
    %dma_start3A_15 = arith.constant 0 : i32
    %dma_start3A_16 = tpu.memref_slice %arg6[%dma_start3A_9, %dma_start3A_15] : memref<2x4096xi32, #tpu.memory_space<vmem>> -> memref<1x4096xi32, #tpu.memory_space<vmem>>
    %dma_start3A_17 = tpu.memref_squeeze %dma_start3A_16 : memref<1x4096xi32, #tpu.memory_space<vmem>> -> memref<4096xi32, #tpu.memory_space<vmem>>
    %dma_start3A_18 = tpu.memref_slice %arg2[%dma_start3A, %mul3A_8] : memref<2x3200000xi32, #tpu.memory_space<hbm>> -> memref<1x4096xi32, #tpu.memory_space<hbm>>
    %dma_start3A_19 = tpu.memref_squeeze %dma_start3A_18 : memref<1x4096xi32, #tpu.memory_space<hbm>> -> memref<4096xi32, #tpu.memory_space<hbm>>
    tpu.enqueue_dma source(%dma_start3A_19 : memref<4096xi32, #tpu.memory_space<hbm>>) target(%dma_start3A_17 : memref<4096xi32, #tpu.memory_space<vmem>>) target_semaphore(%arg8 : memref<!tpu.dma_semaphore, #tpu.memory_space<semaphore_mem>>)
    %mul3A_20 = arith.constant 128 : i32
    %mul3A_21 = arith.muli %add3A_6, %mul3A_20 : i32
    %dma_start3A_22 = arith.constant 0 : i32
    %dma_start3A_23 = arith.constant 0 : i32
    %dma_start3A_24 = tpu.memref_slice %arg7[%dma_start3A_22, %dma_start3A_23] : memref<2x4096xf32, #tpu.memory_space<vmem>> -> memref<1x4096xf32, #tpu.memory_space<vmem>>
    %dma_start3A_25 = tpu.memref_squeeze %dma_start3A_24 : memref<1x4096xf32, #tpu.memory_space<vmem>> -> memref<4096xf32, #tpu.memory_space<vmem>>
    %dma_start3A_26 = tpu.memref_slice %arg3[%mul3A_21] : memref<3200000xf32, #tpu.memory_space<hbm>> -> memref<4096xf32, #tpu.memory_space<hbm>>
    %dma_start3A_27 = arith.constant 0 : i32
    %dma_start3A_28 = tpu.memref_slice %arg7[%dma_start3A_22, %dma_start3A_27] : memref<2x4096xf32, #tpu.memory_space<vmem>> -> memref<1x4096xf32, #tpu.memory_space<vmem>>
    %dma_start3A_29 = tpu.memref_squeeze %dma_start3A_28 : memref<1x4096xf32, #tpu.memory_space<vmem>> -> memref<4096xf32, #tpu.memory_space<vmem>>
    %dma_start3A_30 = tpu.memref_slice %arg3[%mul3A_21] : memref<3200000xf32, #tpu.memory_space<hbm>> -> memref<4096xf32, #tpu.memory_space<hbm>>
    tpu.enqueue_dma source(%dma_start3A_30 : memref<4096xf32, #tpu.memory_space<hbm>>) target(%dma_start3A_29 : memref<4096xf32, #tpu.memory_space<vmem>>) target_semaphore(%arg8 : memref<!tpu.dma_semaphore, #tpu.memory_space<semaphore_mem>>)
    %broadcast_in_dim3A = arith.constant 0.000000e+00 : f32
    %broadcast_in_dim3A_31 = vector.broadcast %broadcast_in_dim3A : f32 to vector<16xf32>
    %parallel_loop3A = arith.constant 0 : i32
    %parallel_loop3A_32 = arith.constant 6400 : i32
    %parallel_loop3A_33 = arith.constant 1 : i32
    scf.for %parallel_loop3A_46 = %parallel_loop3A to %parallel_loop3A_32 step %parallel_loop3A_33  : i32 {
      %parallel_loop3A_47 = arith.constant 3 : i32
      %parallel_loop3A_48 = arith.shrui %parallel_loop3A_46, %parallel_loop3A_47 : i32
      %parallel_loop3A_49 = arith.constant 7 : i32
      %parallel_loop3A_50 = arith.andi %parallel_loop3A_46, %parallel_loop3A_49 : i32
      %parallel_loop3A_51 = arith.constant 16 : i32
      %parallel_loop3A_52 = arith.muli %parallel_loop3A_50, %parallel_loop3A_51 : i32
      %parallel_loop3A_53 = arith.index_cast %parallel_loop3A_48 : i32 to index
      %parallel_loop3A_54 = arith.index_cast %parallel_loop3A_52 : i32 to index
      %parallel_loop3A_55 = tpu.vector_load %arg5[%parallel_loop3A_53, %parallel_loop3A_54] {strides = array<i32>} : memref<800x128xf32, #tpu.memory_space<vmem>>, vector<16xf32>,
      tpu.vector_store %arg5[%parallel_loop3A_53, %parallel_loop3A_54], %broadcast_in_dim3A_31 {strides = array<i32>} : memref<800x128xf32, #tpu.memory_space<vmem>>, vector<16xf32>,
    } {sc.loop_unroll_factor = 8 : i64, sc.parallel_access}
    %scan3A = arith.constant 0 : i32
    %scan3A_34 = arith.constant 0 : i32
    %scan3A_35 = arith.constant 12 : i32
    %scan3A_36 = arith.addi %scan3A_34, %scan3A_35 : i32
    %scan3A_37 = arith.constant 1 : i32
    %scan3A_38 = scf.for %scan3A_46 = %scan3A_34 to %scan3A_36 step %scan3A_37 iter_args(%scan3A_47 = %scan3A) -> (i32)  : i32 {
      %mul3A_48 = arith.constant 2 : i32
      %mul3A_49 = arith.muli %scan3A_46, %mul3A_48 : i32
      %add3A_50 = arith.constant 0 : i32
      %add3A_51 = arith.addi %mul3A_49, %add3A_50 : i32
      %add3A_52 = arith.constant 1 : i32
      %add3A_53 = arith.addi %add3A_51, %add3A_52 : i32
      %lt3A_54 = arith.constant 24 : i32
      %lt3A_55 = arith.cmpi slt, %add3A_53, %lt3A_54 : i32
      %convert_element_type3A_56 = arith.extui %lt3A_55 : i1 to i32
      %cond3A_57 = arith.constant 0 : i32
      %cond3A_58 = arith.cmpi ne, %convert_element_type3A_56, %cond3A_57 : i32
      scf.if %cond3A_58 {
        %add3A_126 = arith.constant 1 : i32
        %add3A_127 = arith.addi %add3A_51, %add3A_126 : i32
        %mul3A_128 = arith.constant 32 : i32
        %mul3A_129 = arith.muli %add3A_127, %mul3A_128 : i32
        %add3A_130 = arith.addi %add3A_6, %mul3A_129 : i32
        %mul3A_131 = arith.constant 128 : i32
        %mul3A_132 = arith.muli %add3A_130, %mul3A_131 : i32
        %dma_start3A_133 = arith.constant 1 : i32
        %dma_start3A_134 = arith.constant 1 : i32
        %dma_start3A_135 = arith.constant 0 : i32
        %dma_start3A_136 = tpu.memref_slice %arg6[%dma_start3A_134, %dma_start3A_135] : memref<2x4096xi32, #tpu.memory_space<vmem>> -> memref<1x4096xi32, #tpu.memory_space<vmem>>
        %dma_start3A_137 = tpu.memref_squeeze %dma_start3A_136 : memref<1x4096xi32, #tpu.memory_space<vmem>> -> memref<4096xi32, #tpu.memory_space<vmem>>
        %dma_start3A_138 = tpu.memref_slice %arg2[%dma_start3A_133, %mul3A_132] : memref<2x3200000xi32, #tpu.memory_space<hbm>> -> memref<1x4096xi32, #tpu.memory_space<hbm>>
        %dma_start3A_139 = tpu.memref_squeeze %dma_start3A_138 : memref<1x4096xi32, #tpu.memory_space<hbm>> -> memref<4096xi32, #tpu.memory_space<hbm>>
        %dma_start3A_140 = arith.constant 0 : i32
        %dma_start3A_141 = tpu.memref_slice %arg6[%dma_start3A_134, %dma_start3A_140] : memref<2x4096xi32, #tpu.memory_space<vmem>> -> memref<1x4096xi32, #tpu.memory_space<vmem>>
        %dma_start3A_142 = tpu.memref_squeeze %dma_start3A_141 : memref<1x4096xi32, #tpu.memory_space<vmem>> -> memref<4096xi32, #tpu.memory_space<vmem>>
        %dma_start3A_143 = tpu.memref_slice %arg2[%dma_start3A_133, %mul3A_132] : memref<2x3200000xi32, #tpu.memory_space<hbm>> -> memref<1x4096xi32, #tpu.memory_space<hbm>>
        %dma_start3A_144 = tpu.memref_squeeze %dma_start3A_143 : memref<1x4096xi32, #tpu.memory_space<hbm>> -> memref<4096xi32, #tpu.memory_space<hbm>>
        tpu.enqueue_dma source(%dma_start3A_144 : memref<4096xi32, #tpu.memory_space<hbm>>) target(%dma_start3A_142 : memref<4096xi32, #tpu.memory_space<vmem>>) target_semaphore(%arg9 : memref<!tpu.dma_semaphore, #tpu.memory_space<semaphore_mem>>)
        %mul3A_145 = arith.constant 128 : i32
        %mul3A_146 = arith.muli %add3A_130, %mul3A_145 : i32
        %dma_start3A_147 = arith.constant 1 : i32
        %dma_start3A_148 = arith.constant 0 : i32
        %dma_start3A_149 = tpu.memref_slice %arg7[%dma_start3A_147, %dma_start3A_148] : memref<2x4096xf32, #tpu.memory_space<vmem>> -> memref<1x4096xf32, #tpu.memory_space<vmem>>
        %dma_start3A_150 = tpu.memref_squeeze %dma_start3A_149 : memref<1x4096xf32, #tpu.memory_space<vmem>> -> memref<4096xf32, #tpu.memory_space<vmem>>
        %dma_start3A_151 = tpu.memref_slice %arg3[%mul3A_146] : memref<3200000xf32, #tpu.memory_space<hbm>> -> memref<4096xf32, #tpu.memory_space<hbm>>
        %dma_start3A_152 = arith.constant 0 : i32
        %dma_start3A_153 = tpu.memref_slice %arg7[%dma_start3A_147, %dma_start3A_152] : memref<2x4096xf32, #tpu.memory_space<vmem>> -> memref<1x4096xf32, #tpu.memory_space<vmem>>
        %dma_start3A_154 = tpu.memref_squeeze %dma_start3A_153 : memref<1x4096xf32, #tpu.memory_space<vmem>> -> memref<4096xf32, #tpu.memory_space<vmem>>
        %dma_start3A_155 = tpu.memref_slice %arg3[%mul3A_146] : memref<3200000xf32, #tpu.memory_space<hbm>> -> memref<4096xf32, #tpu.memory_space<hbm>>
        tpu.enqueue_dma source(%dma_start3A_155 : memref<4096xf32, #tpu.memory_space<hbm>>) target(%dma_start3A_154 : memref<4096xf32, #tpu.memory_space<vmem>>) target_semaphore(%arg9 : memref<!tpu.dma_semaphore, #tpu.memory_space<semaphore_mem>>)
      } else {
      }
      %dma_wait3A = arith.constant 1 : i32
      %dma_wait3A_59 = arith.constant 0 : i32
      %dma_wait3A_60 = arith.constant 0 : i32
      %dma_wait3A_61 = tpu.memref_slice %arg6[%dma_wait3A_59, %dma_wait3A_60] : memref<2x4096xi32, #tpu.memory_space<vmem>> -> memref<1x4096xi32, #tpu.memory_space<vmem>>
      %dma_wait3A_62 = tpu.memref_squeeze %dma_wait3A_61 : memref<1x4096xi32, #tpu.memory_space<vmem>> -> memref<4096xi32, #tpu.memory_space<vmem>>
      %dma_wait3A_63 = arith.constant 0 : i32
      %dma_wait3A_64 = tpu.memref_slice %arg2[%dma_wait3A, %dma_wait3A_63] : memref<2x3200000xi32, #tpu.memory_space<hbm>> -> memref<1x4096xi32, #tpu.memory_space<hbm>>
      %dma_wait3A_65 = tpu.memref_squeeze %dma_wait3A_64 : memref<1x4096xi32, #tpu.memory_space<hbm>> -> memref<4096xi32, #tpu.memory_space<hbm>>
      %dma_wait3A_66 = arith.constant 0 : i32
      %dma_wait3A_67 = tpu.memref_slice %arg6[%dma_wait3A_59, %dma_wait3A_66] : memref<2x4096xi32, #tpu.memory_space<vmem>> -> memref<1x4096xi32, #tpu.memory_space<vmem>>
      %dma_wait3A_68 = tpu.memref_squeeze %dma_wait3A_67 : memref<1x4096xi32, #tpu.memory_space<vmem>> -> memref<4096xi32, #tpu.memory_space<vmem>>
      %dma_wait3A_69 = arith.constant 0 : i32
      %dma_wait3A_70 = tpu.memref_slice %arg2[%dma_wait3A, %dma_wait3A_69] : memref<2x3200000xi32, #tpu.memory_space<hbm>> -> memref<1x4096xi32, #tpu.memory_space<hbm>>
      %dma_wait3A_71 = tpu.memref_squeeze %dma_wait3A_70 : memref<1x4096xi32, #tpu.memory_space<hbm>> -> memref<4096xi32, #tpu.memory_space<hbm>>
      tpu.wait_dma2 semaphore(%arg8 : memref<!tpu.dma_semaphore, #tpu.memory_space<semaphore_mem>>) src(%dma_wait3A_71 : memref<4096xi32, #tpu.memory_space<hbm>>) dst(%dma_wait3A_68 : memref<4096xi32, #tpu.memory_space<vmem>>)
      %dma_wait3A_72 = arith.constant 0 : i32
      %dma_wait3A_73 = arith.constant 0 : i32
      %dma_wait3A_74 = tpu.memref_slice %arg7[%dma_wait3A_72, %dma_wait3A_73] : memref<2x4096xf32, #tpu.memory_space<vmem>> -> memref<1x4096xf32, #tpu.memory_space<vmem>>
      %dma_wait3A_75 = tpu.memref_squeeze %dma_wait3A_74 : memref<1x4096xf32, #tpu.memory_space<vmem>> -> memref<4096xf32, #tpu.memory_space<vmem>>
      %dma_wait3A_76 = arith.constant 0 : i32
      %dma_wait3A_77 = tpu.memref_slice %arg3[%dma_wait3A_76] : memref<3200000xf32, #tpu.memory_space<hbm>> -> memref<4096xf32, #tpu.memory_space<hbm>>
      %dma_wait3A_78 = arith.constant 0 : i32
      %dma_wait3A_79 = tpu.memref_slice %arg7[%dma_wait3A_72, %dma_wait3A_78] : memref<2x4096xf32, #tpu.memory_space<vmem>> -> memref<1x4096xf32, #tpu.memory_space<vmem>>
      %dma_wait3A_80 = tpu.memref_squeeze %dma_wait3A_79 : memref<1x4096xf32, #tpu.memory_space<vmem>> -> memref<4096xf32, #tpu.memory_space<vmem>>
      %dma_wait3A_81 = arith.constant 0 : i32
      %dma_wait3A_82 = tpu.memref_slice %arg3[%dma_wait3A_81] : memref<3200000xf32, #tpu.memory_space<hbm>> -> memref<4096xf32, #tpu.memory_space<hbm>>
      tpu.wait_dma2 semaphore(%arg8 : memref<!tpu.dma_semaphore, #tpu.memory_space<semaphore_mem>>) src(%dma_wait3A_82 : memref<4096xf32, #tpu.memory_space<hbm>>) dst(%dma_wait3A_80 : memref<4096xf32, #tpu.memory_space<vmem>>)
      %parallel_loop3A_83 = arith.constant 0 : i32
      %parallel_loop3A_84 = arith.constant 256 : i32
      %parallel_loop3A_85 = arith.constant 1 : i32
      scf.for %parallel_loop3A_126 = %parallel_loop3A_83 to %parallel_loop3A_84 step %parallel_loop3A_85  : i32 {
        %parallel_loop3A_127 = arith.constant 16 : i32
        %parallel_loop3A_128 = arith.muli %parallel_loop3A_126, %parallel_loop3A_127 : i32
        %parallel_loop3A_129 = arith.constant 0 : i32
        %parallel_loop3A_130 = arith.index_cast %parallel_loop3A_129 : i32 to index
        %parallel_loop3A_131 = arith.index_cast %parallel_loop3A_128 : i32 to index
        %parallel_loop3A_132 = tpu.vector_load %arg6[%parallel_loop3A_130, %parallel_loop3A_131] {strides = array<i32>} : memref<2x4096xi32, #tpu.memory_space<vmem>>, vector<16xi32>,
        %parallel_loop3A_133 = arith.constant 7 : i32
        %parallel_loop3A_134 = vector.broadcast %parallel_loop3A_133 : i32 to vector<16xi32>
        %parallel_loop3A_135 = arith.shrui %parallel_loop3A_132, %parallel_loop3A_134 : vector<16xi32>
        %parallel_loop3A_136 = arith.constant 127 : i32
        %parallel_loop3A_137 = vector.broadcast %parallel_loop3A_136 : i32 to vector<16xi32>
        %parallel_loop3A_138 = arith.andi %parallel_loop3A_132, %parallel_loop3A_137 : vector<16xi32>
        %parallel_loop3A_139 = arith.constant 0 : i32
        %parallel_loop3A_140 = arith.index_cast %parallel_loop3A_139 : i32 to index
        %parallel_loop3A_141 = arith.index_cast %parallel_loop3A_128 : i32 to index
        %parallel_loop3A_142 = tpu.vector_load %arg7[%parallel_loop3A_140, %parallel_loop3A_141] {strides = array<i32>} : memref<2x4096xf32, #tpu.memory_space<vmem>>, vector<16xf32>,
        tpu.vector_store_idx %arg5[%parallel_loop3A_135, %parallel_loop3A_138], %parallel_loop3A_142 {add = true} : memref<800x128xf32, #tpu.memory_space<vmem>>[vector<16xi32>, vector<16xi32>], vector<16xf32>,
      } {sc.loop_unroll_factor = 16 : i64, sc.parallel_access}
      %mul3A_86 = arith.constant 2 : i32
      %mul3A_87 = arith.muli %scan3A_46, %mul3A_86 : i32
      %add3A_88 = arith.constant 1 : i32
      %add3A_89 = arith.addi %mul3A_87, %add3A_88 : i32
      %add3A_90 = arith.constant 1 : i32
      %add3A_91 = arith.addi %add3A_89, %add3A_90 : i32
      %lt3A_92 = arith.constant 24 : i32
      %lt3A_93 = arith.cmpi slt, %add3A_91, %lt3A_92 : i32
      %convert_element_type3A_94 = arith.extui %lt3A_93 : i1 to i32
      %cond3A_95 = arith.constant 0 : i32
      %cond3A_96 = arith.cmpi ne, %convert_element_type3A_94, %cond3A_95 : i32
      scf.if %cond3A_96 {
        %add3A_126 = arith.constant 1 : i32
        %add3A_127 = arith.addi %add3A_89, %add3A_126 : i32
        %mul3A_128 = arith.constant 32 : i32
        %mul3A_129 = arith.muli %add3A_127, %mul3A_128 : i32
        %add3A_130 = arith.addi %add3A_6, %mul3A_129 : i32
        %mul3A_131 = arith.constant 128 : i32
        %mul3A_132 = arith.muli %add3A_130, %mul3A_131 : i32
        %dma_start3A_133 = arith.constant 1 : i32
        %dma_start3A_134 = arith.constant 0 : i32
        %dma_start3A_135 = arith.constant 0 : i32
        %dma_start3A_136 = tpu.memref_slice %arg6[%dma_start3A_134, %dma_start3A_135] : memref<2x4096xi32, #tpu.memory_space<vmem>> -> memref<1x4096xi32, #tpu.memory_space<vmem>>
        %dma_start3A_137 = tpu.memref_squeeze %dma_start3A_136 : memref<1x4096xi32, #tpu.memory_space<vmem>> -> memref<4096xi32, #tpu.memory_space<vmem>>
        %dma_start3A_138 = tpu.memref_slice %arg2[%dma_start3A_133, %mul3A_132] : memref<2x3200000xi32, #tpu.memory_space<hbm>> -> memref<1x4096xi32, #tpu.memory_space<hbm>>
        %dma_start3A_139 = tpu.memref_squeeze %dma_start3A_138 : memref<1x4096xi32, #tpu.memory_space<hbm>> -> memref<4096xi32, #tpu.memory_space<hbm>>
        %dma_start3A_140 = arith.constant 0 : i32
        %dma_start3A_141 = tpu.memref_slice %arg6[%dma_start3A_134, %dma_start3A_140] : memref<2x4096xi32, #tpu.memory_space<vmem>> -> memref<1x4096xi32, #tpu.memory_space<vmem>>
        %dma_start3A_142 = tpu.memref_squeeze %dma_start3A_141 : memref<1x4096xi32, #tpu.memory_space<vmem>> -> memref<4096xi32, #tpu.memory_space<vmem>>
        %dma_start3A_143 = tpu.memref_slice %arg2[%dma_start3A_133, %mul3A_132] : memref<2x3200000xi32, #tpu.memory_space<hbm>> -> memref<1x4096xi32, #tpu.memory_space<hbm>>
        %dma_start3A_144 = tpu.memref_squeeze %dma_start3A_143 : memref<1x4096xi32, #tpu.memory_space<hbm>> -> memref<4096xi32, #tpu.memory_space<hbm>>
        tpu.enqueue_dma source(%dma_start3A_144 : memref<4096xi32, #tpu.memory_space<hbm>>) target(%dma_start3A_142 : memref<4096xi32, #tpu.memory_space<vmem>>) target_semaphore(%arg8 : memref<!tpu.dma_semaphore, #tpu.memory_space<semaphore_mem>>)
        %mul3A_145 = arith.constant 128 : i32
        %mul3A_146 = arith.muli %add3A_130, %mul3A_145 : i32
        %dma_start3A_147 = arith.constant 0 : i32
        %dma_start3A_148 = arith.constant 0 : i32
        %dma_start3A_149 = tpu.memref_slice %arg7[%dma_start3A_147, %dma_start3A_148] : memref<2x4096xf32, #tpu.memory_space<vmem>> -> memref<1x4096xf32, #tpu.memory_space<vmem>>
        %dma_start3A_150 = tpu.memref_squeeze %dma_start3A_149 : memref<1x4096xf32, #tpu.memory_space<vmem>> -> memref<4096xf32, #tpu.memory_space<vmem>>
        %dma_start3A_151 = tpu.memref_slice %arg3[%mul3A_146] : memref<3200000xf32, #tpu.memory_space<hbm>> -> memref<4096xf32, #tpu.memory_space<hbm>>
        %dma_start3A_152 = arith.constant 0 : i32
        %dma_start3A_153 = tpu.memref_slice %arg7[%dma_start3A_147, %dma_start3A_152] : memref<2x4096xf32, #tpu.memory_space<vmem>> -> memref<1x4096xf32, #tpu.memory_space<vmem>>
        %dma_start3A_154 = tpu.memref_squeeze %dma_start3A_153 : memref<1x4096xf32, #tpu.memory_space<vmem>> -> memref<4096xf32, #tpu.memory_space<vmem>>
        %dma_start3A_155 = tpu.memref_slice %arg3[%mul3A_146] : memref<3200000xf32, #tpu.memory_space<hbm>> -> memref<4096xf32, #tpu.memory_space<hbm>>
        tpu.enqueue_dma source(%dma_start3A_155 : memref<4096xf32, #tpu.memory_space<hbm>>) target(%dma_start3A_154 : memref<4096xf32, #tpu.memory_space<vmem>>) target_semaphore(%arg8 : memref<!tpu.dma_semaphore, #tpu.memory_space<semaphore_mem>>)
      } else {
      }
      %dma_wait3A_97 = arith.constant 1 : i32
      %dma_wait3A_98 = arith.constant 1 : i32
      %dma_wait3A_99 = arith.constant 0 : i32
      %dma_wait3A_100 = tpu.memref_slice %arg6[%dma_wait3A_98, %dma_wait3A_99] : memref<2x4096xi32, #tpu.memory_space<vmem>> -> memref<1x4096xi32, #tpu.memory_space<vmem>>
      %dma_wait3A_101 = tpu.memref_squeeze %dma_wait3A_100 : memref<1x4096xi32, #tpu.memory_space<vmem>> -> memref<4096xi32, #tpu.memory_space<vmem>>
      %dma_wait3A_102 = arith.constant 0 : i32
      %dma_wait3A_103 = tpu.memref_slice %arg2[%dma_wait3A_97, %dma_wait3A_102] : memref<2x3200000xi32, #tpu.memory_space<hbm>> -> memref<1x4096xi32, #tpu.memory_space<hbm>>
      %dma_wait3A_104 = tpu.memref_squeeze %dma_wait3A_103 : memref<1x4096xi32, #tpu.memory_space<hbm>> -> memref<4096xi32, #tpu.memory_space<hbm>>
      %dma_wait3A_105 = arith.constant 0 : i32
      %dma_wait3A_106 = tpu.memref_slice %arg6[%dma_wait3A_98, %dma_wait3A_105] : memref<2x4096xi32, #tpu.memory_space<vmem>> -> memref<1x4096xi32, #tpu.memory_space<vmem>>
      %dma_wait3A_107 = tpu.memref_squeeze %dma_wait3A_106 : memref<1x4096xi32, #tpu.memory_space<vmem>> -> memref<4096xi32, #tpu.memory_space<vmem>>
      %dma_wait3A_108 = arith.constant 0 : i32
      %dma_wait3A_109 = tpu.memref_slice %arg2[%dma_wait3A_97, %dma_wait3A_108] : memref<2x3200000xi32, #tpu.memory_space<hbm>> -> memref<1x4096xi32, #tpu.memory_space<hbm>>
      %dma_wait3A_110 = tpu.memref_squeeze %dma_wait3A_109 : memref<1x4096xi32, #tpu.memory_space<hbm>> -> memref<4096xi32, #tpu.memory_space<hbm>>
      tpu.wait_dma2 semaphore(%arg9 : memref<!tpu.dma_semaphore, #tpu.memory_space<semaphore_mem>>) src(%dma_wait3A_110 : memref<4096xi32, #tpu.memory_space<hbm>>) dst(%dma_wait3A_107 : memref<4096xi32, #tpu.memory_space<vmem>>)
      %dma_wait3A_111 = arith.constant 1 : i32
      %dma_wait3A_112 = arith.constant 0 : i32
      %dma_wait3A_113 = tpu.memref_slice %arg7[%dma_wait3A_111, %dma_wait3A_112] : memref<2x4096xf32, #tpu.memory_space<vmem>> -> memref<1x4096xf32, #tpu.memory_space<vmem>>
      %dma_wait3A_114 = tpu.memref_squeeze %dma_wait3A_113 : memref<1x4096xf32, #tpu.memory_space<vmem>> -> memref<4096xf32, #tpu.memory_space<vmem>>
      %dma_wait3A_115 = arith.constant 0 : i32
      %dma_wait3A_116 = tpu.memref_slice %arg3[%dma_wait3A_115] : memref<3200000xf32, #tpu.memory_space<hbm>> -> memref<4096xf32, #tpu.memory_space<hbm>>
      %dma_wait3A_117 = arith.constant 0 : i32
      %dma_wait3A_118 = tpu.memref_slice %arg7[%dma_wait3A_111, %dma_wait3A_117] : memref<2x4096xf32, #tpu.memory_space<vmem>> -> memref<1x4096xf32, #tpu.memory_space<vmem>>
      %dma_wait3A_119 = tpu.memref_squeeze %dma_wait3A_118 : memref<1x4096xf32, #tpu.memory_space<vmem>> -> memref<4096xf32, #tpu.memory_space<vmem>>
      %dma_wait3A_120 = arith.constant 0 : i32
      %dma_wait3A_121 = tpu.memref_slice %arg3[%dma_wait3A_120] : memref<3200000xf32, #tpu.memory_space<hbm>> -> memref<4096xf32, #tpu.memory_space<hbm>>
      tpu.wait_dma2 semaphore(%arg9 : memref<!tpu.dma_semaphore, #tpu.memory_space<semaphore_mem>>) src(%dma_wait3A_121 : memref<4096xf32, #tpu.memory_space<hbm>>) dst(%dma_wait3A_119 : memref<4096xf32, #tpu.memory_space<vmem>>)
      %parallel_loop3A_122 = arith.constant 0 : i32
      %parallel_loop3A_123 = arith.constant 256 : i32
      %parallel_loop3A_124 = arith.constant 1 : i32
      scf.for %parallel_loop3A_126 = %parallel_loop3A_122 to %parallel_loop3A_123 step %parallel_loop3A_124  : i32 {
        %parallel_loop3A_127 = arith.constant 16 : i32
        %parallel_loop3A_128 = arith.muli %parallel_loop3A_126, %parallel_loop3A_127 : i32
        %parallel_loop3A_129 = arith.constant 1 : i32
        %parallel_loop3A_130 = arith.index_cast %parallel_loop3A_129 : i32 to index
        %parallel_loop3A_131 = arith.index_cast %parallel_loop3A_128 : i32 to index
        %parallel_loop3A_132 = tpu.vector_load %arg6[%parallel_loop3A_130, %parallel_loop3A_131] {strides = array<i32>} : memref<2x4096xi32, #tpu.memory_space<vmem>>, vector<16xi32>,
        %parallel_loop3A_133 = arith.constant 7 : i32
        %parallel_loop3A_134 = vector.broadcast %parallel_loop3A_133 : i32 to vector<16xi32>
        %parallel_loop3A_135 = arith.shrui %parallel_loop3A_132, %parallel_loop3A_134 : vector<16xi32>
        %parallel_loop3A_136 = arith.constant 127 : i32
        %parallel_loop3A_137 = vector.broadcast %parallel_loop3A_136 : i32 to vector<16xi32>
        %parallel_loop3A_138 = arith.andi %parallel_loop3A_132, %parallel_loop3A_137 : vector<16xi32>
        %parallel_loop3A_139 = arith.constant 1 : i32
        %parallel_loop3A_140 = arith.index_cast %parallel_loop3A_139 : i32 to index
        %parallel_loop3A_141 = arith.index_cast %parallel_loop3A_128 : i32 to index
        %parallel_loop3A_142 = tpu.vector_load %arg7[%parallel_loop3A_140, %parallel_loop3A_141] {strides = array<i32>} : memref<2x4096xf32, #tpu.memory_space<vmem>>, vector<16xf32>,
        tpu.vector_store_idx %arg5[%parallel_loop3A_135, %parallel_loop3A_138], %parallel_loop3A_142 {add = true} : memref<800x128xf32, #tpu.memory_space<vmem>>[vector<16xi32>, vector<16xi32>], vector<16xf32>,
      } {sc.loop_unroll_factor = 16 : i64, sc.parallel_access}
      %scan3A_125 = arith.constant 0 : i32
      scf.yield %scan3A_125 : i32
    }
    %scan3A_39 = arith.constant 12 : i32
    %lt3A = arith.constant 21 : i32
    %lt3A_40 = arith.cmpi slt, %add3A, %lt3A : i32
    %convert_element_type3A = arith.extui %lt3A_40 : i1 to i32
    %cond3A = arith.constant 0 : i32
    %cond3A_41 = arith.cmpi ne, %convert_element_type3A, %cond3A : i32
    scf.if %cond3A_41 {
      %add3A_46 = arith.constant 768 : i32
      %add3A_47 = arith.addi %add3A_6, %add3A_46 : i32
      %mul3A_48 = arith.constant 128 : i32
      %mul3A_49 = arith.muli %add3A_47, %mul3A_48 : i32
      %dma_start3A_50 = arith.constant 1 : i32
      %dma_start3A_51 = arith.constant 0 : i32
      %dma_start3A_52 = arith.constant 0 : i32
      %dma_start3A_53 = tpu.memref_slice %arg6[%dma_start3A_51, %dma_start3A_52] : memref<2x4096xi32, #tpu.memory_space<vmem>> -> memref<1x2048xi32, #tpu.memory_space<vmem>>
      %dma_start3A_54 = tpu.memref_squeeze %dma_start3A_53 : memref<1x2048xi32, #tpu.memory_space<vmem>> -> memref<2048xi32, #tpu.memory_space<vmem>>
      %dma_start3A_55 = tpu.memref_slice %arg2[%dma_start3A_50, %mul3A_49] : memref<2x3200000xi32, #tpu.memory_space<hbm>> -> memref<1x2048xi32, #tpu.memory_space<hbm>>
      %dma_start3A_56 = tpu.memref_squeeze %dma_start3A_55 : memref<1x2048xi32, #tpu.memory_space<hbm>> -> memref<2048xi32, #tpu.memory_space<hbm>>
      %dma_start3A_57 = arith.constant 0 : i32
      %dma_start3A_58 = tpu.memref_slice %arg6[%dma_start3A_51, %dma_start3A_57] : memref<2x4096xi32, #tpu.memory_space<vmem>> -> memref<1x2048xi32, #tpu.memory_space<vmem>>
      %dma_start3A_59 = tpu.memref_squeeze %dma_start3A_58 : memref<1x2048xi32, #tpu.memory_space<vmem>> -> memref<2048xi32, #tpu.memory_space<vmem>>
      %dma_start3A_60 = tpu.memref_slice %arg2[%dma_start3A_50, %mul3A_49] : memref<2x3200000xi32, #tpu.memory_space<hbm>> -> memref<1x2048xi32, #tpu.memory_space<hbm>>
      %dma_start3A_61 = tpu.memref_squeeze %dma_start3A_60 : memref<1x2048xi32, #tpu.memory_space<hbm>> -> memref<2048xi32, #tpu.memory_space<hbm>>
      tpu.enqueue_dma source(%dma_start3A_61 : memref<2048xi32, #tpu.memory_space<hbm>>) target(%dma_start3A_59 : memref<2048xi32, #tpu.memory_space<vmem>>) target_semaphore(%arg8 : memref<!tpu.dma_semaphore, #tpu.memory_space<semaphore_mem>>)
      %mul3A_62 = arith.constant 128 : i32
      %mul3A_63 = arith.muli %add3A_47, %mul3A_62 : i32
      %dma_start3A_64 = arith.constant 0 : i32
      %dma_start3A_65 = arith.constant 0 : i32
      %dma_start3A_66 = tpu.memref_slice %arg7[%dma_start3A_64, %dma_start3A_65] : memref<2x4096xf32, #tpu.memory_space<vmem>> -> memref<1x2048xf32, #tpu.memory_space<vmem>>
      %dma_start3A_67 = tpu.memref_squeeze %dma_start3A_66 : memref<1x2048xf32, #tpu.memory_space<vmem>> -> memref<2048xf32, #tpu.memory_space<vmem>>
      %dma_start3A_68 = tpu.memref_slice %arg3[%mul3A_63] : memref<3200000xf32, #tpu.memory_space<hbm>> -> memref<2048xf32, #tpu.memory_space<hbm>>
      %dma_start3A_69 = arith.constant 0 : i32
      %dma_start3A_70 = tpu.memref_slice %arg7[%dma_start3A_64, %dma_start3A_69] : memref<2x4096xf32, #tpu.memory_space<vmem>> -> memref<1x2048xf32, #tpu.memory_space<vmem>>
      %dma_start3A_71 = tpu.memref_squeeze %dma_start3A_70 : memref<1x2048xf32, #tpu.memory_space<vmem>> -> memref<2048xf32, #tpu.memory_space<vmem>>
      %dma_start3A_72 = tpu.memref_slice %arg3[%mul3A_63] : memref<3200000xf32, #tpu.memory_space<hbm>> -> memref<2048xf32, #tpu.memory_space<hbm>>
      tpu.enqueue_dma source(%dma_start3A_72 : memref<2048xf32, #tpu.memory_space<hbm>>) target(%dma_start3A_71 : memref<2048xf32, #tpu.memory_space<vmem>>) target_semaphore(%arg8 : memref<!tpu.dma_semaphore, #tpu.memory_space<semaphore_mem>>)
      %dma_wait3A = arith.constant 1 : i32
      %dma_wait3A_73 = arith.constant 0 : i32
      %dma_wait3A_74 = arith.constant 0 : i32
      %dma_wait3A_75 = tpu.memref_slice %arg6[%dma_wait3A_73, %dma_wait3A_74] : memref<2x4096xi32, #tpu.memory_space<vmem>> -> memref<1x2048xi32, #tpu.memory_space<vmem>>
      %dma_wait3A_76 = tpu.memref_squeeze %dma_wait3A_75 : memref<1x2048xi32, #tpu.memory_space<vmem>> -> memref<2048xi32, #tpu.memory_space<vmem>>
      %dma_wait3A_77 = arith.constant 0 : i32
      %dma_wait3A_78 = tpu.memref_slice %arg2[%dma_wait3A, %dma_wait3A_77] : memref<2x3200000xi32, #tpu.memory_space<hbm>> -> memref<1x2048xi32, #tpu.memory_space<hbm>>
      %dma_wait3A_79 = tpu.memref_squeeze %dma_wait3A_78 : memref<1x2048xi32, #tpu.memory_space<hbm>> -> memref<2048xi32, #tpu.memory_space<hbm>>
      %dma_wait3A_80 = arith.constant 0 : i32
      %dma_wait3A_81 = tpu.memref_slice %arg6[%dma_wait3A_73, %dma_wait3A_80] : memref<2x4096xi32, #tpu.memory_space<vmem>> -> memref<1x2048xi32, #tpu.memory_space<vmem>>
      %dma_wait3A_82 = tpu.memref_squeeze %dma_wait3A_81 : memref<1x2048xi32, #tpu.memory_space<vmem>> -> memref<2048xi32, #tpu.memory_space<vmem>>
      %dma_wait3A_83 = arith.constant 0 : i32
      %dma_wait3A_84 = tpu.memref_slice %arg2[%dma_wait3A, %dma_wait3A_83] : memref<2x3200000xi32, #tpu.memory_space<hbm>> -> memref<1x2048xi32, #tpu.memory_space<hbm>>
      %dma_wait3A_85 = tpu.memref_squeeze %dma_wait3A_84 : memref<1x2048xi32, #tpu.memory_space<hbm>> -> memref<2048xi32, #tpu.memory_space<hbm>>
      tpu.wait_dma2 semaphore(%arg8 : memref<!tpu.dma_semaphore, #tpu.memory_space<semaphore_mem>>) src(%dma_wait3A_85 : memref<2048xi32, #tpu.memory_space<hbm>>) dst(%dma_wait3A_82 : memref<2048xi32, #tpu.memory_space<vmem>>)
      %dma_wait3A_86 = arith.constant 0 : i32
      %dma_wait3A_87 = arith.constant 0 : i32
      %dma_wait3A_88 = tpu.memref_slice %arg7[%dma_wait3A_86, %dma_wait3A_87] : memref<2x4096xf32, #tpu.memory_space<vmem>> -> memref<1x2048xf32, #tpu.memory_space<vmem>>
      %dma_wait3A_89 = tpu.memref_squeeze %dma_wait3A_88 : memref<1x2048xf32, #tpu.memory_space<vmem>> -> memref<2048xf32, #tpu.memory_space<vmem>>
      %dma_wait3A_90 = arith.constant 0 : i32
      %dma_wait3A_91 = tpu.memref_slice %arg3[%dma_wait3A_90] : memref<3200000xf32, #tpu.memory_space<hbm>> -> memref<2048xf32, #tpu.memory_space<hbm>>
      %dma_wait3A_92 = arith.constant 0 : i32
      %dma_wait3A_93 = tpu.memref_slice %arg7[%dma_wait3A_86, %dma_wait3A_92] : memref<2x4096xf32, #tpu.memory_space<vmem>> -> memref<1x2048xf32, #tpu.memory_space<vmem>>
      %dma_wait3A_94 = tpu.memref_squeeze %dma_wait3A_93 : memref<1x2048xf32, #tpu.memory_space<vmem>> -> memref<2048xf32, #tpu.memory_space<vmem>>
      %dma_wait3A_95 = arith.constant 0 : i32
      %dma_wait3A_96 = tpu.memref_slice %arg3[%dma_wait3A_95] : memref<3200000xf32, #tpu.memory_space<hbm>> -> memref<2048xf32, #tpu.memory_space<hbm>>
      tpu.wait_dma2 semaphore(%arg8 : memref<!tpu.dma_semaphore, #tpu.memory_space<semaphore_mem>>) src(%dma_wait3A_96 : memref<2048xf32, #tpu.memory_space<hbm>>) dst(%dma_wait3A_94 : memref<2048xf32, #tpu.memory_space<vmem>>)
      %parallel_loop3A_97 = arith.constant 0 : i32
      %parallel_loop3A_98 = arith.constant 128 : i32
      %parallel_loop3A_99 = arith.constant 1 : i32
      scf.for %parallel_loop3A_100 = %parallel_loop3A_97 to %parallel_loop3A_98 step %parallel_loop3A_99  : i32 {
        %parallel_loop3A_101 = arith.constant 16 : i32
        %parallel_loop3A_102 = arith.muli %parallel_loop3A_100, %parallel_loop3A_101 : i32
        %parallel_loop3A_103 = arith.constant 0 : i32
        %parallel_loop3A_104 = arith.index_cast %parallel_loop3A_103 : i32 to index
        %parallel_loop3A_105 = arith.index_cast %parallel_loop3A_102 : i32 to index
        %parallel_loop3A_106 = tpu.vector_load %arg6[%parallel_loop3A_104, %parallel_loop3A_105] {strides = array<i32>} : memref<2x4096xi32, #tpu.memory_space<vmem>>, vector<16xi32>,
        %parallel_loop3A_107 = arith.constant 7 : i32
        %parallel_loop3A_108 = vector.broadcast %parallel_loop3A_107 : i32 to vector<16xi32>
        %parallel_loop3A_109 = arith.shrui %parallel_loop3A_106, %parallel_loop3A_108 : vector<16xi32>
        %parallel_loop3A_110 = arith.constant 127 : i32
        %parallel_loop3A_111 = vector.broadcast %parallel_loop3A_110 : i32 to vector<16xi32>
        %parallel_loop3A_112 = arith.andi %parallel_loop3A_106, %parallel_loop3A_111 : vector<16xi32>
        %parallel_loop3A_113 = arith.constant 0 : i32
        %parallel_loop3A_114 = arith.index_cast %parallel_loop3A_113 : i32 to index
        %parallel_loop3A_115 = arith.index_cast %parallel_loop3A_102 : i32 to index
        %parallel_loop3A_116 = tpu.vector_load %arg7[%parallel_loop3A_114, %parallel_loop3A_115] {strides = array<i32>} : memref<2x4096xf32, #tpu.memory_space<vmem>>, vector<16xf32>,
        tpu.vector_store_idx %arg5[%parallel_loop3A_109, %parallel_loop3A_112], %parallel_loop3A_116 {add = true} : memref<800x128xf32, #tpu.memory_space<vmem>>[vector<16xi32>, vector<16xi32>], vector<16xf32>,
      } {sc.loop_unroll_factor = 16 : i64, sc.parallel_access}
    } else {
    }
    %ge3A = arith.constant 21 : i32
    %ge3A_42 = arith.cmpi sge, %add3A, %ge3A : i32
    %convert_element_type3A_43 = arith.extui %ge3A_42 : i1 to i32
    %cond3A_44 = arith.constant 0 : i32
    %cond3A_45 = arith.cmpi ne, %convert_element_type3A_43, %cond3A_44 : i32
    scf.if %cond3A_45 {
      %add3A_46 = arith.constant 768 : i32
      %add3A_47 = arith.addi %add3A_6, %add3A_46 : i32
      %mul3A_48 = arith.constant 128 : i32
      %mul3A_49 = arith.muli %add3A_47, %mul3A_48 : i32
      %dma_start3A_50 = arith.constant 1 : i32
      %dma_start3A_51 = arith.constant 1 : i32
      %dma_start3A_52 = arith.constant 0 : i32
      %dma_start3A_53 = tpu.memref_slice %arg6[%dma_start3A_51, %dma_start3A_52] : memref<2x4096xi32, #tpu.memory_space<vmem>> -> memref<1x1024xi32, #tpu.memory_space<vmem>>
      %dma_start3A_54 = tpu.memref_squeeze %dma_start3A_53 : memref<1x1024xi32, #tpu.memory_space<vmem>> -> memref<1024xi32, #tpu.memory_space<vmem>>
      %dma_start3A_55 = tpu.memref_slice %arg2[%dma_start3A_50, %mul3A_49] : memref<2x3200000xi32, #tpu.memory_space<hbm>> -> memref<1x1024xi32, #tpu.memory_space<hbm>>
      %dma_start3A_56 = tpu.memref_squeeze %dma_start3A_55 : memref<1x1024xi32, #tpu.memory_space<hbm>> -> memref<1024xi32, #tpu.memory_space<hbm>>
      %dma_start3A_57 = arith.constant 0 : i32
      %dma_start3A_58 = tpu.memref_slice %arg6[%dma_start3A_51, %dma_start3A_57] : memref<2x4096xi32, #tpu.memory_space<vmem>> -> memref<1x1024xi32, #tpu.memory_space<vmem>>
      %dma_start3A_59 = tpu.memref_squeeze %dma_start3A_58 : memref<1x1024xi32, #tpu.memory_space<vmem>> -> memref<1024xi32, #tpu.memory_space<vmem>>
      %dma_start3A_60 = tpu.memref_slice %arg2[%dma_start3A_50, %mul3A_49] : memref<2x3200000xi32, #tpu.memory_space<hbm>> -> memref<1x1024xi32, #tpu.memory_space<hbm>>
      %dma_start3A_61 = tpu.memref_squeeze %dma_start3A_60 : memref<1x1024xi32, #tpu.memory_space<hbm>> -> memref<1024xi32, #tpu.memory_space<hbm>>
      tpu.enqueue_dma source(%dma_start3A_61 : memref<1024xi32, #tpu.memory_space<hbm>>) target(%dma_start3A_59 : memref<1024xi32, #tpu.memory_space<vmem>>) target_semaphore(%arg9 : memref<!tpu.dma_semaphore, #tpu.memory_space<semaphore_mem>>)
      %mul3A_62 = arith.constant 128 : i32
      %mul3A_63 = arith.muli %add3A_47, %mul3A_62 : i32
      %dma_start3A_64 = arith.constant 1 : i32
      %dma_start3A_65 = arith.constant 0 : i32
      %dma_start3A_66 = tpu.memref_slice %arg7[%dma_start3A_64, %dma_start3A_65] : memref<2x4096xf32, #tpu.memory_space<vmem>> -> memref<1x1024xf32, #tpu.memory_space<vmem>>
      %dma_start3A_67 = tpu.memref_squeeze %dma_start3A_66 : memref<1x1024xf32, #tpu.memory_space<vmem>> -> memref<1024xf32, #tpu.memory_space<vmem>>
      %dma_start3A_68 = tpu.memref_slice %arg3[%mul3A_63] : memref<3200000xf32, #tpu.memory_space<hbm>> -> memref<1024xf32, #tpu.memory_space<hbm>>
      %dma_start3A_69 = arith.constant 0 : i32
      %dma_start3A_70 = tpu.memref_slice %arg7[%dma_start3A_64, %dma_start3A_69] : memref<2x4096xf32, #tpu.memory_space<vmem>> -> memref<1x1024xf32, #tpu.memory_space<vmem>>
      %dma_start3A_71 = tpu.memref_squeeze %dma_start3A_70 : memref<1x1024xf32, #tpu.memory_space<vmem>> -> memref<1024xf32, #tpu.memory_space<vmem>>
      %dma_start3A_72 = tpu.memref_slice %arg3[%mul3A_63] : memref<3200000xf32, #tpu.memory_space<hbm>> -> memref<1024xf32, #tpu.memory_space<hbm>>
      tpu.enqueue_dma source(%dma_start3A_72 : memref<1024xf32, #tpu.memory_space<hbm>>) target(%dma_start3A_71 : memref<1024xf32, #tpu.memory_space<vmem>>) target_semaphore(%arg9 : memref<!tpu.dma_semaphore, #tpu.memory_space<semaphore_mem>>)
      %dma_wait3A = arith.constant 1 : i32
      %dma_wait3A_73 = arith.constant 1 : i32
      %dma_wait3A_74 = arith.constant 0 : i32
      %dma_wait3A_75 = tpu.memref_slice %arg6[%dma_wait3A_73, %dma_wait3A_74] : memref<2x4096xi32, #tpu.memory_space<vmem>> -> memref<1x1024xi32, #tpu.memory_space<vmem>>
      %dma_wait3A_76 = tpu.memref_squeeze %dma_wait3A_75 : memref<1x1024xi32, #tpu.memory_space<vmem>> -> memref<1024xi32, #tpu.memory_space<vmem>>
      %dma_wait3A_77 = arith.constant 0 : i32
      %dma_wait3A_78 = tpu.memref_slice %arg2[%dma_wait3A, %dma_wait3A_77] : memref<2x3200000xi32, #tpu.memory_space<hbm>> -> memref<1x1024xi32, #tpu.memory_space<hbm>>
      %dma_wait3A_79 = tpu.memref_squeeze %dma_wait3A_78 : memref<1x1024xi32, #tpu.memory_space<hbm>> -> memref<1024xi32, #tpu.memory_space<hbm>>
      %dma_wait3A_80 = arith.constant 0 : i32
      %dma_wait3A_81 = tpu.memref_slice %arg6[%dma_wait3A_73, %dma_wait3A_80] : memref<2x4096xi32, #tpu.memory_space<vmem>> -> memref<1x1024xi32, #tpu.memory_space<vmem>>
      %dma_wait3A_82 = tpu.memref_squeeze %dma_wait3A_81 : memref<1x1024xi32, #tpu.memory_space<vmem>> -> memref<1024xi32, #tpu.memory_space<vmem>>
      %dma_wait3A_83 = arith.constant 0 : i32
      %dma_wait3A_84 = tpu.memref_slice %arg2[%dma_wait3A, %dma_wait3A_83] : memref<2x3200000xi32, #tpu.memory_space<hbm>> -> memref<1x1024xi32, #tpu.memory_space<hbm>>
      %dma_wait3A_85 = tpu.memref_squeeze %dma_wait3A_84 : memref<1x1024xi32, #tpu.memory_space<hbm>> -> memref<1024xi32, #tpu.memory_space<hbm>>
      tpu.wait_dma2 semaphore(%arg9 : memref<!tpu.dma_semaphore, #tpu.memory_space<semaphore_mem>>) src(%dma_wait3A_85 : memref<1024xi32, #tpu.memory_space<hbm>>) dst(%dma_wait3A_82 : memref<1024xi32, #tpu.memory_space<vmem>>)
      %dma_wait3A_86 = arith.constant 1 : i32
      %dma_wait3A_87 = arith.constant 0 : i32
      %dma_wait3A_88 = tpu.memref_slice %arg7[%dma_wait3A_86, %dma_wait3A_87] : memref<2x4096xf32, #tpu.memory_space<vmem>> -> memref<1x1024xf32, #tpu.memory_space<vmem>>
      %dma_wait3A_89 = tpu.memref_squeeze %dma_wait3A_88 : memref<1x1024xf32, #tpu.memory_space<vmem>> -> memref<1024xf32, #tpu.memory_space<vmem>>
      %dma_wait3A_90 = arith.constant 0 : i32
      %dma_wait3A_91 = tpu.memref_slice %arg3[%dma_wait3A_90] : memref<3200000xf32, #tpu.memory_space<hbm>> -> memref<1024xf32, #tpu.memory_space<hbm>>
      %dma_wait3A_92 = arith.constant 0 : i32
      %dma_wait3A_93 = tpu.memref_slice %arg7[%dma_wait3A_86, %dma_wait3A_92] : memref<2x4096xf32, #tpu.memory_space<vmem>> -> memref<1x1024xf32, #tpu.memory_space<vmem>>
      %dma_wait3A_94 = tpu.memref_squeeze %dma_wait3A_93 : memref<1x1024xf32, #tpu.memory_space<vmem>> -> memref<1024xf32, #tpu.memory_space<vmem>>
      %dma_wait3A_95 = arith.constant 0 : i32
      %dma_wait3A_96 = tpu.memref_slice %arg3[%dma_wait3A_95] : memref<3200000xf32, #tpu.memory_space<hbm>> -> memref<1024xf32, #tpu.memory_space<hbm>>
      tpu.wait_dma2 semaphore(%arg9 : memref<!tpu.dma_semaphore, #tpu.memory_space<semaphore_mem>>) src(%dma_wait3A_96 : memref<1024xf32, #tpu.memory_space<hbm>>) dst(%dma_wait3A_94 : memref<1024xf32, #tpu.memory_space<vmem>>)
      %parallel_loop3A_97 = arith.constant 0 : i32
      %parallel_loop3A_98 = arith.constant 64 : i32
      %parallel_loop3A_99 = arith.constant 1 : i32
      scf.for %parallel_loop3A_100 = %parallel_loop3A_97 to %parallel_loop3A_98 step %parallel_loop3A_99  : i32 {
        %parallel_loop3A_101 = arith.constant 16 : i32
        %parallel_loop3A_102 = arith.muli %parallel_loop3A_100, %parallel_loop3A_101 : i32
        %parallel_loop3A_103 = arith.constant 1 : i32
        %parallel_loop3A_104 = arith.index_cast %parallel_loop3A_103 : i32 to index
        %parallel_loop3A_105 = arith.index_cast %parallel_loop3A_102 : i32 to index
        %parallel_loop3A_106 = tpu.vector_load %arg6[%parallel_loop3A_104, %parallel_loop3A_105] {strides = array<i32>} : memref<2x4096xi32, #tpu.memory_space<vmem>>, vector<16xi32>,
        %parallel_loop3A_107 = arith.constant 7 : i32
        %parallel_loop3A_108 = vector.broadcast %parallel_loop3A_107 : i32 to vector<16xi32>
        %parallel_loop3A_109 = arith.shrui %parallel_loop3A_106, %parallel_loop3A_108 : vector<16xi32>
        %parallel_loop3A_110 = arith.constant 127 : i32
        %parallel_loop3A_111 = vector.broadcast %parallel_loop3A_110 : i32 to vector<16xi32>
        %parallel_loop3A_112 = arith.andi %parallel_loop3A_106, %parallel_loop3A_111 : vector<16xi32>
        %parallel_loop3A_113 = arith.constant 1 : i32
        %parallel_loop3A_114 = arith.index_cast %parallel_loop3A_113 : i32 to index
        %parallel_loop3A_115 = arith.index_cast %parallel_loop3A_102 : i32 to index
        %parallel_loop3A_116 = tpu.vector_load %arg7[%parallel_loop3A_114, %parallel_loop3A_115] {strides = array<i32>} : memref<2x4096xf32, #tpu.memory_space<vmem>>, vector<16xf32>,
        tpu.vector_store_idx %arg5[%parallel_loop3A_109, %parallel_loop3A_112], %parallel_loop3A_116 {add = true} : memref<800x128xf32, #tpu.memory_space<vmem>>[vector<16xi32>, vector<16xi32>], vector<16xf32>,
      } {sc.loop_unroll_factor = 16 : i64, sc.parallel_access}
    } else {
    }
    "tpu.region"() ({
      %run_scoped3A = tpu.sem_alloc : memref<!tpu.dma_semaphore, #tpu.memory_space<semaphore_mem>>
      %dma_start3A_46 = arith.constant 0 : i32
      %dma_start3A_47 = arith.constant 0 : i32
      %dma_start3A_48 = tpu.memref_slice %arg4[%add3A, %dma_start3A_46, %dma_start3A_47] : memref<32x800x128xf32, #tpu.memory_space<hbm>> -> memref<1x800x128xf32, #tpu.memory_space<hbm>>
      %dma_start3A_49 = tpu.memref_squeeze %dma_start3A_48 : memref<1x800x128xf32, #tpu.memory_space<hbm>> -> memref<800x128xf32, #tpu.memory_space<hbm>>
      %dma_start3A_50 = arith.constant 0 : i32
      %dma_start3A_51 = arith.constant 0 : i32
      %dma_start3A_52 = tpu.memref_slice %arg4[%add3A, %dma_start3A_50, %dma_start3A_51] : memref<32x800x128xf32, #tpu.memory_space<hbm>> -> memref<1x800x128xf32, #tpu.memory_space<hbm>>
      %dma_start3A_53 = tpu.memref_squeeze %dma_start3A_52 : memref<1x800x128xf32, #tpu.memory_space<hbm>> -> memref<800x128xf32, #tpu.memory_space<hbm>>
      tpu.enqueue_dma source(%arg5 : memref<800x128xf32, #tpu.memory_space<vmem>>) target(%dma_start3A_53 : memref<800x128xf32, #tpu.memory_space<hbm>>) target_semaphore(%run_scoped3A : memref<!tpu.dma_semaphore, #tpu.memory_space<semaphore_mem>>)
      %dma_wait3A = arith.constant 0 : i32
      %dma_wait3A_54 = arith.constant 0 : i32
      %dma_wait3A_55 = tpu.memref_slice %arg4[%add3A, %dma_wait3A, %dma_wait3A_54] : memref<32x800x128xf32, #tpu.memory_space<hbm>> -> memref<1x800x128xf32, #tpu.memory_space<hbm>>
      %dma_wait3A_56 = tpu.memref_squeeze %dma_wait3A_55 : memref<1x800x128xf32, #tpu.memory_space<hbm>> -> memref<800x128xf32, #tpu.memory_space<hbm>>
      %dma_wait3A_57 = arith.constant 0 : i32
      %dma_wait3A_58 = arith.constant 0 : i32
      %dma_wait3A_59 = tpu.memref_slice %arg4[%add3A, %dma_wait3A_57, %dma_wait3A_58] : memref<32x800x128xf32, #tpu.memory_space<hbm>> -> memref<1x800x128xf32, #tpu.memory_space<hbm>>
      %dma_wait3A_60 = tpu.memref_squeeze %dma_wait3A_59 : memref<1x800x128xf32, #tpu.memory_space<hbm>> -> memref<800x128xf32, #tpu.memory_space<hbm>>
      tpu.wait_dma2 semaphore(%run_scoped3A : memref<!tpu.dma_semaphore, #tpu.memory_space<semaphore_mem>>) src(%arg5 : memref<800x128xf32, #tpu.memory_space<vmem>>) dst(%dma_wait3A_60 : memref<800x128xf32, #tpu.memory_space<hbm>>)
      tpu.yield
    }) : () -> ()
    return
  }
}

#map = affine_map<(d0, d1) -> (0, 0)>
#map1 = affine_map<(d0, d1) -> (0)>
module attributes {stable_mosaic.version = 14 : i64} {
  func.func @_gather_mul_sc(%arg0: i32, %arg1: i32, %arg2: memref<2x3200000xi32, #tpu.memory_space<hbm>>, %arg3: memref<3200000xf32, #tpu.memory_space<hbm>>, %arg4: memref<800x128xf32, #tpu.memory_space<hbm>>, %arg5: memref<3200000xf32, #tpu.memory_space<hbm>>, %arg6: memref<800x128xf32, #tpu.memory_space<vmem>>, %arg7: memref<2x4096xi32, #tpu.memory_space<vmem>>, %arg8: memref<2x4096xf32, #tpu.memory_space<vmem>>, %arg9: memref<2x4096xf32, #tpu.memory_space<vmem>>, %arg10: memref<!tpu.dma_semaphore, #tpu.memory_space<semaphore_mem>>, %arg11: memref<!tpu.dma_semaphore, #tpu.memory_space<semaphore_mem>>, %arg12: memref<!tpu.dma_semaphore, #tpu.memory_space<semaphore_mem>>, %arg13: memref<!tpu.dma_semaphore, #tpu.memory_space<semaphore_mem>>) attributes {dimension_semantics = [#tpu.dimension_semantics<core_parallel>, #tpu.dimension_semantics<subcore_parallel>], iteration_bounds = array<i64: 2, 16>, scalar_prefetch = 0 : i64, scratch_operands = 8 : i64, tpu.core_type = #tpu.core_type<sc_vector_subcore>, window_params = [{transform_indices = #map}, {transform_indices = #map1}, {transform_indices = #map}, {transform_indices = #map1}]} {
    %mul3A = arith.constant 16 : i32
    %mul3A_0 = arith.muli %arg0, %mul3A : i32
    %add3A = arith.addi %mul3A_0, %arg1 : i32
    %dma_start3A = arith.constant 0 : i32
    %dma_start3A_1 = arith.constant 0 : i32
    %dma_start3A_2 = tpu.memref_slice %arg6[%dma_start3A, %dma_start3A_1] : memref<800x128xf32, #tpu.memory_space<vmem>> -> memref<200x128xf32, #tpu.memory_space<vmem>>
    %dma_start3A_3 = arith.constant 0 : i32
    %dma_start3A_4 = arith.constant 0 : i32
    %dma_start3A_5 = tpu.memref_slice %arg4[%dma_start3A_3, %dma_start3A_4] : memref<800x128xf32, #tpu.memory_space<hbm>> -> memref<200x128xf32, #tpu.memory_space<hbm>>
    %dma_start3A_6 = arith.constant 0 : i32
    %dma_start3A_7 = arith.constant 0 : i32
    %dma_start3A_8 = tpu.memref_slice %arg6[%dma_start3A_6, %dma_start3A_7] : memref<800x128xf32, #tpu.memory_space<vmem>> -> memref<200x128xf32, #tpu.memory_space<vmem>>
    %dma_start3A_9 = arith.constant 0 : i32
    %dma_start3A_10 = arith.constant 0 : i32
    %dma_start3A_11 = tpu.memref_slice %arg4[%dma_start3A_9, %dma_start3A_10] : memref<800x128xf32, #tpu.memory_space<hbm>> -> memref<200x128xf32, #tpu.memory_space<hbm>>
    tpu.enqueue_dma source(%dma_start3A_11 : memref<200x128xf32, #tpu.memory_space<hbm>>) target(%dma_start3A_8 : memref<200x128xf32, #tpu.memory_space<vmem>>) target_semaphore(%arg12 : memref<!tpu.dma_semaphore, #tpu.memory_space<semaphore_mem>>)
    %dma_start3A_12 = arith.constant 200 : i32
    %dma_start3A_13 = arith.constant 0 : i32
    %dma_start3A_14 = tpu.memref_slice %arg6[%dma_start3A_12, %dma_start3A_13] : memref<800x128xf32, #tpu.memory_space<vmem>> -> memref<200x128xf32, #tpu.memory_space<vmem>>
    %dma_start3A_15 = arith.constant 200 : i32
    %dma_start3A_16 = arith.constant 0 : i32
    %dma_start3A_17 = tpu.memref_slice %arg4[%dma_start3A_15, %dma_start3A_16] : memref<800x128xf32, #tpu.memory_space<hbm>> -> memref<200x128xf32, #tpu.memory_space<hbm>>
    %dma_start3A_18 = arith.constant 200 : i32
    %dma_start3A_19 = arith.constant 0 : i32
    %dma_start3A_20 = tpu.memref_slice %arg6[%dma_start3A_18, %dma_start3A_19] : memref<800x128xf32, #tpu.memory_space<vmem>> -> memref<200x128xf32, #tpu.memory_space<vmem>>
    %dma_start3A_21 = arith.constant 200 : i32
    %dma_start3A_22 = arith.constant 0 : i32
    %dma_start3A_23 = tpu.memref_slice %arg4[%dma_start3A_21, %dma_start3A_22] : memref<800x128xf32, #tpu.memory_space<hbm>> -> memref<200x128xf32, #tpu.memory_space<hbm>>
    tpu.enqueue_dma source(%dma_start3A_23 : memref<200x128xf32, #tpu.memory_space<hbm>>) target(%dma_start3A_20 : memref<200x128xf32, #tpu.memory_space<vmem>>) target_semaphore(%arg12 : memref<!tpu.dma_semaphore, #tpu.memory_space<semaphore_mem>>)
    %dma_start3A_24 = arith.constant 400 : i32
    %dma_start3A_25 = arith.constant 0 : i32
    %dma_start3A_26 = tpu.memref_slice %arg6[%dma_start3A_24, %dma_start3A_25] : memref<800x128xf32, #tpu.memory_space<vmem>> -> memref<200x128xf32, #tpu.memory_space<vmem>>
    %dma_start3A_27 = arith.constant 400 : i32
    %dma_start3A_28 = arith.constant 0 : i32
    %dma_start3A_29 = tpu.memref_slice %arg4[%dma_start3A_27, %dma_start3A_28] : memref<800x128xf32, #tpu.memory_space<hbm>> -> memref<200x128xf32, #tpu.memory_space<hbm>>
    %dma_start3A_30 = arith.constant 400 : i32
    %dma_start3A_31 = arith.constant 0 : i32
    %dma_start3A_32 = tpu.memref_slice %arg6[%dma_start3A_30, %dma_start3A_31] : memref<800x128xf32, #tpu.memory_space<vmem>> -> memref<200x128xf32, #tpu.memory_space<vmem>>
    %dma_start3A_33 = arith.constant 400 : i32
    %dma_start3A_34 = arith.constant 0 : i32
    %dma_start3A_35 = tpu.memref_slice %arg4[%dma_start3A_33, %dma_start3A_34] : memref<800x128xf32, #tpu.memory_space<hbm>> -> memref<200x128xf32, #tpu.memory_space<hbm>>
    tpu.enqueue_dma source(%dma_start3A_35 : memref<200x128xf32, #tpu.memory_space<hbm>>) target(%dma_start3A_32 : memref<200x128xf32, #tpu.memory_space<vmem>>) target_semaphore(%arg12 : memref<!tpu.dma_semaphore, #tpu.memory_space<semaphore_mem>>)
    %dma_start3A_36 = arith.constant 600 : i32
    %dma_start3A_37 = arith.constant 0 : i32
    %dma_start3A_38 = tpu.memref_slice %arg6[%dma_start3A_36, %dma_start3A_37] : memref<800x128xf32, #tpu.memory_space<vmem>> -> memref<200x128xf32, #tpu.memory_space<vmem>>
    %dma_start3A_39 = arith.constant 600 : i32
    %dma_start3A_40 = arith.constant 0 : i32
    %dma_start3A_41 = tpu.memref_slice %arg4[%dma_start3A_39, %dma_start3A_40] : memref<800x128xf32, #tpu.memory_space<hbm>> -> memref<200x128xf32, #tpu.memory_space<hbm>>
    %dma_start3A_42 = arith.constant 600 : i32
    %dma_start3A_43 = arith.constant 0 : i32
    %dma_start3A_44 = tpu.memref_slice %arg6[%dma_start3A_42, %dma_start3A_43] : memref<800x128xf32, #tpu.memory_space<vmem>> -> memref<200x128xf32, #tpu.memory_space<vmem>>
    %dma_start3A_45 = arith.constant 600 : i32
    %dma_start3A_46 = arith.constant 0 : i32
    %dma_start3A_47 = tpu.memref_slice %arg4[%dma_start3A_45, %dma_start3A_46] : memref<800x128xf32, #tpu.memory_space<hbm>> -> memref<200x128xf32, #tpu.memory_space<hbm>>
    tpu.enqueue_dma source(%dma_start3A_47 : memref<200x128xf32, #tpu.memory_space<hbm>>) target(%dma_start3A_44 : memref<200x128xf32, #tpu.memory_space<vmem>>) target_semaphore(%arg12 : memref<!tpu.dma_semaphore, #tpu.memory_space<semaphore_mem>>)
    %mul3A_48 = arith.constant 776 : i32
    %mul3A_49 = arith.muli %add3A, %mul3A_48 : i32
    %min3A = arith.constant 21 : i32
    %min3A_50 = arith.minsi %add3A, %min3A : i32
    %mul3A_51 = arith.constant 8 : i32
    %mul3A_52 = arith.muli %mul3A_51, %min3A_50 : i32
    %add3A_53 = arith.addi %mul3A_49, %mul3A_52 : i32
    %mul3A_54 = arith.constant 128 : i32
    %mul3A_55 = arith.muli %add3A_53, %mul3A_54 : i32
    %dma_start3A_56 = arith.constant 1 : i32
    %dma_start3A_57 = arith.constant 0 : i32
    %dma_start3A_58 = arith.constant 0 : i32
    %dma_start3A_59 = tpu.memref_slice %arg7[%dma_start3A_57, %dma_start3A_58] : memref<2x4096xi32, #tpu.memory_space<vmem>> -> memref<1x4096xi32, #tpu.memory_space<vmem>>
    %dma_start3A_60 = tpu.memref_squeeze %dma_start3A_59 : memref<1x4096xi32, #tpu.memory_space<vmem>> -> memref<4096xi32, #tpu.memory_space<vmem>>
    %dma_start3A_61 = tpu.memref_slice %arg2[%dma_start3A_56, %mul3A_55] : memref<2x3200000xi32, #tpu.memory_space<hbm>> -> memref<1x4096xi32, #tpu.memory_space<hbm>>
    %dma_start3A_62 = tpu.memref_squeeze %dma_start3A_61 : memref<1x4096xi32, #tpu.memory_space<hbm>> -> memref<4096xi32, #tpu.memory_space<hbm>>
    %dma_start3A_63 = arith.constant 0 : i32
    %dma_start3A_64 = tpu.memref_slice %arg7[%dma_start3A_57, %dma_start3A_63] : memref<2x4096xi32, #tpu.memory_space<vmem>> -> memref<1x4096xi32, #tpu.memory_space<vmem>>
    %dma_start3A_65 = tpu.memref_squeeze %dma_start3A_64 : memref<1x4096xi32, #tpu.memory_space<vmem>> -> memref<4096xi32, #tpu.memory_space<vmem>>
    %dma_start3A_66 = tpu.memref_slice %arg2[%dma_start3A_56, %mul3A_55] : memref<2x3200000xi32, #tpu.memory_space<hbm>> -> memref<1x4096xi32, #tpu.memory_space<hbm>>
    %dma_start3A_67 = tpu.memref_squeeze %dma_start3A_66 : memref<1x4096xi32, #tpu.memory_space<hbm>> -> memref<4096xi32, #tpu.memory_space<hbm>>
    tpu.enqueue_dma source(%dma_start3A_67 : memref<4096xi32, #tpu.memory_space<hbm>>) target(%dma_start3A_65 : memref<4096xi32, #tpu.memory_space<vmem>>) target_semaphore(%arg10 : memref<!tpu.dma_semaphore, #tpu.memory_space<semaphore_mem>>)
    %mul3A_68 = arith.constant 128 : i32
    %mul3A_69 = arith.muli %add3A_53, %mul3A_68 : i32
    %dma_start3A_70 = arith.constant 0 : i32
    %dma_start3A_71 = arith.constant 0 : i32
    %dma_start3A_72 = tpu.memref_slice %arg8[%dma_start3A_70, %dma_start3A_71] : memref<2x4096xf32, #tpu.memory_space<vmem>> -> memref<1x4096xf32, #tpu.memory_space<vmem>>
    %dma_start3A_73 = tpu.memref_squeeze %dma_start3A_72 : memref<1x4096xf32, #tpu.memory_space<vmem>> -> memref<4096xf32, #tpu.memory_space<vmem>>
    %dma_start3A_74 = tpu.memref_slice %arg3[%mul3A_69] : memref<3200000xf32, #tpu.memory_space<hbm>> -> memref<4096xf32, #tpu.memory_space<hbm>>
    %dma_start3A_75 = arith.constant 0 : i32
    %dma_start3A_76 = tpu.memref_slice %arg8[%dma_start3A_70, %dma_start3A_75] : memref<2x4096xf32, #tpu.memory_space<vmem>> -> memref<1x4096xf32, #tpu.memory_space<vmem>>
    %dma_start3A_77 = tpu.memref_squeeze %dma_start3A_76 : memref<1x4096xf32, #tpu.memory_space<vmem>> -> memref<4096xf32, #tpu.memory_space<vmem>>
    %dma_start3A_78 = tpu.memref_slice %arg3[%mul3A_69] : memref<3200000xf32, #tpu.memory_space<hbm>> -> memref<4096xf32, #tpu.memory_space<hbm>>
    tpu.enqueue_dma source(%dma_start3A_78 : memref<4096xf32, #tpu.memory_space<hbm>>) target(%dma_start3A_77 : memref<4096xf32, #tpu.memory_space<vmem>>) target_semaphore(%arg10 : memref<!tpu.dma_semaphore, #tpu.memory_space<semaphore_mem>>)
    %dma_wait3A = arith.constant 0 : i32
    %dma_wait3A_79 = arith.constant 0 : i32
    %dma_wait3A_80 = tpu.memref_slice %arg6[%dma_wait3A, %dma_wait3A_79] : memref<800x128xf32, #tpu.memory_space<vmem>> -> memref<200x128xf32, #tpu.memory_space<vmem>>
    %dma_wait3A_81 = arith.constant 0 : i32
    %dma_wait3A_82 = arith.constant 0 : i32
    %dma_wait3A_83 = tpu.memref_slice %arg4[%dma_wait3A_81, %dma_wait3A_82] : memref<800x128xf32, #tpu.memory_space<hbm>> -> memref<200x128xf32, #tpu.memory_space<hbm>>
    %dma_wait3A_84 = arith.constant 0 : i32
    %dma_wait3A_85 = arith.constant 0 : i32
    %dma_wait3A_86 = tpu.memref_slice %arg6[%dma_wait3A_84, %dma_wait3A_85] : memref<800x128xf32, #tpu.memory_space<vmem>> -> memref<200x128xf32, #tpu.memory_space<vmem>>
    %dma_wait3A_87 = arith.constant 0 : i32
    %dma_wait3A_88 = arith.constant 0 : i32
    %dma_wait3A_89 = tpu.memref_slice %arg4[%dma_wait3A_87, %dma_wait3A_88] : memref<800x128xf32, #tpu.memory_space<hbm>> -> memref<200x128xf32, #tpu.memory_space<hbm>>
    tpu.wait_dma2 semaphore(%arg12 : memref<!tpu.dma_semaphore, #tpu.memory_space<semaphore_mem>>) src(%dma_wait3A_89 : memref<200x128xf32, #tpu.memory_space<hbm>>) dst(%dma_wait3A_86 : memref<200x128xf32, #tpu.memory_space<vmem>>)
    %dma_wait3A_90 = arith.constant 200 : i32
    %dma_wait3A_91 = arith.constant 0 : i32
    %dma_wait3A_92 = tpu.memref_slice %arg6[%dma_wait3A_90, %dma_wait3A_91] : memref<800x128xf32, #tpu.memory_space<vmem>> -> memref<200x128xf32, #tpu.memory_space<vmem>>
    %dma_wait3A_93 = arith.constant 200 : i32
    %dma_wait3A_94 = arith.constant 0 : i32
    %dma_wait3A_95 = tpu.memref_slice %arg4[%dma_wait3A_93, %dma_wait3A_94] : memref<800x128xf32, #tpu.memory_space<hbm>> -> memref<200x128xf32, #tpu.memory_space<hbm>>
    %dma_wait3A_96 = arith.constant 200 : i32
    %dma_wait3A_97 = arith.constant 0 : i32
    %dma_wait3A_98 = tpu.memref_slice %arg6[%dma_wait3A_96, %dma_wait3A_97] : memref<800x128xf32, #tpu.memory_space<vmem>> -> memref<200x128xf32, #tpu.memory_space<vmem>>
    %dma_wait3A_99 = arith.constant 200 : i32
    %dma_wait3A_100 = arith.constant 0 : i32
    %dma_wait3A_101 = tpu.memref_slice %arg4[%dma_wait3A_99, %dma_wait3A_100] : memref<800x128xf32, #tpu.memory_space<hbm>> -> memref<200x128xf32, #tpu.memory_space<hbm>>
    tpu.wait_dma2 semaphore(%arg12 : memref<!tpu.dma_semaphore, #tpu.memory_space<semaphore_mem>>) src(%dma_wait3A_101 : memref<200x128xf32, #tpu.memory_space<hbm>>) dst(%dma_wait3A_98 : memref<200x128xf32, #tpu.memory_space<vmem>>)
    %dma_wait3A_102 = arith.constant 400 : i32
    %dma_wait3A_103 = arith.constant 0 : i32
    %dma_wait3A_104 = tpu.memref_slice %arg6[%dma_wait3A_102, %dma_wait3A_103] : memref<800x128xf32, #tpu.memory_space<vmem>> -> memref<200x128xf32, #tpu.memory_space<vmem>>
    %dma_wait3A_105 = arith.constant 400 : i32
    %dma_wait3A_106 = arith.constant 0 : i32
    %dma_wait3A_107 = tpu.memref_slice %arg4[%dma_wait3A_105, %dma_wait3A_106] : memref<800x128xf32, #tpu.memory_space<hbm>> -> memref<200x128xf32, #tpu.memory_space<hbm>>
    %dma_wait3A_108 = arith.constant 400 : i32
    %dma_wait3A_109 = arith.constant 0 : i32
    %dma_wait3A_110 = tpu.memref_slice %arg6[%dma_wait3A_108, %dma_wait3A_109] : memref<800x128xf32, #tpu.memory_space<vmem>> -> memref<200x128xf32, #tpu.memory_space<vmem>>
    %dma_wait3A_111 = arith.constant 400 : i32
    %dma_wait3A_112 = arith.constant 0 : i32
    %dma_wait3A_113 = tpu.memref_slice %arg4[%dma_wait3A_111, %dma_wait3A_112] : memref<800x128xf32, #tpu.memory_space<hbm>> -> memref<200x128xf32, #tpu.memory_space<hbm>>
    tpu.wait_dma2 semaphore(%arg12 : memref<!tpu.dma_semaphore, #tpu.memory_space<semaphore_mem>>) src(%dma_wait3A_113 : memref<200x128xf32, #tpu.memory_space<hbm>>) dst(%dma_wait3A_110 : memref<200x128xf32, #tpu.memory_space<vmem>>)
    %dma_wait3A_114 = arith.constant 600 : i32
    %dma_wait3A_115 = arith.constant 0 : i32
    %dma_wait3A_116 = tpu.memref_slice %arg6[%dma_wait3A_114, %dma_wait3A_115] : memref<800x128xf32, #tpu.memory_space<vmem>> -> memref<200x128xf32, #tpu.memory_space<vmem>>
    %dma_wait3A_117 = arith.constant 600 : i32
    %dma_wait3A_118 = arith.constant 0 : i32
    %dma_wait3A_119 = tpu.memref_slice %arg4[%dma_wait3A_117, %dma_wait3A_118] : memref<800x128xf32, #tpu.memory_space<hbm>> -> memref<200x128xf32, #tpu.memory_space<hbm>>
    %dma_wait3A_120 = arith.constant 600 : i32
    %dma_wait3A_121 = arith.constant 0 : i32
    %dma_wait3A_122 = tpu.memref_slice %arg6[%dma_wait3A_120, %dma_wait3A_121] : memref<800x128xf32, #tpu.memory_space<vmem>> -> memref<200x128xf32, #tpu.memory_space<vmem>>
    %dma_wait3A_123 = arith.constant 600 : i32
    %dma_wait3A_124 = arith.constant 0 : i32
    %dma_wait3A_125 = tpu.memref_slice %arg4[%dma_wait3A_123, %dma_wait3A_124] : memref<800x128xf32, #tpu.memory_space<hbm>> -> memref<200x128xf32, #tpu.memory_space<hbm>>
    tpu.wait_dma2 semaphore(%arg12 : memref<!tpu.dma_semaphore, #tpu.memory_space<semaphore_mem>>) src(%dma_wait3A_125 : memref<200x128xf32, #tpu.memory_space<hbm>>) dst(%dma_wait3A_122 : memref<200x128xf32, #tpu.memory_space<vmem>>)
    %scan3A = arith.constant 0 : i32
    %scan3A_126 = arith.constant 0 : i32
    %scan3A_127 = arith.constant 12 : i32
    %scan3A_128 = arith.addi %scan3A_126, %scan3A_127 : i32
    %scan3A_129 = arith.constant 1 : i32
    %scan3A_130 = scf.for %scan3A_160 = %scan3A_126 to %scan3A_128 step %scan3A_129 iter_args(%scan3A_161 = %scan3A) -> (i32)  : i32 {
      %mul3A_162 = arith.constant 2 : i32
      %mul3A_163 = arith.muli %scan3A_160, %mul3A_162 : i32
      %add3A_164 = arith.constant 0 : i32
      %add3A_165 = arith.addi %mul3A_163, %add3A_164 : i32
      %add3A_166 = arith.constant 1 : i32
      %add3A_167 = arith.addi %add3A_165, %add3A_166 : i32
      %lt3A_168 = arith.constant 24 : i32
      %lt3A_169 = arith.cmpi slt, %add3A_167, %lt3A_168 : i32
      %convert_element_type3A_170 = arith.extui %lt3A_169 : i1 to i32
      %cond3A_171 = arith.constant 0 : i32
      %cond3A_172 = arith.cmpi ne, %convert_element_type3A_170, %cond3A_171 : i32
      scf.if %cond3A_172 {
        %add3A_278 = arith.constant 1 : i32
        %add3A_279 = arith.addi %add3A_165, %add3A_278 : i32
        %mul3A_280 = arith.constant 32 : i32
        %mul3A_281 = arith.muli %add3A_279, %mul3A_280 : i32
        %add3A_282 = arith.addi %add3A_53, %mul3A_281 : i32
        %mul3A_283 = arith.constant 128 : i32
        %mul3A_284 = arith.muli %add3A_282, %mul3A_283 : i32
        %dma_start3A_285 = arith.constant 1 : i32
        %dma_start3A_286 = arith.constant 1 : i32
        %dma_start3A_287 = arith.constant 0 : i32
        %dma_start3A_288 = tpu.memref_slice %arg7[%dma_start3A_286, %dma_start3A_287] : memref<2x4096xi32, #tpu.memory_space<vmem>> -> memref<1x4096xi32, #tpu.memory_space<vmem>>
        %dma_start3A_289 = tpu.memref_squeeze %dma_start3A_288 : memref<1x4096xi32, #tpu.memory_space<vmem>> -> memref<4096xi32, #tpu.memory_space<vmem>>
        %dma_start3A_290 = tpu.memref_slice %arg2[%dma_start3A_285, %mul3A_284] : memref<2x3200000xi32, #tpu.memory_space<hbm>> -> memref<1x4096xi32, #tpu.memory_space<hbm>>
        %dma_start3A_291 = tpu.memref_squeeze %dma_start3A_290 : memref<1x4096xi32, #tpu.memory_space<hbm>> -> memref<4096xi32, #tpu.memory_space<hbm>>
        %dma_start3A_292 = arith.constant 0 : i32
        %dma_start3A_293 = tpu.memref_slice %arg7[%dma_start3A_286, %dma_start3A_292] : memref<2x4096xi32, #tpu.memory_space<vmem>> -> memref<1x4096xi32, #tpu.memory_space<vmem>>
        %dma_start3A_294 = tpu.memref_squeeze %dma_start3A_293 : memref<1x4096xi32, #tpu.memory_space<vmem>> -> memref<4096xi32, #tpu.memory_space<vmem>>
        %dma_start3A_295 = tpu.memref_slice %arg2[%dma_start3A_285, %mul3A_284] : memref<2x3200000xi32, #tpu.memory_space<hbm>> -> memref<1x4096xi32, #tpu.memory_space<hbm>>
        %dma_start3A_296 = tpu.memref_squeeze %dma_start3A_295 : memref<1x4096xi32, #tpu.memory_space<hbm>> -> memref<4096xi32, #tpu.memory_space<hbm>>
        tpu.enqueue_dma source(%dma_start3A_296 : memref<4096xi32, #tpu.memory_space<hbm>>) target(%dma_start3A_294 : memref<4096xi32, #tpu.memory_space<vmem>>) target_semaphore(%arg11 : memref<!tpu.dma_semaphore, #tpu.memory_space<semaphore_mem>>)
        %mul3A_297 = arith.constant 128 : i32
        %mul3A_298 = arith.muli %add3A_282, %mul3A_297 : i32
        %dma_start3A_299 = arith.constant 1 : i32
        %dma_start3A_300 = arith.constant 0 : i32
        %dma_start3A_301 = tpu.memref_slice %arg8[%dma_start3A_299, %dma_start3A_300] : memref<2x4096xf32, #tpu.memory_space<vmem>> -> memref<1x4096xf32, #tpu.memory_space<vmem>>
        %dma_start3A_302 = tpu.memref_squeeze %dma_start3A_301 : memref<1x4096xf32, #tpu.memory_space<vmem>> -> memref<4096xf32, #tpu.memory_space<vmem>>
        %dma_start3A_303 = tpu.memref_slice %arg3[%mul3A_298] : memref<3200000xf32, #tpu.memory_space<hbm>> -> memref<4096xf32, #tpu.memory_space<hbm>>
        %dma_start3A_304 = arith.constant 0 : i32
        %dma_start3A_305 = tpu.memref_slice %arg8[%dma_start3A_299, %dma_start3A_304] : memref<2x4096xf32, #tpu.memory_space<vmem>> -> memref<1x4096xf32, #tpu.memory_space<vmem>>
        %dma_start3A_306 = tpu.memref_squeeze %dma_start3A_305 : memref<1x4096xf32, #tpu.memory_space<vmem>> -> memref<4096xf32, #tpu.memory_space<vmem>>
        %dma_start3A_307 = tpu.memref_slice %arg3[%mul3A_298] : memref<3200000xf32, #tpu.memory_space<hbm>> -> memref<4096xf32, #tpu.memory_space<hbm>>
        tpu.enqueue_dma source(%dma_start3A_307 : memref<4096xf32, #tpu.memory_space<hbm>>) target(%dma_start3A_306 : memref<4096xf32, #tpu.memory_space<vmem>>) target_semaphore(%arg11 : memref<!tpu.dma_semaphore, #tpu.memory_space<semaphore_mem>>)
      } else {
      }
      %dma_wait3A_173 = arith.constant 1 : i32
      %dma_wait3A_174 = arith.constant 0 : i32
      %dma_wait3A_175 = arith.constant 0 : i32
      %dma_wait3A_176 = tpu.memref_slice %arg7[%dma_wait3A_174, %dma_wait3A_175] : memref<2x4096xi32, #tpu.memory_space<vmem>> -> memref<1x4096xi32, #tpu.memory_space<vmem>>
      %dma_wait3A_177 = tpu.memref_squeeze %dma_wait3A_176 : memref<1x4096xi32, #tpu.memory_space<vmem>> -> memref<4096xi32, #tpu.memory_space<vmem>>
      %dma_wait3A_178 = arith.constant 0 : i32
      %dma_wait3A_179 = tpu.memref_slice %arg2[%dma_wait3A_173, %dma_wait3A_178] : memref<2x3200000xi32, #tpu.memory_space<hbm>> -> memref<1x4096xi32, #tpu.memory_space<hbm>>
      %dma_wait3A_180 = tpu.memref_squeeze %dma_wait3A_179 : memref<1x4096xi32, #tpu.memory_space<hbm>> -> memref<4096xi32, #tpu.memory_space<hbm>>
      %dma_wait3A_181 = arith.constant 0 : i32
      %dma_wait3A_182 = tpu.memref_slice %arg7[%dma_wait3A_174, %dma_wait3A_181] : memref<2x4096xi32, #tpu.memory_space<vmem>> -> memref<1x4096xi32, #tpu.memory_space<vmem>>
      %dma_wait3A_183 = tpu.memref_squeeze %dma_wait3A_182 : memref<1x4096xi32, #tpu.memory_space<vmem>> -> memref<4096xi32, #tpu.memory_space<vmem>>
      %dma_wait3A_184 = arith.constant 0 : i32
      %dma_wait3A_185 = tpu.memref_slice %arg2[%dma_wait3A_173, %dma_wait3A_184] : memref<2x3200000xi32, #tpu.memory_space<hbm>> -> memref<1x4096xi32, #tpu.memory_space<hbm>>
      %dma_wait3A_186 = tpu.memref_squeeze %dma_wait3A_185 : memref<1x4096xi32, #tpu.memory_space<hbm>> -> memref<4096xi32, #tpu.memory_space<hbm>>
      tpu.wait_dma2 semaphore(%arg10 : memref<!tpu.dma_semaphore, #tpu.memory_space<semaphore_mem>>) src(%dma_wait3A_186 : memref<4096xi32, #tpu.memory_space<hbm>>) dst(%dma_wait3A_183 : memref<4096xi32, #tpu.memory_space<vmem>>)
      %dma_wait3A_187 = arith.constant 0 : i32
      %dma_wait3A_188 = arith.constant 0 : i32
      %dma_wait3A_189 = tpu.memref_slice %arg8[%dma_wait3A_187, %dma_wait3A_188] : memref<2x4096xf32, #tpu.memory_space<vmem>> -> memref<1x4096xf32, #tpu.memory_space<vmem>>
      %dma_wait3A_190 = tpu.memref_squeeze %dma_wait3A_189 : memref<1x4096xf32, #tpu.memory_space<vmem>> -> memref<4096xf32, #tpu.memory_space<vmem>>
      %dma_wait3A_191 = arith.constant 0 : i32
      %dma_wait3A_192 = tpu.memref_slice %arg3[%dma_wait3A_191] : memref<3200000xf32, #tpu.memory_space<hbm>> -> memref<4096xf32, #tpu.memory_space<hbm>>
      %dma_wait3A_193 = arith.constant 0 : i32
      %dma_wait3A_194 = tpu.memref_slice %arg8[%dma_wait3A_187, %dma_wait3A_193] : memref<2x4096xf32, #tpu.memory_space<vmem>> -> memref<1x4096xf32, #tpu.memory_space<vmem>>
      %dma_wait3A_195 = tpu.memref_squeeze %dma_wait3A_194 : memref<1x4096xf32, #tpu.memory_space<vmem>> -> memref<4096xf32, #tpu.memory_space<vmem>>
      %dma_wait3A_196 = arith.constant 0 : i32
      %dma_wait3A_197 = tpu.memref_slice %arg3[%dma_wait3A_196] : memref<3200000xf32, #tpu.memory_space<hbm>> -> memref<4096xf32, #tpu.memory_space<hbm>>
      tpu.wait_dma2 semaphore(%arg10 : memref<!tpu.dma_semaphore, #tpu.memory_space<semaphore_mem>>) src(%dma_wait3A_197 : memref<4096xf32, #tpu.memory_space<hbm>>) dst(%dma_wait3A_195 : memref<4096xf32, #tpu.memory_space<vmem>>)
      %ge3A_198 = arith.constant 1 : i32
      %ge3A_199 = arith.cmpi sge, %scan3A_160, %ge3A_198 : i32
      %convert_element_type3A_200 = arith.extui %ge3A_199 : i1 to i32
      %cond3A_201 = arith.constant 0 : i32
      %cond3A_202 = arith.cmpi ne, %convert_element_type3A_200, %cond3A_201 : i32
      scf.if %cond3A_202 {
        %dma_wait3A_278 = arith.constant 0 : i32
        %dma_wait3A_279 = arith.constant 0 : i32
        %dma_wait3A_280 = tpu.memref_slice %arg9[%dma_wait3A_278, %dma_wait3A_279] : memref<2x4096xf32, #tpu.memory_space<vmem>> -> memref<1x4096xf32, #tpu.memory_space<vmem>>
        %dma_wait3A_281 = tpu.memref_squeeze %dma_wait3A_280 : memref<1x4096xf32, #tpu.memory_space<vmem>> -> memref<4096xf32, #tpu.memory_space<vmem>>
        %dma_wait3A_282 = arith.constant 0 : i32
        %dma_wait3A_283 = tpu.memref_slice %arg5[%dma_wait3A_282] : memref<3200000xf32, #tpu.memory_space<hbm>> -> memref<4096xf32, #tpu.memory_space<hbm>>
        %dma_wait3A_284 = arith.constant 0 : i32
        %dma_wait3A_285 = tpu.memref_slice %arg5[%dma_wait3A_284] : memref<3200000xf32, #tpu.memory_space<hbm>> -> memref<4096xf32, #tpu.memory_space<hbm>>
        %dma_wait3A_286 = arith.constant 0 : i32
        %dma_wait3A_287 = tpu.memref_slice %arg9[%dma_wait3A_278, %dma_wait3A_286] : memref<2x4096xf32, #tpu.memory_space<vmem>> -> memref<1x4096xf32, #tpu.memory_space<vmem>>
        %dma_wait3A_288 = tpu.memref_squeeze %dma_wait3A_287 : memref<1x4096xf32, #tpu.memory_space<vmem>> -> memref<4096xf32, #tpu.memory_space<vmem>>
        tpu.wait_dma2 semaphore(%arg12 : memref<!tpu.dma_semaphore, #tpu.memory_space<semaphore_mem>>) src(%dma_wait3A_288 : memref<4096xf32, #tpu.memory_space<vmem>>) dst(%dma_wait3A_285 : memref<4096xf32, #tpu.memory_space<hbm>>)
      } else {
      }
      %parallel_loop3A = arith.constant 0 : i32
      %parallel_loop3A_203 = arith.constant 256 : i32
      %parallel_loop3A_204 = arith.constant 1 : i32
      scf.for %parallel_loop3A_278 = %parallel_loop3A to %parallel_loop3A_203 step %parallel_loop3A_204  : i32 {
        %parallel_loop3A_279 = arith.constant 16 : i32
        %parallel_loop3A_280 = arith.muli %parallel_loop3A_278, %parallel_loop3A_279 : i32
        %parallel_loop3A_281 = arith.constant 0 : i32
        %parallel_loop3A_282 = arith.index_cast %parallel_loop3A_281 : i32 to index
        %parallel_loop3A_283 = arith.index_cast %parallel_loop3A_280 : i32 to index
        %parallel_loop3A_284 = tpu.vector_load %arg7[%parallel_loop3A_282, %parallel_loop3A_283] {strides = array<i32>} : memref<2x4096xi32, #tpu.memory_space<vmem>>, vector<16xi32>,
        %parallel_loop3A_285 = arith.constant 7 : i32
        %parallel_loop3A_286 = vector.broadcast %parallel_loop3A_285 : i32 to vector<16xi32>
        %parallel_loop3A_287 = arith.shrui %parallel_loop3A_284, %parallel_loop3A_286 : vector<16xi32>
        %parallel_loop3A_288 = arith.constant 127 : i32
        %parallel_loop3A_289 = vector.broadcast %parallel_loop3A_288 : i32 to vector<16xi32>
        %parallel_loop3A_290 = arith.andi %parallel_loop3A_284, %parallel_loop3A_289 : vector<16xi32>
        %parallel_loop3A_291 = tpu.vector_load_idx %arg6[%parallel_loop3A_287, %parallel_loop3A_290] : memref<800x128xf32, #tpu.memory_space<vmem>>[vector<16xi32>, vector<16xi32>], vector<16xf32>,
        %parallel_loop3A_292 = arith.constant 0 : i32
        %parallel_loop3A_293 = arith.index_cast %parallel_loop3A_292 : i32 to index
        %parallel_loop3A_294 = arith.index_cast %parallel_loop3A_280 : i32 to index
        %parallel_loop3A_295 = tpu.vector_load %arg8[%parallel_loop3A_293, %parallel_loop3A_294] {strides = array<i32>} : memref<2x4096xf32, #tpu.memory_space<vmem>>, vector<16xf32>,
        %parallel_loop3A_296 = arith.mulf %parallel_loop3A_295, %parallel_loop3A_291 : vector<16xf32>
        %parallel_loop3A_297 = arith.constant 0 : i32
        %parallel_loop3A_298 = arith.index_cast %parallel_loop3A_297 : i32 to index
        %parallel_loop3A_299 = arith.index_cast %parallel_loop3A_280 : i32 to index
        %parallel_loop3A_300 = tpu.vector_load %arg9[%parallel_loop3A_298, %parallel_loop3A_299] {strides = array<i32>} : memref<2x4096xf32, #tpu.memory_space<vmem>>, vector<16xf32>,
        tpu.vector_store %arg9[%parallel_loop3A_298, %parallel_loop3A_299], %parallel_loop3A_296 {strides = array<i32>} : memref<2x4096xf32, #tpu.memory_space<vmem>>, vector<16xf32>,
      } {sc.loop_unroll_factor = 16 : i64, sc.parallel_access}
      %mul3A_205 = arith.constant 32 : i32
      %mul3A_206 = arith.muli %add3A_165, %mul3A_205 : i32
      %add3A_207 = arith.addi %add3A_53, %mul3A_206 : i32
      %mul3A_208 = arith.constant 128 : i32
      %mul3A_209 = arith.muli %add3A_207, %mul3A_208 : i32
      %dma_start3A_210 = arith.constant 0 : i32
      %dma_start3A_211 = arith.constant 0 : i32
      %dma_start3A_212 = tpu.memref_slice %arg9[%dma_start3A_210, %dma_start3A_211] : memref<2x4096xf32, #tpu.memory_space<vmem>> -> memref<1x4096xf32, #tpu.memory_space<vmem>>
      %dma_start3A_213 = tpu.memref_squeeze %dma_start3A_212 : memref<1x4096xf32, #tpu.memory_space<vmem>> -> memref<4096xf32, #tpu.memory_space<vmem>>
      %dma_start3A_214 = tpu.memref_slice %arg5[%mul3A_209] : memref<3200000xf32, #tpu.memory_space<hbm>> -> memref<4096xf32, #tpu.memory_space<hbm>>
      %dma_start3A_215 = tpu.memref_slice %arg5[%mul3A_209] : memref<3200000xf32, #tpu.memory_space<hbm>> -> memref<4096xf32, #tpu.memory_space<hbm>>
      %dma_start3A_216 = arith.constant 0 : i32
      %dma_start3A_217 = tpu.memref_slice %arg9[%dma_start3A_210, %dma_start3A_216] : memref<2x4096xf32, #tpu.memory_space<vmem>> -> memref<1x4096xf32, #tpu.memory_space<vmem>>
      %dma_start3A_218 = tpu.memref_squeeze %dma_start3A_217 : memref<1x4096xf32, #tpu.memory_space<vmem>> -> memref<4096xf32, #tpu.memory_space<vmem>>
      tpu.enqueue_dma source(%dma_start3A_218 : memref<4096xf32, #tpu.memory_space<vmem>>) target(%dma_start3A_215 : memref<4096xf32, #tpu.memory_space<hbm>>) target_semaphore(%arg12 : memref<!tpu.dma_semaphore, #tpu.memory_space<semaphore_mem>>)
      %mul3A_219 = arith.constant 2 : i32
      %mul3A_220 = arith.muli %scan3A_160, %mul3A_219 : i32
      %add3A_221 = arith.constant 1 : i32
      %add3A_222 = arith.addi %mul3A_220, %add3A_221 : i32
      %add3A_223 = arith.constant 1 : i32
      %add3A_224 = arith.addi %add3A_222, %add3A_223 : i32
      %lt3A_225 = arith.constant 24 : i32
      %lt3A_226 = arith.cmpi slt, %add3A_224, %lt3A_225 : i32
      %convert_element_type3A_227 = arith.extui %lt3A_226 : i1 to i32
      %cond3A_228 = arith.constant 0 : i32
      %cond3A_229 = arith.cmpi ne, %convert_element_type3A_227, %cond3A_228 : i32
      scf.if %cond3A_229 {
        %add3A_278 = arith.constant 1 : i32
        %add3A_279 = arith.addi %add3A_222, %add3A_278 : i32
        %mul3A_280 = arith.constant 32 : i32
        %mul3A_281 = arith.muli %add3A_279, %mul3A_280 : i32
        %add3A_282 = arith.addi %add3A_53, %mul3A_281 : i32
        %mul3A_283 = arith.constant 128 : i32
        %mul3A_284 = arith.muli %add3A_282, %mul3A_283 : i32
        %dma_start3A_285 = arith.constant 1 : i32
        %dma_start3A_286 = arith.constant 0 : i32
        %dma_start3A_287 = arith.constant 0 : i32
        %dma_start3A_288 = tpu.memref_slice %arg7[%dma_start3A_286, %dma_start3A_287] : memref<2x4096xi32, #tpu.memory_space<vmem>> -> memref<1x4096xi32, #tpu.memory_space<vmem>>
        %dma_start3A_289 = tpu.memref_squeeze %dma_start3A_288 : memref<1x4096xi32, #tpu.memory_space<vmem>> -> memref<4096xi32, #tpu.memory_space<vmem>>
        %dma_start3A_290 = tpu.memref_slice %arg2[%dma_start3A_285, %mul3A_284] : memref<2x3200000xi32, #tpu.memory_space<hbm>> -> memref<1x4096xi32, #tpu.memory_space<hbm>>
        %dma_start3A_291 = tpu.memref_squeeze %dma_start3A_290 : memref<1x4096xi32, #tpu.memory_space<hbm>> -> memref<4096xi32, #tpu.memory_space<hbm>>
        %dma_start3A_292 = arith.constant 0 : i32
        %dma_start3A_293 = tpu.memref_slice %arg7[%dma_start3A_286, %dma_start3A_292] : memref<2x4096xi32, #tpu.memory_space<vmem>> -> memref<1x4096xi32, #tpu.memory_space<vmem>>
        %dma_start3A_294 = tpu.memref_squeeze %dma_start3A_293 : memref<1x4096xi32, #tpu.memory_space<vmem>> -> memref<4096xi32, #tpu.memory_space<vmem>>
        %dma_start3A_295 = tpu.memref_slice %arg2[%dma_start3A_285, %mul3A_284] : memref<2x3200000xi32, #tpu.memory_space<hbm>> -> memref<1x4096xi32, #tpu.memory_space<hbm>>
        %dma_start3A_296 = tpu.memref_squeeze %dma_start3A_295 : memref<1x4096xi32, #tpu.memory_space<hbm>> -> memref<4096xi32, #tpu.memory_space<hbm>>
        tpu.enqueue_dma source(%dma_start3A_296 : memref<4096xi32, #tpu.memory_space<hbm>>) target(%dma_start3A_294 : memref<4096xi32, #tpu.memory_space<vmem>>) target_semaphore(%arg10 : memref<!tpu.dma_semaphore, #tpu.memory_space<semaphore_mem>>)
        %mul3A_297 = arith.constant 128 : i32
        %mul3A_298 = arith.muli %add3A_282, %mul3A_297 : i32
        %dma_start3A_299 = arith.constant 0 : i32
        %dma_start3A_300 = arith.constant 0 : i32
        %dma_start3A_301 = tpu.memref_slice %arg8[%dma_start3A_299, %dma_start3A_300] : memref<2x4096xf32, #tpu.memory_space<vmem>> -> memref<1x4096xf32, #tpu.memory_space<vmem>>
        %dma_start3A_302 = tpu.memref_squeeze %dma_start3A_301 : memref<1x4096xf32, #tpu.memory_space<vmem>> -> memref<4096xf32, #tpu.memory_space<vmem>>
        %dma_start3A_303 = tpu.memref_slice %arg3[%mul3A_298] : memref<3200000xf32, #tpu.memory_space<hbm>> -> memref<4096xf32, #tpu.memory_space<hbm>>
        %dma_start3A_304 = arith.constant 0 : i32
        %dma_start3A_305 = tpu.memref_slice %arg8[%dma_start3A_299, %dma_start3A_304] : memref<2x4096xf32, #tpu.memory_space<vmem>> -> memref<1x4096xf32, #tpu.memory_space<vmem>>
        %dma_start3A_306 = tpu.memref_squeeze %dma_start3A_305 : memref<1x4096xf32, #tpu.memory_space<vmem>> -> memref<4096xf32, #tpu.memory_space<vmem>>
        %dma_start3A_307 = tpu.memref_slice %arg3[%mul3A_298] : memref<3200000xf32, #tpu.memory_space<hbm>> -> memref<4096xf32, #tpu.memory_space<hbm>>
        tpu.enqueue_dma source(%dma_start3A_307 : memref<4096xf32, #tpu.memory_space<hbm>>) target(%dma_start3A_306 : memref<4096xf32, #tpu.memory_space<vmem>>) target_semaphore(%arg10 : memref<!tpu.dma_semaphore, #tpu.memory_space<semaphore_mem>>)
      } else {
      }
      %dma_wait3A_230 = arith.constant 1 : i32
      %dma_wait3A_231 = arith.constant 1 : i32
      %dma_wait3A_232 = arith.constant 0 : i32
      %dma_wait3A_233 = tpu.memref_slice %arg7[%dma_wait3A_231, %dma_wait3A_232] : memref<2x4096xi32, #tpu.memory_space<vmem>> -> memref<1x4096xi32, #tpu.memory_space<vmem>>
      %dma_wait3A_234 = tpu.memref_squeeze %dma_wait3A_233 : memref<1x4096xi32, #tpu.memory_space<vmem>> -> memref<4096xi32, #tpu.memory_space<vmem>>
      %dma_wait3A_235 = arith.constant 0 : i32
      %dma_wait3A_236 = tpu.memref_slice %arg2[%dma_wait3A_230, %dma_wait3A_235] : memref<2x3200000xi32, #tpu.memory_space<hbm>> -> memref<1x4096xi32, #tpu.memory_space<hbm>>
      %dma_wait3A_237 = tpu.memref_squeeze %dma_wait3A_236 : memref<1x4096xi32, #tpu.memory_space<hbm>> -> memref<4096xi32, #tpu.memory_space<hbm>>
      %dma_wait3A_238 = arith.constant 0 : i32
      %dma_wait3A_239 = tpu.memref_slice %arg7[%dma_wait3A_231, %dma_wait3A_238] : memref<2x4096xi32, #tpu.memory_space<vmem>> -> memref<1x4096xi32, #tpu.memory_space<vmem>>
      %dma_wait3A_240 = tpu.memref_squeeze %dma_wait3A_239 : memref<1x4096xi32, #tpu.memory_space<vmem>> -> memref<4096xi32, #tpu.memory_space<vmem>>
      %dma_wait3A_241 = arith.constant 0 : i32
      %dma_wait3A_242 = tpu.memref_slice %arg2[%dma_wait3A_230, %dma_wait3A_241] : memref<2x3200000xi32, #tpu.memory_space<hbm>> -> memref<1x4096xi32, #tpu.memory_space<hbm>>
      %dma_wait3A_243 = tpu.memref_squeeze %dma_wait3A_242 : memref<1x4096xi32, #tpu.memory_space<hbm>> -> memref<4096xi32, #tpu.memory_space<hbm>>
      tpu.wait_dma2 semaphore(%arg11 : memref<!tpu.dma_semaphore, #tpu.memory_space<semaphore_mem>>) src(%dma_wait3A_243 : memref<4096xi32, #tpu.memory_space<hbm>>) dst(%dma_wait3A_240 : memref<4096xi32, #tpu.memory_space<vmem>>)
      %dma_wait3A_244 = arith.constant 1 : i32
      %dma_wait3A_245 = arith.constant 0 : i32
      %dma_wait3A_246 = tpu.memref_slice %arg8[%dma_wait3A_244, %dma_wait3A_245] : memref<2x4096xf32, #tpu.memory_space<vmem>> -> memref<1x4096xf32, #tpu.memory_space<vmem>>
      %dma_wait3A_247 = tpu.memref_squeeze %dma_wait3A_246 : memref<1x4096xf32, #tpu.memory_space<vmem>> -> memref<4096xf32, #tpu.memory_space<vmem>>
      %dma_wait3A_248 = arith.constant 0 : i32
      %dma_wait3A_249 = tpu.memref_slice %arg3[%dma_wait3A_248] : memref<3200000xf32, #tpu.memory_space<hbm>> -> memref<4096xf32, #tpu.memory_space<hbm>>
      %dma_wait3A_250 = arith.constant 0 : i32
      %dma_wait3A_251 = tpu.memref_slice %arg8[%dma_wait3A_244, %dma_wait3A_250] : memref<2x4096xf32, #tpu.memory_space<vmem>> -> memref<1x4096xf32, #tpu.memory_space<vmem>>
      %dma_wait3A_252 = tpu.memref_squeeze %dma_wait3A_251 : memref<1x4096xf32, #tpu.memory_space<vmem>> -> memref<4096xf32, #tpu.memory_space<vmem>>
      %dma_wait3A_253 = arith.constant 0 : i32
      %dma_wait3A_254 = tpu.memref_slice %arg3[%dma_wait3A_253] : memref<3200000xf32, #tpu.memory_space<hbm>> -> memref<4096xf32, #tpu.memory_space<hbm>>
      tpu.wait_dma2 semaphore(%arg11 : memref<!tpu.dma_semaphore, #tpu.memory_space<semaphore_mem>>) src(%dma_wait3A_254 : memref<4096xf32, #tpu.memory_space<hbm>>) dst(%dma_wait3A_252 : memref<4096xf32, #tpu.memory_space<vmem>>)
      %ge3A_255 = arith.constant 1 : i32
      %ge3A_256 = arith.cmpi sge, %scan3A_160, %ge3A_255 : i32
      %convert_element_type3A_257 = arith.extui %ge3A_256 : i1 to i32
      %cond3A_258 = arith.constant 0 : i32
      %cond3A_259 = arith.cmpi ne, %convert_element_type3A_257, %cond3A_258 : i32
      scf.if %cond3A_259 {
        %dma_wait3A_278 = arith.constant 1 : i32
        %dma_wait3A_279 = arith.constant 0 : i32
        %dma_wait3A_280 = tpu.memref_slice %arg9[%dma_wait3A_278, %dma_wait3A_279] : memref<2x4096xf32, #tpu.memory_space<vmem>> -> memref<1x4096xf32, #tpu.memory_space<vmem>>
        %dma_wait3A_281 = tpu.memref_squeeze %dma_wait3A_280 : memref<1x4096xf32, #tpu.memory_space<vmem>> -> memref<4096xf32, #tpu.memory_space<vmem>>
        %dma_wait3A_282 = arith.constant 0 : i32
        %dma_wait3A_283 = tpu.memref_slice %arg5[%dma_wait3A_282] : memref<3200000xf32, #tpu.memory_space<hbm>> -> memref<4096xf32, #tpu.memory_space<hbm>>
        %dma_wait3A_284 = arith.constant 0 : i32
        %dma_wait3A_285 = tpu.memref_slice %arg5[%dma_wait3A_284] : memref<3200000xf32, #tpu.memory_space<hbm>> -> memref<4096xf32, #tpu.memory_space<hbm>>
        %dma_wait3A_286 = arith.constant 0 : i32
        %dma_wait3A_287 = tpu.memref_slice %arg9[%dma_wait3A_278, %dma_wait3A_286] : memref<2x4096xf32, #tpu.memory_space<vmem>> -> memref<1x4096xf32, #tpu.memory_space<vmem>>
        %dma_wait3A_288 = tpu.memref_squeeze %dma_wait3A_287 : memref<1x4096xf32, #tpu.memory_space<vmem>> -> memref<4096xf32, #tpu.memory_space<vmem>>
        tpu.wait_dma2 semaphore(%arg13 : memref<!tpu.dma_semaphore, #tpu.memory_space<semaphore_mem>>) src(%dma_wait3A_288 : memref<4096xf32, #tpu.memory_space<vmem>>) dst(%dma_wait3A_285 : memref<4096xf32, #tpu.memory_space<hbm>>)
      } else {
      }
      %parallel_loop3A_260 = arith.constant 0 : i32
      %parallel_loop3A_261 = arith.constant 256 : i32
      %parallel_loop3A_262 = arith.constant 1 : i32
      scf.for %parallel_loop3A_278 = %parallel_loop3A_260 to %parallel_loop3A_261 step %parallel_loop3A_262  : i32 {
        %parallel_loop3A_279 = arith.constant 16 : i32
        %parallel_loop3A_280 = arith.muli %parallel_loop3A_278, %parallel_loop3A_279 : i32
        %parallel_loop3A_281 = arith.constant 1 : i32
        %parallel_loop3A_282 = arith.index_cast %parallel_loop3A_281 : i32 to index
        %parallel_loop3A_283 = arith.index_cast %parallel_loop3A_280 : i32 to index
        %parallel_loop3A_284 = tpu.vector_load %arg7[%parallel_loop3A_282, %parallel_loop3A_283] {strides = array<i32>} : memref<2x4096xi32, #tpu.memory_space<vmem>>, vector<16xi32>,
        %parallel_loop3A_285 = arith.constant 7 : i32
        %parallel_loop3A_286 = vector.broadcast %parallel_loop3A_285 : i32 to vector<16xi32>
        %parallel_loop3A_287 = arith.shrui %parallel_loop3A_284, %parallel_loop3A_286 : vector<16xi32>
        %parallel_loop3A_288 = arith.constant 127 : i32
        %parallel_loop3A_289 = vector.broadcast %parallel_loop3A_288 : i32 to vector<16xi32>
        %parallel_loop3A_290 = arith.andi %parallel_loop3A_284, %parallel_loop3A_289 : vector<16xi32>
        %parallel_loop3A_291 = tpu.vector_load_idx %arg6[%parallel_loop3A_287, %parallel_loop3A_290] : memref<800x128xf32, #tpu.memory_space<vmem>>[vector<16xi32>, vector<16xi32>], vector<16xf32>,
        %parallel_loop3A_292 = arith.constant 1 : i32
        %parallel_loop3A_293 = arith.index_cast %parallel_loop3A_292 : i32 to index
        %parallel_loop3A_294 = arith.index_cast %parallel_loop3A_280 : i32 to index
        %parallel_loop3A_295 = tpu.vector_load %arg8[%parallel_loop3A_293, %parallel_loop3A_294] {strides = array<i32>} : memref<2x4096xf32, #tpu.memory_space<vmem>>, vector<16xf32>,
        %parallel_loop3A_296 = arith.mulf %parallel_loop3A_295, %parallel_loop3A_291 : vector<16xf32>
        %parallel_loop3A_297 = arith.constant 1 : i32
        %parallel_loop3A_298 = arith.index_cast %parallel_loop3A_297 : i32 to index
        %parallel_loop3A_299 = arith.index_cast %parallel_loop3A_280 : i32 to index
        %parallel_loop3A_300 = tpu.vector_load %arg9[%parallel_loop3A_298, %parallel_loop3A_299] {strides = array<i32>} : memref<2x4096xf32, #tpu.memory_space<vmem>>, vector<16xf32>,
        tpu.vector_store %arg9[%parallel_loop3A_298, %parallel_loop3A_299], %parallel_loop3A_296 {strides = array<i32>} : memref<2x4096xf32, #tpu.memory_space<vmem>>, vector<16xf32>,
      } {sc.loop_unroll_factor = 16 : i64, sc.parallel_access}
      %mul3A_263 = arith.constant 32 : i32
      %mul3A_264 = arith.muli %add3A_222, %mul3A_263 : i32
      %add3A_265 = arith.addi %add3A_53, %mul3A_264 : i32
      %mul3A_266 = arith.constant 128 : i32
      %mul3A_267 = arith.muli %add3A_265, %mul3A_266 : i32
      %dma_start3A_268 = arith.constant 1 : i32
      %dma_start3A_269 = arith.constant 0 : i32
      %dma_start3A_270 = tpu.memref_slice %arg9[%dma_start3A_268, %dma_start3A_269] : memref<2x4096xf32, #tpu.memory_space<vmem>> -> memref<1x4096xf32, #tpu.memory_space<vmem>>
      %dma_start3A_271 = tpu.memref_squeeze %dma_start3A_270 : memref<1x4096xf32, #tpu.memory_space<vmem>> -> memref<4096xf32, #tpu.memory_space<vmem>>
      %dma_start3A_272 = tpu.memref_slice %arg5[%mul3A_267] : memref<3200000xf32, #tpu.memory_space<hbm>> -> memref<4096xf32, #tpu.memory_space<hbm>>
      %dma_start3A_273 = tpu.memref_slice %arg5[%mul3A_267] : memref<3200000xf32, #tpu.memory_space<hbm>> -> memref<4096xf32, #tpu.memory_space<hbm>>
      %dma_start3A_274 = arith.constant 0 : i32
      %dma_start3A_275 = tpu.memref_slice %arg9[%dma_start3A_268, %dma_start3A_274] : memref<2x4096xf32, #tpu.memory_space<vmem>> -> memref<1x4096xf32, #tpu.memory_space<vmem>>
      %dma_start3A_276 = tpu.memref_squeeze %dma_start3A_275 : memref<1x4096xf32, #tpu.memory_space<vmem>> -> memref<4096xf32, #tpu.memory_space<vmem>>
      tpu.enqueue_dma source(%dma_start3A_276 : memref<4096xf32, #tpu.memory_space<vmem>>) target(%dma_start3A_273 : memref<4096xf32, #tpu.memory_space<hbm>>) target_semaphore(%arg13 : memref<!tpu.dma_semaphore, #tpu.memory_space<semaphore_mem>>)
      %scan3A_277 = arith.constant 0 : i32
      scf.yield %scan3A_277 : i32
    }
    %scan3A_131 = arith.constant 12 : i32
    %dma_wait3A_132 = arith.constant 0 : i32
    %dma_wait3A_133 = arith.constant 0 : i32
    %dma_wait3A_134 = tpu.memref_slice %arg9[%dma_wait3A_132, %dma_wait3A_133] : memref<2x4096xf32, #tpu.memory_space<vmem>> -> memref<1x4096xf32, #tpu.memory_space<vmem>>
    %dma_wait3A_135 = tpu.memref_squeeze %dma_wait3A_134 : memref<1x4096xf32, #tpu.memory_space<vmem>> -> memref<4096xf32, #tpu.memory_space<vmem>>
    %dma_wait3A_136 = arith.constant 0 : i32
    %dma_wait3A_137 = tpu.memref_slice %arg5[%dma_wait3A_136] : memref<3200000xf32, #tpu.memory_space<hbm>> -> memref<4096xf32, #tpu.memory_space<hbm>>
    %dma_wait3A_138 = arith.constant 0 : i32
    %dma_wait3A_139 = tpu.memref_slice %arg5[%dma_wait3A_138] : memref<3200000xf32, #tpu.memory_space<hbm>> -> memref<4096xf32, #tpu.memory_space<hbm>>
    %dma_wait3A_140 = arith.constant 0 : i32
    %dma_wait3A_141 = tpu.memref_slice %arg9[%dma_wait3A_132, %dma_wait3A_140] : memref<2x4096xf32, #tpu.memory_space<vmem>> -> memref<1x4096xf32, #tpu.memory_space<vmem>>
    %dma_wait3A_142 = tpu.memref_squeeze %dma_wait3A_141 : memref<1x4096xf32, #tpu.memory_space<vmem>> -> memref<4096xf32, #tpu.memory_space<vmem>>
    tpu.wait_dma2 semaphore(%arg12 : memref<!tpu.dma_semaphore, #tpu.memory_space<semaphore_mem>>) src(%dma_wait3A_142 : memref<4096xf32, #tpu.memory_space<vmem>>) dst(%dma_wait3A_139 : memref<4096xf32, #tpu.memory_space<hbm>>)
    %dma_wait3A_143 = arith.constant 1 : i32
    %dma_wait3A_144 = arith.constant 0 : i32
    %dma_wait3A_145 = tpu.memref_slice %arg9[%dma_wait3A_143, %dma_wait3A_144] : memref<2x4096xf32, #tpu.memory_space<vmem>> -> memref<1x4096xf32, #tpu.memory_space<vmem>>
    %dma_wait3A_146 = tpu.memref_squeeze %dma_wait3A_145 : memref<1x4096xf32, #tpu.memory_space<vmem>> -> memref<4096xf32, #tpu.memory_space<vmem>>
    %dma_wait3A_147 = arith.constant 0 : i32
    %dma_wait3A_148 = tpu.memref_slice %arg5[%dma_wait3A_147] : memref<3200000xf32, #tpu.memory_space<hbm>> -> memref<4096xf32, #tpu.memory_space<hbm>>
    %dma_wait3A_149 = arith.constant 0 : i32
    %dma_wait3A_150 = tpu.memref_slice %arg5[%dma_wait3A_149] : memref<3200000xf32, #tpu.memory_space<hbm>> -> memref<4096xf32, #tpu.memory_space<hbm>>
    %dma_wait3A_151 = arith.constant 0 : i32
    %dma_wait3A_152 = tpu.memref_slice %arg9[%dma_wait3A_143, %dma_wait3A_151] : memref<2x4096xf32, #tpu.memory_space<vmem>> -> memref<1x4096xf32, #tpu.memory_space<vmem>>
    %dma_wait3A_153 = tpu.memref_squeeze %dma_wait3A_152 : memref<1x4096xf32, #tpu.memory_space<vmem>> -> memref<4096xf32, #tpu.memory_space<vmem>>
    tpu.wait_dma2 semaphore(%arg13 : memref<!tpu.dma_semaphore, #tpu.memory_space<semaphore_mem>>) src(%dma_wait3A_153 : memref<4096xf32, #tpu.memory_space<vmem>>) dst(%dma_wait3A_150 : memref<4096xf32, #tpu.memory_space<hbm>>)
    %lt3A = arith.constant 21 : i32
    %lt3A_154 = arith.cmpi slt, %add3A, %lt3A : i32
    %convert_element_type3A = arith.extui %lt3A_154 : i1 to i32
    %cond3A = arith.constant 0 : i32
    %cond3A_155 = arith.cmpi ne, %convert_element_type3A, %cond3A : i32
    scf.if %cond3A_155 {
      %add3A_160 = arith.constant 768 : i32
      %add3A_161 = arith.addi %add3A_53, %add3A_160 : i32
      %mul3A_162 = arith.constant 128 : i32
      %mul3A_163 = arith.muli %add3A_161, %mul3A_162 : i32
      %dma_start3A_164 = arith.constant 1 : i32
      %dma_start3A_165 = arith.constant 0 : i32
      %dma_start3A_166 = arith.constant 0 : i32
      %dma_start3A_167 = tpu.memref_slice %arg7[%dma_start3A_165, %dma_start3A_166] : memref<2x4096xi32, #tpu.memory_space<vmem>> -> memref<1x2048xi32, #tpu.memory_space<vmem>>
      %dma_start3A_168 = tpu.memref_squeeze %dma_start3A_167 : memref<1x2048xi32, #tpu.memory_space<vmem>> -> memref<2048xi32, #tpu.memory_space<vmem>>
      %dma_start3A_169 = tpu.memref_slice %arg2[%dma_start3A_164, %mul3A_163] : memref<2x3200000xi32, #tpu.memory_space<hbm>> -> memref<1x2048xi32, #tpu.memory_space<hbm>>
      %dma_start3A_170 = tpu.memref_squeeze %dma_start3A_169 : memref<1x2048xi32, #tpu.memory_space<hbm>> -> memref<2048xi32, #tpu.memory_space<hbm>>
      %dma_start3A_171 = arith.constant 0 : i32
      %dma_start3A_172 = tpu.memref_slice %arg7[%dma_start3A_165, %dma_start3A_171] : memref<2x4096xi32, #tpu.memory_space<vmem>> -> memref<1x2048xi32, #tpu.memory_space<vmem>>
      %dma_start3A_173 = tpu.memref_squeeze %dma_start3A_172 : memref<1x2048xi32, #tpu.memory_space<vmem>> -> memref<2048xi32, #tpu.memory_space<vmem>>
      %dma_start3A_174 = tpu.memref_slice %arg2[%dma_start3A_164, %mul3A_163] : memref<2x3200000xi32, #tpu.memory_space<hbm>> -> memref<1x2048xi32, #tpu.memory_space<hbm>>
      %dma_start3A_175 = tpu.memref_squeeze %dma_start3A_174 : memref<1x2048xi32, #tpu.memory_space<hbm>> -> memref<2048xi32, #tpu.memory_space<hbm>>
      tpu.enqueue_dma source(%dma_start3A_175 : memref<2048xi32, #tpu.memory_space<hbm>>) target(%dma_start3A_173 : memref<2048xi32, #tpu.memory_space<vmem>>) target_semaphore(%arg10 : memref<!tpu.dma_semaphore, #tpu.memory_space<semaphore_mem>>)
      %mul3A_176 = arith.constant 128 : i32
      %mul3A_177 = arith.muli %add3A_161, %mul3A_176 : i32
      %dma_start3A_178 = arith.constant 0 : i32
      %dma_start3A_179 = arith.constant 0 : i32
      %dma_start3A_180 = tpu.memref_slice %arg8[%dma_start3A_178, %dma_start3A_179] : memref<2x4096xf32, #tpu.memory_space<vmem>> -> memref<1x2048xf32, #tpu.memory_space<vmem>>
      %dma_start3A_181 = tpu.memref_squeeze %dma_start3A_180 : memref<1x2048xf32, #tpu.memory_space<vmem>> -> memref<2048xf32, #tpu.memory_space<vmem>>
      %dma_start3A_182 = tpu.memref_slice %arg3[%mul3A_177] : memref<3200000xf32, #tpu.memory_space<hbm>> -> memref<2048xf32, #tpu.memory_space<hbm>>
      %dma_start3A_183 = arith.constant 0 : i32
      %dma_start3A_184 = tpu.memref_slice %arg8[%dma_start3A_178, %dma_start3A_183] : memref<2x4096xf32, #tpu.memory_space<vmem>> -> memref<1x2048xf32, #tpu.memory_space<vmem>>
      %dma_start3A_185 = tpu.memref_squeeze %dma_start3A_184 : memref<1x2048xf32, #tpu.memory_space<vmem>> -> memref<2048xf32, #tpu.memory_space<vmem>>
      %dma_start3A_186 = tpu.memref_slice %arg3[%mul3A_177] : memref<3200000xf32, #tpu.memory_space<hbm>> -> memref<2048xf32, #tpu.memory_space<hbm>>
      tpu.enqueue_dma source(%dma_start3A_186 : memref<2048xf32, #tpu.memory_space<hbm>>) target(%dma_start3A_185 : memref<2048xf32, #tpu.memory_space<vmem>>) target_semaphore(%arg10 : memref<!tpu.dma_semaphore, #tpu.memory_space<semaphore_mem>>)
      %dma_wait3A_187 = arith.constant 1 : i32
      %dma_wait3A_188 = arith.constant 0 : i32
      %dma_wait3A_189 = arith.constant 0 : i32
      %dma_wait3A_190 = tpu.memref_slice %arg7[%dma_wait3A_188, %dma_wait3A_189] : memref<2x4096xi32, #tpu.memory_space<vmem>> -> memref<1x2048xi32, #tpu.memory_space<vmem>>
      %dma_wait3A_191 = tpu.memref_squeeze %dma_wait3A_190 : memref<1x2048xi32, #tpu.memory_space<vmem>> -> memref<2048xi32, #tpu.memory_space<vmem>>
      %dma_wait3A_192 = arith.constant 0 : i32
      %dma_wait3A_193 = tpu.memref_slice %arg2[%dma_wait3A_187, %dma_wait3A_192] : memref<2x3200000xi32, #tpu.memory_space<hbm>> -> memref<1x2048xi32, #tpu.memory_space<hbm>>
      %dma_wait3A_194 = tpu.memref_squeeze %dma_wait3A_193 : memref<1x2048xi32, #tpu.memory_space<hbm>> -> memref<2048xi32, #tpu.memory_space<hbm>>
      %dma_wait3A_195 = arith.constant 0 : i32
      %dma_wait3A_196 = tpu.memref_slice %arg7[%dma_wait3A_188, %dma_wait3A_195] : memref<2x4096xi32, #tpu.memory_space<vmem>> -> memref<1x2048xi32, #tpu.memory_space<vmem>>
      %dma_wait3A_197 = tpu.memref_squeeze %dma_wait3A_196 : memref<1x2048xi32, #tpu.memory_space<vmem>> -> memref<2048xi32, #tpu.memory_space<vmem>>
      %dma_wait3A_198 = arith.constant 0 : i32
      %dma_wait3A_199 = tpu.memref_slice %arg2[%dma_wait3A_187, %dma_wait3A_198] : memref<2x3200000xi32, #tpu.memory_space<hbm>> -> memref<1x2048xi32, #tpu.memory_space<hbm>>
      %dma_wait3A_200 = tpu.memref_squeeze %dma_wait3A_199 : memref<1x2048xi32, #tpu.memory_space<hbm>> -> memref<2048xi32, #tpu.memory_space<hbm>>
      tpu.wait_dma2 semaphore(%arg10 : memref<!tpu.dma_semaphore, #tpu.memory_space<semaphore_mem>>) src(%dma_wait3A_200 : memref<2048xi32, #tpu.memory_space<hbm>>) dst(%dma_wait3A_197 : memref<2048xi32, #tpu.memory_space<vmem>>)
      %dma_wait3A_201 = arith.constant 0 : i32
      %dma_wait3A_202 = arith.constant 0 : i32
      %dma_wait3A_203 = tpu.memref_slice %arg8[%dma_wait3A_201, %dma_wait3A_202] : memref<2x4096xf32, #tpu.memory_space<vmem>> -> memref<1x2048xf32, #tpu.memory_space<vmem>>
      %dma_wait3A_204 = tpu.memref_squeeze %dma_wait3A_203 : memref<1x2048xf32, #tpu.memory_space<vmem>> -> memref<2048xf32, #tpu.memory_space<vmem>>
      %dma_wait3A_205 = arith.constant 0 : i32
      %dma_wait3A_206 = tpu.memref_slice %arg3[%dma_wait3A_205] : memref<3200000xf32, #tpu.memory_space<hbm>> -> memref<2048xf32, #tpu.memory_space<hbm>>
      %dma_wait3A_207 = arith.constant 0 : i32
      %dma_wait3A_208 = tpu.memref_slice %arg8[%dma_wait3A_201, %dma_wait3A_207] : memref<2x4096xf32, #tpu.memory_space<vmem>> -> memref<1x2048xf32, #tpu.memory_space<vmem>>
      %dma_wait3A_209 = tpu.memref_squeeze %dma_wait3A_208 : memref<1x2048xf32, #tpu.memory_space<vmem>> -> memref<2048xf32, #tpu.memory_space<vmem>>
      %dma_wait3A_210 = arith.constant 0 : i32
      %dma_wait3A_211 = tpu.memref_slice %arg3[%dma_wait3A_210] : memref<3200000xf32, #tpu.memory_space<hbm>> -> memref<2048xf32, #tpu.memory_space<hbm>>
      tpu.wait_dma2 semaphore(%arg10 : memref<!tpu.dma_semaphore, #tpu.memory_space<semaphore_mem>>) src(%dma_wait3A_211 : memref<2048xf32, #tpu.memory_space<hbm>>) dst(%dma_wait3A_209 : memref<2048xf32, #tpu.memory_space<vmem>>)
      %parallel_loop3A = arith.constant 0 : i32
      %parallel_loop3A_212 = arith.constant 128 : i32
      %parallel_loop3A_213 = arith.constant 1 : i32
      scf.for %parallel_loop3A_218 = %parallel_loop3A to %parallel_loop3A_212 step %parallel_loop3A_213  : i32 {
        %parallel_loop3A_219 = arith.constant 16 : i32
        %parallel_loop3A_220 = arith.muli %parallel_loop3A_218, %parallel_loop3A_219 : i32
        %parallel_loop3A_221 = arith.constant 0 : i32
        %parallel_loop3A_222 = arith.index_cast %parallel_loop3A_221 : i32 to index
        %parallel_loop3A_223 = arith.index_cast %parallel_loop3A_220 : i32 to index
        %parallel_loop3A_224 = tpu.vector_load %arg7[%parallel_loop3A_222, %parallel_loop3A_223] {strides = array<i32>} : memref<2x4096xi32, #tpu.memory_space<vmem>>, vector<16xi32>,
        %parallel_loop3A_225 = arith.constant 7 : i32
        %parallel_loop3A_226 = vector.broadcast %parallel_loop3A_225 : i32 to vector<16xi32>
        %parallel_loop3A_227 = arith.shrui %parallel_loop3A_224, %parallel_loop3A_226 : vector<16xi32>
        %parallel_loop3A_228 = arith.constant 127 : i32
        %parallel_loop3A_229 = vector.broadcast %parallel_loop3A_228 : i32 to vector<16xi32>
        %parallel_loop3A_230 = arith.andi %parallel_loop3A_224, %parallel_loop3A_229 : vector<16xi32>
        %parallel_loop3A_231 = tpu.vector_load_idx %arg6[%parallel_loop3A_227, %parallel_loop3A_230] : memref<800x128xf32, #tpu.memory_space<vmem>>[vector<16xi32>, vector<16xi32>], vector<16xf32>,
        %parallel_loop3A_232 = arith.constant 0 : i32
        %parallel_loop3A_233 = arith.index_cast %parallel_loop3A_232 : i32 to index
        %parallel_loop3A_234 = arith.index_cast %parallel_loop3A_220 : i32 to index
        %parallel_loop3A_235 = tpu.vector_load %arg8[%parallel_loop3A_233, %parallel_loop3A_234] {strides = array<i32>} : memref<2x4096xf32, #tpu.memory_space<vmem>>, vector<16xf32>,
        %parallel_loop3A_236 = arith.mulf %parallel_loop3A_235, %parallel_loop3A_231 : vector<16xf32>
        %parallel_loop3A_237 = arith.constant 0 : i32
        %parallel_loop3A_238 = arith.index_cast %parallel_loop3A_237 : i32 to index
        %parallel_loop3A_239 = arith.index_cast %parallel_loop3A_220 : i32 to index
        %parallel_loop3A_240 = tpu.vector_load %arg9[%parallel_loop3A_238, %parallel_loop3A_239] {strides = array<i32>} : memref<2x4096xf32, #tpu.memory_space<vmem>>, vector<16xf32>,
        tpu.vector_store %arg9[%parallel_loop3A_238, %parallel_loop3A_239], %parallel_loop3A_236 {strides = array<i32>} : memref<2x4096xf32, #tpu.memory_space<vmem>>, vector<16xf32>,
      } {sc.loop_unroll_factor = 16 : i64, sc.parallel_access}
      %add3A_214 = arith.constant 768 : i32
      %add3A_215 = arith.addi %add3A_53, %add3A_214 : i32
      %mul3A_216 = arith.constant 128 : i32
      %mul3A_217 = arith.muli %add3A_215, %mul3A_216 : i32
      %run_scoped3A = arith.constant 0 : i32
      "tpu.region"() ({
        %run_scoped3A_218 = tpu.sem_alloc : memref<!tpu.dma_semaphore, #tpu.memory_space<semaphore_mem>>
        %dma_start3A_219 = arith.constant 0 : i32
        %dma_start3A_220 = tpu.memref_slice %arg9[%run_scoped3A, %dma_start3A_219] : memref<2x4096xf32, #tpu.memory_space<vmem>> -> memref<1x2048xf32, #tpu.memory_space<vmem>>
        %dma_start3A_221 = tpu.memref_squeeze %dma_start3A_220 : memref<1x2048xf32, #tpu.memory_space<vmem>> -> memref<2048xf32, #tpu.memory_space<vmem>>
        %dma_start3A_222 = tpu.memref_slice %arg5[%mul3A_217] : memref<3200000xf32, #tpu.memory_space<hbm>> -> memref<2048xf32, #tpu.memory_space<hbm>>
        %dma_start3A_223 = tpu.memref_slice %arg5[%mul3A_217] : memref<3200000xf32, #tpu.memory_space<hbm>> -> memref<2048xf32, #tpu.memory_space<hbm>>
        %dma_start3A_224 = arith.constant 0 : i32
        %dma_start3A_225 = tpu.memref_slice %arg9[%run_scoped3A, %dma_start3A_224] : memref<2x4096xf32, #tpu.memory_space<vmem>> -> memref<1x2048xf32, #tpu.memory_space<vmem>>
        %dma_start3A_226 = tpu.memref_squeeze %dma_start3A_225 : memref<1x2048xf32, #tpu.memory_space<vmem>> -> memref<2048xf32, #tpu.memory_space<vmem>>
        tpu.enqueue_dma source(%dma_start3A_226 : memref<2048xf32, #tpu.memory_space<vmem>>) target(%dma_start3A_223 : memref<2048xf32, #tpu.memory_space<hbm>>) target_semaphore(%run_scoped3A_218 : memref<!tpu.dma_semaphore, #tpu.memory_space<semaphore_mem>>)
        %dma_wait3A_227 = arith.constant 0 : i32
        %dma_wait3A_228 = tpu.memref_slice %arg9[%run_scoped3A, %dma_wait3A_227] : memref<2x4096xf32, #tpu.memory_space<vmem>> -> memref<1x2048xf32, #tpu.memory_space<vmem>>
        %dma_wait3A_229 = tpu.memref_squeeze %dma_wait3A_228 : memref<1x2048xf32, #tpu.memory_space<vmem>> -> memref<2048xf32, #tpu.memory_space<vmem>>
        %dma_wait3A_230 = tpu.memref_slice %arg5[%mul3A_217] : memref<3200000xf32, #tpu.memory_space<hbm>> -> memref<2048xf32, #tpu.memory_space<hbm>>
        %dma_wait3A_231 = tpu.memref_slice %arg5[%mul3A_217] : memref<3200000xf32, #tpu.memory_space<hbm>> -> memref<2048xf32, #tpu.memory_space<hbm>>
        %dma_wait3A_232 = arith.constant 0 : i32
        %dma_wait3A_233 = tpu.memref_slice %arg9[%run_scoped3A, %dma_wait3A_232] : memref<2x4096xf32, #tpu.memory_space<vmem>> -> memref<1x2048xf32, #tpu.memory_space<vmem>>
        %dma_wait3A_234 = tpu.memref_squeeze %dma_wait3A_233 : memref<1x2048xf32, #tpu.memory_space<vmem>> -> memref<2048xf32, #tpu.memory_space<vmem>>
        tpu.wait_dma2 semaphore(%run_scoped3A_218 : memref<!tpu.dma_semaphore, #tpu.memory_space<semaphore_mem>>) src(%dma_wait3A_234 : memref<2048xf32, #tpu.memory_space<vmem>>) dst(%dma_wait3A_231 : memref<2048xf32, #tpu.memory_space<hbm>>)
        tpu.yield
      }) : () -> ()
    } else {
    }
    %ge3A = arith.constant 21 : i32
    %ge3A_156 = arith.cmpi sge, %add3A, %ge3A : i32
    %convert_element_type3A_157 = arith.extui %ge3A_156 : i1 to i32
    %cond3A_158 = arith.constant 0 : i32
    %cond3A_159 = arith.cmpi ne, %convert_element_type3A_157, %cond3A_158 : i32
    scf.if %cond3A_159 {
      %add3A_160 = arith.constant 768 : i32
      %add3A_161 = arith.addi %add3A_53, %add3A_160 : i32
      %mul3A_162 = arith.constant 128 : i32
      %mul3A_163 = arith.muli %add3A_161, %mul3A_162 : i32
      %dma_start3A_164 = arith.constant 1 : i32
      %dma_start3A_165 = arith.constant 1 : i32
      %dma_start3A_166 = arith.constant 0 : i32
      %dma_start3A_167 = tpu.memref_slice %arg7[%dma_start3A_165, %dma_start3A_166] : memref<2x4096xi32, #tpu.memory_space<vmem>> -> memref<1x1024xi32, #tpu.memory_space<vmem>>
      %dma_start3A_168 = tpu.memref_squeeze %dma_start3A_167 : memref<1x1024xi32, #tpu.memory_space<vmem>> -> memref<1024xi32, #tpu.memory_space<vmem>>
      %dma_start3A_169 = tpu.memref_slice %arg2[%dma_start3A_164, %mul3A_163] : memref<2x3200000xi32, #tpu.memory_space<hbm>> -> memref<1x1024xi32, #tpu.memory_space<hbm>>
      %dma_start3A_170 = tpu.memref_squeeze %dma_start3A_169 : memref<1x1024xi32, #tpu.memory_space<hbm>> -> memref<1024xi32, #tpu.memory_space<hbm>>
      %dma_start3A_171 = arith.constant 0 : i32
      %dma_start3A_172 = tpu.memref_slice %arg7[%dma_start3A_165, %dma_start3A_171] : memref<2x4096xi32, #tpu.memory_space<vmem>> -> memref<1x1024xi32, #tpu.memory_space<vmem>>
      %dma_start3A_173 = tpu.memref_squeeze %dma_start3A_172 : memref<1x1024xi32, #tpu.memory_space<vmem>> -> memref<1024xi32, #tpu.memory_space<vmem>>
      %dma_start3A_174 = tpu.memref_slice %arg2[%dma_start3A_164, %mul3A_163] : memref<2x3200000xi32, #tpu.memory_space<hbm>> -> memref<1x1024xi32, #tpu.memory_space<hbm>>
      %dma_start3A_175 = tpu.memref_squeeze %dma_start3A_174 : memref<1x1024xi32, #tpu.memory_space<hbm>> -> memref<1024xi32, #tpu.memory_space<hbm>>
      tpu.enqueue_dma source(%dma_start3A_175 : memref<1024xi32, #tpu.memory_space<hbm>>) target(%dma_start3A_173 : memref<1024xi32, #tpu.memory_space<vmem>>) target_semaphore(%arg11 : memref<!tpu.dma_semaphore, #tpu.memory_space<semaphore_mem>>)
      %mul3A_176 = arith.constant 128 : i32
      %mul3A_177 = arith.muli %add3A_161, %mul3A_176 : i32
      %dma_start3A_178 = arith.constant 1 : i32
      %dma_start3A_179 = arith.constant 0 : i32
      %dma_start3A_180 = tpu.memref_slice %arg8[%dma_start3A_178, %dma_start3A_179] : memref<2x4096xf32, #tpu.memory_space<vmem>> -> memref<1x1024xf32, #tpu.memory_space<vmem>>
      %dma_start3A_181 = tpu.memref_squeeze %dma_start3A_180 : memref<1x1024xf32, #tpu.memory_space<vmem>> -> memref<1024xf32, #tpu.memory_space<vmem>>
      %dma_start3A_182 = tpu.memref_slice %arg3[%mul3A_177] : memref<3200000xf32, #tpu.memory_space<hbm>> -> memref<1024xf32, #tpu.memory_space<hbm>>
      %dma_start3A_183 = arith.constant 0 : i32
      %dma_start3A_184 = tpu.memref_slice %arg8[%dma_start3A_178, %dma_start3A_183] : memref<2x4096xf32, #tpu.memory_space<vmem>> -> memref<1x1024xf32, #tpu.memory_space<vmem>>
      %dma_start3A_185 = tpu.memref_squeeze %dma_start3A_184 : memref<1x1024xf32, #tpu.memory_space<vmem>> -> memref<1024xf32, #tpu.memory_space<vmem>>
      %dma_start3A_186 = tpu.memref_slice %arg3[%mul3A_177] : memref<3200000xf32, #tpu.memory_space<hbm>> -> memref<1024xf32, #tpu.memory_space<hbm>>
      tpu.enqueue_dma source(%dma_start3A_186 : memref<1024xf32, #tpu.memory_space<hbm>>) target(%dma_start3A_185 : memref<1024xf32, #tpu.memory_space<vmem>>) target_semaphore(%arg11 : memref<!tpu.dma_semaphore, #tpu.memory_space<semaphore_mem>>)
      %dma_wait3A_187 = arith.constant 1 : i32
      %dma_wait3A_188 = arith.constant 1 : i32
      %dma_wait3A_189 = arith.constant 0 : i32
      %dma_wait3A_190 = tpu.memref_slice %arg7[%dma_wait3A_188, %dma_wait3A_189] : memref<2x4096xi32, #tpu.memory_space<vmem>> -> memref<1x1024xi32, #tpu.memory_space<vmem>>
      %dma_wait3A_191 = tpu.memref_squeeze %dma_wait3A_190 : memref<1x1024xi32, #tpu.memory_space<vmem>> -> memref<1024xi32, #tpu.memory_space<vmem>>
      %dma_wait3A_192 = arith.constant 0 : i32
      %dma_wait3A_193 = tpu.memref_slice %arg2[%dma_wait3A_187, %dma_wait3A_192] : memref<2x3200000xi32, #tpu.memory_space<hbm>> -> memref<1x1024xi32, #tpu.memory_space<hbm>>
      %dma_wait3A_194 = tpu.memref_squeeze %dma_wait3A_193 : memref<1x1024xi32, #tpu.memory_space<hbm>> -> memref<1024xi32, #tpu.memory_space<hbm>>
      %dma_wait3A_195 = arith.constant 0 : i32
      %dma_wait3A_196 = tpu.memref_slice %arg7[%dma_wait3A_188, %dma_wait3A_195] : memref<2x4096xi32, #tpu.memory_space<vmem>> -> memref<1x1024xi32, #tpu.memory_space<vmem>>
      %dma_wait3A_197 = tpu.memref_squeeze %dma_wait3A_196 : memref<1x1024xi32, #tpu.memory_space<vmem>> -> memref<1024xi32, #tpu.memory_space<vmem>>
      %dma_wait3A_198 = arith.constant 0 : i32
      %dma_wait3A_199 = tpu.memref_slice %arg2[%dma_wait3A_187, %dma_wait3A_198] : memref<2x3200000xi32, #tpu.memory_space<hbm>> -> memref<1x1024xi32, #tpu.memory_space<hbm>>
      %dma_wait3A_200 = tpu.memref_squeeze %dma_wait3A_199 : memref<1x1024xi32, #tpu.memory_space<hbm>> -> memref<1024xi32, #tpu.memory_space<hbm>>
      tpu.wait_dma2 semaphore(%arg11 : memref<!tpu.dma_semaphore, #tpu.memory_space<semaphore_mem>>) src(%dma_wait3A_200 : memref<1024xi32, #tpu.memory_space<hbm>>) dst(%dma_wait3A_197 : memref<1024xi32, #tpu.memory_space<vmem>>)
      %dma_wait3A_201 = arith.constant 1 : i32
      %dma_wait3A_202 = arith.constant 0 : i32
      %dma_wait3A_203 = tpu.memref_slice %arg8[%dma_wait3A_201, %dma_wait3A_202] : memref<2x4096xf32, #tpu.memory_space<vmem>> -> memref<1x1024xf32, #tpu.memory_space<vmem>>
      %dma_wait3A_204 = tpu.memref_squeeze %dma_wait3A_203 : memref<1x1024xf32, #tpu.memory_space<vmem>> -> memref<1024xf32, #tpu.memory_space<vmem>>
      %dma_wait3A_205 = arith.constant 0 : i32
      %dma_wait3A_206 = tpu.memref_slice %arg3[%dma_wait3A_205] : memref<3200000xf32, #tpu.memory_space<hbm>> -> memref<1024xf32, #tpu.memory_space<hbm>>
      %dma_wait3A_207 = arith.constant 0 : i32
      %dma_wait3A_208 = tpu.memref_slice %arg8[%dma_wait3A_201, %dma_wait3A_207] : memref<2x4096xf32, #tpu.memory_space<vmem>> -> memref<1x1024xf32, #tpu.memory_space<vmem>>
      %dma_wait3A_209 = tpu.memref_squeeze %dma_wait3A_208 : memref<1x1024xf32, #tpu.memory_space<vmem>> -> memref<1024xf32, #tpu.memory_space<vmem>>
      %dma_wait3A_210 = arith.constant 0 : i32
      %dma_wait3A_211 = tpu.memref_slice %arg3[%dma_wait3A_210] : memref<3200000xf32, #tpu.memory_space<hbm>> -> memref<1024xf32, #tpu.memory_space<hbm>>
      tpu.wait_dma2 semaphore(%arg11 : memref<!tpu.dma_semaphore, #tpu.memory_space<semaphore_mem>>) src(%dma_wait3A_211 : memref<1024xf32, #tpu.memory_space<hbm>>) dst(%dma_wait3A_209 : memref<1024xf32, #tpu.memory_space<vmem>>)
      %parallel_loop3A = arith.constant 0 : i32
      %parallel_loop3A_212 = arith.constant 64 : i32
      %parallel_loop3A_213 = arith.constant 1 : i32
      scf.for %parallel_loop3A_218 = %parallel_loop3A to %parallel_loop3A_212 step %parallel_loop3A_213  : i32 {
        %parallel_loop3A_219 = arith.constant 16 : i32
        %parallel_loop3A_220 = arith.muli %parallel_loop3A_218, %parallel_loop3A_219 : i32
        %parallel_loop3A_221 = arith.constant 1 : i32
        %parallel_loop3A_222 = arith.index_cast %parallel_loop3A_221 : i32 to index
        %parallel_loop3A_223 = arith.index_cast %parallel_loop3A_220 : i32 to index
        %parallel_loop3A_224 = tpu.vector_load %arg7[%parallel_loop3A_222, %parallel_loop3A_223] {strides = array<i32>} : memref<2x4096xi32, #tpu.memory_space<vmem>>, vector<16xi32>,
        %parallel_loop3A_225 = arith.constant 7 : i32
        %parallel_loop3A_226 = vector.broadcast %parallel_loop3A_225 : i32 to vector<16xi32>
        %parallel_loop3A_227 = arith.shrui %parallel_loop3A_224, %parallel_loop3A_226 : vector<16xi32>
        %parallel_loop3A_228 = arith.constant 127 : i32
        %parallel_loop3A_229 = vector.broadcast %parallel_loop3A_228 : i32 to vector<16xi32>
        %parallel_loop3A_230 = arith.andi %parallel_loop3A_224, %parallel_loop3A_229 : vector<16xi32>
        %parallel_loop3A_231 = tpu.vector_load_idx %arg6[%parallel_loop3A_227, %parallel_loop3A_230] : memref<800x128xf32, #tpu.memory_space<vmem>>[vector<16xi32>, vector<16xi32>], vector<16xf32>,
        %parallel_loop3A_232 = arith.constant 1 : i32
        %parallel_loop3A_233 = arith.index_cast %parallel_loop3A_232 : i32 to index
        %parallel_loop3A_234 = arith.index_cast %parallel_loop3A_220 : i32 to index
        %parallel_loop3A_235 = tpu.vector_load %arg8[%parallel_loop3A_233, %parallel_loop3A_234] {strides = array<i32>} : memref<2x4096xf32, #tpu.memory_space<vmem>>, vector<16xf32>,
        %parallel_loop3A_236 = arith.mulf %parallel_loop3A_235, %parallel_loop3A_231 : vector<16xf32>
        %parallel_loop3A_237 = arith.constant 1 : i32
        %parallel_loop3A_238 = arith.index_cast %parallel_loop3A_237 : i32 to index
        %parallel_loop3A_239 = arith.index_cast %parallel_loop3A_220 : i32 to index
        %parallel_loop3A_240 = tpu.vector_load %arg9[%parallel_loop3A_238, %parallel_loop3A_239] {strides = array<i32>} : memref<2x4096xf32, #tpu.memory_space<vmem>>, vector<16xf32>,
        tpu.vector_store %arg9[%parallel_loop3A_238, %parallel_loop3A_239], %parallel_loop3A_236 {strides = array<i32>} : memref<2x4096xf32, #tpu.memory_space<vmem>>, vector<16xf32>,
      } {sc.loop_unroll_factor = 16 : i64, sc.parallel_access}
      %add3A_214 = arith.constant 768 : i32
      %add3A_215 = arith.addi %add3A_53, %add3A_214 : i32
      %mul3A_216 = arith.constant 128 : i32
      %mul3A_217 = arith.muli %add3A_215, %mul3A_216 : i32
      %run_scoped3A = arith.constant 1 : i32
      "tpu.region"() ({
        %run_scoped3A_218 = tpu.sem_alloc : memref<!tpu.dma_semaphore, #tpu.memory_space<semaphore_mem>>
        %dma_start3A_219 = arith.constant 0 : i32
        %dma_start3A_220 = tpu.memref_slice %arg9[%run_scoped3A, %dma_start3A_219] : memref<2x4096xf32, #tpu.memory_space<vmem>> -> memref<1x1024xf32, #tpu.memory_space<vmem>>
        %dma_start3A_221 = tpu.memref_squeeze %dma_start3A_220 : memref<1x1024xf32, #tpu.memory_space<vmem>> -> memref<1024xf32, #tpu.memory_space<vmem>>
        %dma_start3A_222 = tpu.memref_slice %arg5[%mul3A_217] : memref<3200000xf32, #tpu.memory_space<hbm>> -> memref<1024xf32, #tpu.memory_space<hbm>>
        %dma_start3A_223 = tpu.memref_slice %arg5[%mul3A_217] : memref<3200000xf32, #tpu.memory_space<hbm>> -> memref<1024xf32, #tpu.memory_space<hbm>>
        %dma_start3A_224 = arith.constant 0 : i32
        %dma_start3A_225 = tpu.memref_slice %arg9[%run_scoped3A, %dma_start3A_224] : memref<2x4096xf32, #tpu.memory_space<vmem>> -> memref<1x1024xf32, #tpu.memory_space<vmem>>
        %dma_start3A_226 = tpu.memref_squeeze %dma_start3A_225 : memref<1x1024xf32, #tpu.memory_space<vmem>> -> memref<1024xf32, #tpu.memory_space<vmem>>
        tpu.enqueue_dma source(%dma_start3A_226 : memref<1024xf32, #tpu.memory_space<vmem>>) target(%dma_start3A_223 : memref<1024xf32, #tpu.memory_space<hbm>>) target_semaphore(%run_scoped3A_218 : memref<!tpu.dma_semaphore, #tpu.memory_space<semaphore_mem>>)
        %dma_wait3A_227 = arith.constant 0 : i32
        %dma_wait3A_228 = tpu.memref_slice %arg9[%run_scoped3A, %dma_wait3A_227] : memref<2x4096xf32, #tpu.memory_space<vmem>> -> memref<1x1024xf32, #tpu.memory_space<vmem>>
        %dma_wait3A_229 = tpu.memref_squeeze %dma_wait3A_228 : memref<1x1024xf32, #tpu.memory_space<vmem>> -> memref<1024xf32, #tpu.memory_space<vmem>>
        %dma_wait3A_230 = tpu.memref_slice %arg5[%mul3A_217] : memref<3200000xf32, #tpu.memory_space<hbm>> -> memref<1024xf32, #tpu.memory_space<hbm>>
        %dma_wait3A_231 = tpu.memref_slice %arg5[%mul3A_217] : memref<3200000xf32, #tpu.memory_space<hbm>> -> memref<1024xf32, #tpu.memory_space<hbm>>
        %dma_wait3A_232 = arith.constant 0 : i32
        %dma_wait3A_233 = tpu.memref_slice %arg9[%run_scoped3A, %dma_wait3A_232] : memref<2x4096xf32, #tpu.memory_space<vmem>> -> memref<1x1024xf32, #tpu.memory_space<vmem>>
        %dma_wait3A_234 = tpu.memref_squeeze %dma_wait3A_233 : memref<1x1024xf32, #tpu.memory_space<vmem>> -> memref<1024xf32, #tpu.memory_space<vmem>>
        tpu.wait_dma2 semaphore(%run_scoped3A_218 : memref<!tpu.dma_semaphore, #tpu.memory_space<semaphore_mem>>) src(%dma_wait3A_234 : memref<1024xf32, #tpu.memory_space<vmem>>) dst(%dma_wait3A_231 : memref<1024xf32, #tpu.memory_space<hbm>>)
        tpu.yield
      }) : () -> ()
    } else {
    }
    return
  }
}

module attributes {stable_mosaic.version = 14 : i64} {
  func.func @_finalize_tc(%arg0: memref<32x800x128xf32, #tpu.memory_space<vmem>>, %arg1: memref<800x128xf32, #tpu.memory_space<vmem>>, %arg2: memref<800x128xf32, #tpu.memory_space<vmem>>) attributes {dimension_semantics = [], scalar_prefetch = 0 : i64, scratch_operands = 0 : i64, tpu.core_type = #tpu.core_type<tc>} {
    %get3A = arith.constant 0 : index
    %get3A_0 = arith.constant 0 : index
    %get3A_1 = arith.constant 0 : index
    %get3A_2 = vector.load %arg0[%get3A, %get3A_0, %get3A_1] : memref<32x800x128xf32, #tpu.memory_space<vmem>>, vector<32x800x128xf32>
    %reduce_sum3A = arith.constant dense<0.000000e+00> : vector<800x128xf32>
    %reduce_sum3A_3 = vector.multi_reduction <add>, %get3A_2, %reduce_sum3A [0] : vector<32x800x128xf32> to vector<800x128xf32>
    %add3A = arith.constant 9.99999993E-9 : f32
    %add3A_4 = vector.broadcast %add3A : f32 to vector<800x128xf32>
    %add3A_5 = arith.addf %reduce_sum3A_3, %add3A_4 : vector<800x128xf32>
    %div3A = arith.constant 1.000000e+00 : f32
    %div3A_6 = vector.broadcast %div3A : f32 to vector<800x128xf32>
    %div3A_7 = arith.divf %div3A_6, %add3A_5 : vector<800x128xf32>
    %swap3A = arith.constant 0 : index
    %swap3A_8 = arith.constant 0 : index
    %swap3A_9 = vector.load %arg1[%swap3A, %swap3A_8] : memref<800x128xf32, #tpu.memory_space<vmem>>, vector<800x128xf32>
    tpu.vector_store %arg1[%swap3A, %swap3A_8], %div3A_7 {strides = array<i32>} : memref<800x128xf32, #tpu.memory_space<vmem>>, vector<800x128xf32>,
    %mul3A = arith.mulf %reduce_sum3A_3, %div3A_7 : vector<800x128xf32>
    %swap3A_10 = arith.constant 0 : index
    %swap3A_11 = arith.constant 0 : index
    %swap3A_12 = vector.load %arg2[%swap3A_10, %swap3A_11] : memref<800x128xf32, #tpu.memory_space<vmem>>, vector<800x128xf32>
    tpu.vector_store %arg2[%swap3A_10, %swap3A_11], %mul3A {strides = array<i32>} : memref<800x128xf32, #tpu.memory_space<vmem>>, vector<800x128xf32>,
    return
  }
}

</mosaic_0001>

<sc_bundles>
// kernel: kernel.5.cloned.1.call-start
scs
__scs_entry_jumppad:
0x0: {  	(pc) =	sbr.rel $0x88, $3  }
0x1: {  	(tag) =	ssettag $0x0;
	lr =	simm.s32 $0x1  }
0x2: {  	[smem:$0x3F9F] =	sst lr;
	_ =	strace $0xD0000000  }
0x3: {  	_ = 	snop  }
0x4: {  	_ = 	snop  }
0x5: {  	_ = 	snop  }
0x6: {  	_ = 	snop  }
0x7: {  	_ = 	snop  }
__scs_overlays_trampoline_lowered:
0x8: {  	[smem:$0x3FAE] =	sst s0  }
0x9: {  	[smem:$0x3FAF] =	sst s1  }
0xa: {  	[smem:$0x3FB0] =	sst s2  }
0xb: {  	[smem:$0x3FB1] =	sst s3  }
0xc: {  	[smem:$0x3FB2] =	sst s4  }
0xd: {  	[smem:$0x3FB3] =	sst s5  }
0xe: {  	[smem:$0x3FB4] =	sst s6  }
0xf: {  	[smem:$0x3FB5] =	sst s7  }
0x10: {  	[smem:$0x3FB6] =	sst s8  }
0x11: {  	[smem:$0x3FB7] =	sst s9;
	s0 =	simm.s32 @!p0 $0x0  }
0x12: {  	s1 =	sld [smem:$0x3F9D];
	s0 =	simm.s32 @p0 $0x1  }
0x13: {  	[smem:$0x3FB8] =	sst s0;
	s0 =	simm.s32 @!p1 $0x0  }
0x14: {  	s2 =	sld [smem:$0x3F9C];
	s0 =	simm.s32 @p1 $0x1  }
0x15: {  	[smem:$0x3FB9] =	sst s0;
	s0 =	simm.s32 @!p2 $0x0  }
0x16: {  	s3 =	sld [smem:$0x3FDB];
	s0 =	simm.s32 @p2 $0x1  }
0x17: {  	s4 =	simm.s32 $0x1BF5;
	[smem:$0x3FBB] =	sst s0  }
0x18: {  	s0 =	sld [smem:$0x3F9E];
	_ =	swait.ge [sflag:s4], $0x0  }
0x19: {  	s7 =	sld [smem:$0x3F9F]  }
0x1a: {  	s8 =	sadd.s32 $0xFFFFE003, lr  }
0x1b: {  	s9 =	sadd.s32 $0xFFFFFEF7, lr;
	s5 =	simm.s32 $0xFFFFFFFF;
	p2 =	slt.u32 s8, $0xFFFFF086  }
0x1c: {  	p1 =	slt.u32 s9, $0xF7A;
	s5 =	simm.s32 @!p2 $0x0  }
0x1d: {  	s5 =	simm.s32 @p1 $0x1;
	p0 =	seq.s32 s7, s2  }
0x1e: {  	s7 =	smul.u32 @!p0 $0xF7A, s2;
	p2 =	seq.s32 @!p0 s5, $0x0  }
0x1f: {  	s9 =	smul.u32 $0xF7A, s1;
	s8 =	simm.s32 @!p0 $0x1BF5;
	p2 =	por !p2, p0  }
0x20: {  	[sflag:s8] =	ssyncset.s32 @!p0 $0xFFFFF086;
	s6 =	sadd.s32 @!p0 s3, s7;
	s7 =	simm.s32 @!p0 $0x108  }
0x21: {  	s3 =	sadd.s32 s3, s9;
	s6 =	sadd.s32 @!p0 $0x88, s6;
	s7 =	simm.s32 @p2 $0x1082  }
0x22: {  	[simem:s7], [sflag:s8] =	dma.local @!p0 [hbm:s6], $0xF7A  }
0x23: {  	s9 =	sor.u32 $0xD0000000, s2;
	s6 =	simm.s32 $0x108;
	_ =	swait.ge @!p0 [sflag:s8], $0x0  }
0x24: {  	s3 =	sadd.s32 $0x88, s3;
	s6 =	simm.s32 @!p1 $0x1082;
	[sflag:s4] =	ssyncset.s32 $0xFFFFF086  }
0x25: {  	[simem:s6], [sflag:s4] =	dma.local [hbm:s3], $0xF7A  }
0x26: {  	[smem:$0x3F9F] =	sst s1;
	(tag) =	ssettag s2;
	_ =	strace s9  }
0x27: {  	s1 =	sld [smem:$0x3FAF]  }
0x28: {  	s2 =	sld [smem:$0x3FB0]  }
0x29: {  	s4 =	sld [smem:$0x3FB2]  }
0x2a: {  	p0 =	seq.s32 s5, $0x0;
	s5 =	sld [smem:$0x3FB3]  }
0x2b: {  	s6 =	sld [smem:$0x3FB4]  }
0x2c: {  	s7 =	sld [smem:$0x3FB5]  }
0x2d: {  	s3 =	simm.s32 $0x108;
	s8 =	sld [smem:$0x3FB6]  }
0x2e: {  	s3 =	simm.s32 @!p0 $0x1082;
	s9 =	sld [smem:$0x3FB7]  }
0x2f: {  	lr =	sadd.s32 s0, s3;
	s0 =	sld [smem:$0x3FAE]  }
0x30: {  	s3 =	sld [smem:$0x3FB1]  }
0x31: {  	[smem:$0x3FBA] =	sst s10  }
0x32: {  	s10 =	sld [smem:$0x3FB8];
	_ =	sdelay $0x3  }
0x33: {  	p0 =	seq.s32 s10, $0x1;
	s10 =	sld [smem:$0x3FBA];
	_ =	sdelay $0x3  }
0x34: {  	[smem:$0x3FBA] =	sst s10  }
0x35: {  	s10 =	sld [smem:$0x3FB9];
	_ =	sdelay $0x3  }
0x36: {  	p1 =	seq.s32 s10, $0x1;
	s10 =	sld [smem:$0x3FBA];
	_ =	sdelay $0x3  }
0x37: {  	[smem:$0x3FBA] =	sst s10  }
0x38: {  	s10 =	sld [smem:$0x3FBB]  }
0x39: {  	_ = 	snop;
	(pc) =	sbr.ind lr, $3  }
0x3a: {  	_ = 	snop  }
0x3b: {  	_ = 	snop  }
0x3c: {  	p2 =	seq.s32 s10, $0x1;
	s10 =	sld [smem:$0x3FBA]  }
0x3d: {  	_ =	shalt  }
0x3e: {  	_ =	shalt  }
0x3f: {  	_ =	shalt  }
0x40: {  	_ =	shalt  }
0x41: {  	_ =	shalt  }
0x42: {  	_ =	shalt  }
0x43: {  	_ =	shalt  }
0x44: {  	_ =	shalt  }
0x45: {  	_ =	shalt  }
0x46: {  	_ =	shalt  }
0x47: {  	_ =	shalt  }
0x48: {  	_ =	shalt  }
0x49: {  	_ =	shalt  }
0x4a: {  	_ =	shalt  }
0x4b: {  	_ =	shalt  }
0x4c: {  	_ =	shalt  }
0x4d: {  	_ =	shalt  }
0x4e: {  	_ =	shalt  }
0x4f: {  	_ =	shalt  }
0x50: {  	_ =	shalt  }
0x51: {  	_ =	shalt  }
0x52: {  	_ =	shalt  }
0x53: {  	_ =	shalt  }
0x54: {  	_ =	shalt  }
0x55: {  	_ =	shalt  }
0x56: {  	_ =	shalt  }
0x57: {  	_ =	shalt  }
0x58: {  	_ =	shalt  }
0x59: {  	_ =	shalt  }
0x5a: {  	_ =	shalt  }
0x5b: {  	_ =	shalt  }
0x5c: {  	_ =	shalt  }
0x5d: {  	_ =	shalt  }
0x5e: {  	_ =	shalt  }
0x5f: {  	_ =	shalt  }
0x60: {  	_ =	shalt  }
0x61: {  	_ =	shalt  }
0x62: {  	_ =	shalt  }
0x63: {  	_ =	shalt  }
0x64: {  	_ =	shalt  }
0x65: {  	_ =	shalt  }
0x66: {  	_ =	shalt  }
0x67: {  	_ =	shalt  }
0x68: {  	_ =	shalt  }
0x69: {  	_ =	shalt  }
0x6a: {  	_ =	shalt  }
0x6b: {  	_ =	shalt  }
0x6c: {  	_ =	shalt  }
0x6d: {  	_ =	shalt  }
0x6e: {  	_ =	shalt  }
0x6f: {  	_ =	shalt  }
0x70: {  	_ =	shalt  }
0x71: {  	_ =	shalt  }
0x72: {  	_ =	shalt  }
0x73: {  	_ =	shalt  }
0x74: {  	_ =	shalt  }
0x75: {  	_ =	shalt  }
0x76: {  	_ =	shalt  }
0x77: {  	_ =	shalt  }
0x78: {  	_ =	shalt  }
0x79: {  	_ =	shalt  }
0x7a: {  	_ =	shalt  }
0x7b: {  	_ =	shalt  }
0x7c: {  	_ =	shalt  }
0x7d: {  	_ =	shalt  }
0x7e: {  	_ =	shalt  }
0x7f: {  	_ =	shalt  }
0x80: {  	_ =	shalt  }
0x81: {  	_ =	shalt  }
0x82: {  	_ =	shalt  }
0x83: {  	_ =	shalt  }
0x84: {  	_ =	shalt  }
0x85: {  	_ =	shalt  }
0x86: {  	_ =	shalt  }
0x87: {  	_ =	shalt  }
.Lfunc_end0:
.L_simem_size_0:
called_computation_lowered:
.L_overlay_start_0:
0x88: {  	s2 =	sld [smem:$0x3FD9]  }
0x89: {  	s3 =	sld [smem:$0x3FFE];
	_ =	sdelay $0x1  }
0x8a: {  	s1 =	srdreg.scid  }
0x8b: {  	s0 =	sand.u32 $0x1, s1  }
0x8c: {  	s17 =	sshll.u32 s0, $0xA;
	s2 =	sadd.s32 s3, s2  }
0x8d: {  	s2 =	sadd.s32 s2, s17  }
0x8e: {  	[smem:$0x3FC6] =	sst s2  }
0x8f: {  	_ = 	snop  }
0x90: {  	s2 =	sld [smem:$0x3FC9]  }
0x91: {  	s18 =	sld [smem:$0x3FC8];
	(tm) =	ssettm $0x1  }
0x92: {  	s4 =	sld [smem:$0x3FFB];
	_ =	sdelay $0x3  }
0x93: {  	_ =	strace s4  }
0x94: {  	s4 =	sld [smem:$0x3FFC];
	_ =	sdelay $0x3  }
0x95: {  	_ =	strace s4  }
0x96: {  	s4 =	sld [smem:$0x3FFD];
	_ =	sdelay $0x3  }
0x97: {  	_ =	strace s4  }
0x98: {  	_ =	strace $0x8FFFFFFF  }
0x99: {  	s19 =	sld [smem:$0x3FDB];
	_ =	sdelay $0x1  }
0x9a: {  	s5 =	simm.s32 $_scs_section_size  }
0x9b: {  	s6 =	simm.s32 $_size__tile_overlayer_lowered;
	s7 =	simm.s32 $_tile_overlayer_lowered  }
0x9c: {  	s22 =	simm.s32 $0x1BFF;
	s21 =	sshll.u32 s7, $0x1;
	s4 =	sadd.s32 s5, s19  }
0x9d: {  	s8 =	simm.s32 $0x0;
	s20 =	sshll.u32 s6, $0x1;
	s6 =	sadd.s32 s21, s4  }
0x9e: {  	[timem:s8], [sflag:s22] =	dma.local [hbm:s6], s20  }
0x9f: {  	_ =	swait.ge [sflag:s22], s20  }
0xa0: {  	s5 =	ssub.s32 $0x0, s20;
	[sflag:s22] =	ssyncset.done $0x0  }
0xa1: {  	[sflag:s22] =	ssyncadd.s32 s5;
	_ =	sdelay $0x1  }
0xa2: {  	s23 =	simm.s32 $0x1B8B  }
0xa3: {  	_ =	swait.ge [sflag:s23], $0x1  }
0xa4: {  	[sflag:s23] =	ssyncset.done $0x0  }
0xa5: {  	s25 =	simm.s32 $0x1B8E;
	s24 =	sld [smem:$0x3FFE];
	[sflag:s23] =	ssyncadd.s32 $0xFFFFFFFF  }
0xa6: {  	s26 =	simm.s32 $execute0_lowered;
	[smem:$0x3FD2] =	sst s25  }
0xa7: {  	s6 =	sshll.u32 s26, $0x1;
	_ =	strace $0x80000046;
	[dreg:$0x1] =	wrdreg $0xFFFFFFFF  }
0xa8: {  	s28 =	simm.s32 $_size_execute0_lowered;
	s4 =	sadd.s32 s4, s6;
	[dreg:$0x0] =	wrdreg $0x0  }
0xa9: {  	s6 =	sshll.u32 s28, $0x1;
	[dreg:$0x2] =	wrdreg s4  }
0xaa: {  	[dreg:$0x3] =	wrdreg s6  }
0xab: {  	[dreg:$0x4] =	wrdreg $0xC0  }
0xac: {  	_ =	task [dreg:s8], $0x5FFFF  }
0xad: {  	[dreg:$0x1] =	wrdreg $0xFFFFFFFF  }
0xae: {  	[dreg:$0x0] =	wrdreg $0x60  }
0xaf: {  	[dreg:$0x2] =	wrdreg s2  }
0xb0: {  	[dreg:$0x3] =	wrdreg s18  }
0xb1: {  	[dreg:$0x4] =	wrdreg s24  }
0xb2: {  	[dreg:$0x5] =	wrdreg $0x9  }
0xb3: {  	_ =	task.clear_ibuf [dreg:s8], $0x6FFFF;
	_ =	strace $0x90000046  }
0xb4: {  	s29 =	simm.s32 $0x9;
	_ =	strace $0x80000048  }
0xb5: {  	_ =	swait.ge [sflag:s29], $0x1  }
0xb6: {  	[sflag:s29] =	ssyncadd.s32 $0xFFFFFFFF  }
0xb7: {  	_ =	strace $0x90000048  }
0xb8: {  	_ =	sfence  }
0xb9: {  	s30 =	sld [smem:$0x0];
	_ =	sdelay $0x2  }
0xba: {  	s31 =	sshll.u32 s1, $0xD;
	s1 =	sshrl.u32 s1, $0x2  }
0xbb: {  	s3 =	sand.u32 $0x4000, s31;
	s1 =	sadd.s32 s1, s30  }
0xbc: {  	s0 =	sor.u32 s3, s0;
	s1 =	sshll.u32 s1, $0x11  }
0xbd: {  	s0 =	sor.u32 s1, s0  }
0xbe: {  	s0 =	sadd.s32 $0x8F2B, s0  }
0xbf: {  	[sflag:s0] =	ssyncadd.remote.s32 $0x1  }
0xc0: {  	_ =	sfence.sel $0xFFFF  }
0xc1: {  	[dreg:$0x0] =	wrdreg $0xFFFFFFFF;
	(pc) =	sbr.abs _section_cstart, $3  }
0xc2: {  	[dreg:$0x1] =	wrdreg $0xFFFFFFFF  }
0xc3: {  	_ =	task.clear_ibuf [dreg:s8], $0x2FFFF;
	_ =	strace $0x9FFFFFFF  }
0xc4: {  	(tm) =	ssettm $0x7FFFFFFF  }
0xc5: {  	_ =	shalt  }
tec
execute0_lowered:
.L_overlay_start_1:
0x0: {  	(tag) =	ssettag $0x1  }
0x1: {  	s0 =	srdreg.scid;
	s1 =	rddreg [dreg:$0x0]  }
0x2: {  	s2 =	rddreg [dreg:$0x1];
	s5 =	stileid.u32  }
0x3: {  	s4 =	rddreg [dreg:$0x2];
	s13 =	simm.s32 $0x1;
	s14 =	simm.s32 $0x2  }
0x4: {  	s28 =	simm.s32 $0x3;
	s16 =	simm.s32 $0x19780;
	s17 =	simm.s32 $0x1B080  }
0x5: {  	s18 =	simm.s32 $0x1B280;
	s19 =	simm.s32 $0x1B380;
	s20 =	simm.s32 $0x1B480  }
0x6: {  	s21 =	simm.s32 $0x1B580;
	s22 =	simm.s32 $0x1B680;
	s0 =	sand.u32 $0x1, s0  }
0x7: {  	s23 =	simm.s32 $0x1B780;
	s24 =	simm.s32 $0x0;
	s3 =	sshll.u32 s0, $0x4  }
0x8: {  	s0 =	ssub.s32 $0x2, s0;
	s15 =	sor.u32 s5, s3;
	s3 =	simm.s32 $0x0  }
0x9: {  	s29 =	sshrl.u32 s0, $0x1;
	s5 =	smul.u32 $0x3200, s15;
	[smem:$0x7FF] =	sst s3  }
0xa: {  	s6 =	smul.u32 $0x308, s15;
	s7 =	smin.u32 s15, $0x15;
	s0 =	ssub.s32 s0, s29  }
0xb: {  	p0 =	sgt.u32 s15, $0x14;
	_ =	strace $0x80000047;
	s7 =	sshll.u32 s7, $0x3  }
0xc: {  	s12 =	smax.u32 s0, $0x1;
	s11 =	sadd.s32 s5, s4;
	s4 =	sadd.s32 s6, s7  }
.Ltmp0:
0xd: {  	s5 =	sadd.s32 $0x10, s1;
	s7 =	sshll.u32 s4, $0x5;
	(pc) =	sbr.rel .LBB2_1-.Ltmp0, $4  }
0xe: {  	s30 =	sadd.s32 $0x300, s4;
	s31 =	sshll.u32 s4, $0x4;
	s11 =	sadd.s32 $0xE00, s11  }
0xf: {  	s6 =	sadd.s32 s7, s5;
	s8 =	sshll.u32 s30, $0x5;
	s1 =	sshll.u32 s30, $0x4  }
0x10: {  	s7 =	sadd.s32 s2, s31;
	s9 =	sand.u32 $0x1FFFFF00, s8;
	s1 =	sand.u32 $0x1FFFFF80, s1  }
0x11: {  	v0 =	vimm.f32 $0.0e+00;
	s8 =	sadd.s32 $0x40, s4;
	s9 =	sadd.s32 s9, s5;
	s10 =	sadd.s32 s2, s1  }
.LBB2_28:
0x12: {  	s24 =	sadd.s32 $0x1, s24  }
0x13: {  	p1 =	sne.s32 s24, s12  }
.Ltmp1:
0x14: {  	_ = 	snop;
	(pc) =	sbr.rel @!p1 .LBB2_29-.Ltmp1, $4  }
0x15: {  	[hbm4b:s11+s3] =	stream.linear.scatter [tilespmem:s3], [sflag:$0x3], $0x19000, $0x38;
	[tilespmem:$0x1D000] =	vst v63  }
0x16: {  	_ =	swait.ge [sflag:s28], $0x19000  }
0x17: {  	[sflag:s28] =	ssyncset.done $0x0  }
0x18: {  	[sflag:s28] =	ssyncadd.s32 $0xFFFE7000  }
.LBB2_1:
0x19: {  	s25 =	simm.s32 $0x20  }
0x1a: {  	s26 =	sadd.s32 $0x0, s6;
	s1 =	simm.s32 $0x19100;
	s0 =	simm.s32 $0x19000  }
.LBB2_2:
0x1b: {  	[tilespmem:s0], [sflag:$0x1] =	stream.linear.gather [hbm4b:s26+s3], $0x80, $0x38;
	[tilespmem:$0x1D000] =	vst v63  }
0x1c: {  	s15 =	smov.u32 s25;
	s0 =	smov.u32 s1;
	p1 =	sne.s32 s25, $0x3E0  }
.Ltmp2:
0x1d: {  	s25 =	sadd.s32 $0x20, s25;
	(pc) =	sbr.rel @p1 .LBB2_2-.Ltmp2, $2  }
0x1e: {  	_ =	sdelay $0x2  }
0x1f: {  	s1 =	sadd.s32 $0x100, s1;
	s26 =	sadd.s32 s15, s6  }
0x20: {  	[tilespmem:s0], [sflag:$0x1] =	stream.linear.gather [hbm4b:s26+s3], $0x80, $0x38;
	[tilespmem:$0x1D000] =	vst v63  }
0x21: {  	s0 =	simm.s32 $0x0;
	s1 =	simm.s32 $0x1B000  }
.LBB2_4:
0x22: {  	p1 =	sne.s32 s0, $0x1F0  }
.Ltmp3:
0x23: {  	_ = 	snop;
	(pc) =	sbr.rel @p1 .LBB2_4-.Ltmp3, $4  }
0x24: {  	_ = 	snop  }
0x25: {  	s15 =	sadd.s32 s0, s7  }
0x26: {  	[tilespmem:s1], [sflag:$0x1] =	stream.linear.gather [hbm4b:s15+s3], $0x80, $0x38;
	[tilespmem:$0x1D000] =	vst v63  }
0x27: {  	s0 =	sadd.s32 $0x10, s0;
	s1 =	sadd.s32 $0x100, s1  }
0x28: {  	s25 =	simm.s32 $0x40  }
0x29: {  	[tilespmem:s25+$0xFFFFFFC0] =	vst v0  }
0x2a: {  	[tilespmem:s25+$0x30] =	vst v0  }
0x2b: {  	[tilespmem:s25+$0x20] =	vst v0  }
0x2c: {  	[tilespmem:s25+$0x10] =	vst v0  }
0x2d: {  	[tilespmem:s25+$0x0] =	vst v0  }
0x2e: {  	[tilespmem:s25+$0xFFFFFFF0] =	vst v0  }
0x2f: {  	s26 =	simm.s32 $0x0;
	[tilespmem:s25+$0xFFFFFFE0] =	vst v0  }
.LBB2_6:
0x30: {  	s26 =	sadd.s32 $0x8, s26;
	[tilespmem:s25+$0xFFFFFFD0] =	vst v0;
	s25 =	sadd.s32 $0x80, s25  }
0x31: {  	[tilespmem:s25+$0xFFFFFFC0] =	vst v0;
	p1 =	slt.u32 s26, $0x18F8  }
0x32: {  	[tilespmem:s25+$0x30] =	vst v0  }
.Ltmp4:
0x33: {  	[tilespmem:s25+$0x20] =	vst v0;
	(pc) =	sbr.rel @p1 .LBB2_6-.Ltmp4, $4  }
0x34: {  	[tilespmem:s25+$0x10] =	vst v0  }
0x35: {  	[tilespmem:s25+$0x0] =	vst v0  }
0x36: {  	[tilespmem:s25+$0xFFFFFFF0] =	vst v0  }
0x37: {  	[tilespmem:s25+$0xFFFFFFE0] =	vst v0  }
0x38: {  	[tilespmem:s25+$0xFFFFFFD0] =	vst v0;
	s25 =	simm.s32 $0x0  }
.LBB2_8:
0x39: {  	s26 =	sshll.u32 s25, $0x6  }
0x3a: {  	s0 =	sadd.s32 s26, s4  }
0x3b: {  	s29 =	sadd.s32 $0x20, s0  }
0x3c: {  	s0 =	sshll.u32 s29, $0x5  }
0x3d: {  	s0 =	sand.u32 $0x1FFFFF00, s0  }
0x3e: {  	s31 =	simm.s32 $0x19080;
	s30 =	sadd.s32 s0, s5  }
0x3f: {  	s1 =	simm.s32 $0x20;
	s0 =	simm.s32 $0x19180;
	s15 =	sadd.s32 $0x0, s30  }
.LBB2_9:
0x40: {  	[tilespmem:s31], [sflag:$0x2] =	stream.linear.gather [hbm4b:s15+s3], $0x80, $0x38;
	[tilespmem:$0x1D000] =	vst v63  }
0x41: {  	s15 =	smov.u32 s1;
	s31 =	smov.u32 s0;
	p1 =	sne.s32 s1, $0x3E0  }
.Ltmp5:
0x42: {  	s1 =	sadd.s32 $0x20, s1;
	(pc) =	sbr.rel @p1 .LBB2_9-.Ltmp5, $2  }
0x43: {  	_ =	sdelay $0x2  }
0x44: {  	s0 =	sadd.s32 $0x100, s0;
	s15 =	sadd.s32 s15, s30  }
0x45: {  	[tilespmem:s31], [sflag:$0x2] =	stream.linear.gather [hbm4b:s15+s3], $0x80, $0x38;
	[tilespmem:$0x1D000] =	vst v63  }
0x46: {  	s0 =	sshll.u32 s29, $0x4  }
0x47: {  	s0 =	sand.u32 $0x1FFFFF80, s0  }
0x48: {  	s30 =	simm.s32 $0x1B080;
	s29 =	sadd.s32 s2, s0  }
0x49: {  	s1 =	simm.s32 $0x10;
	s0 =	simm.s32 $0x1B180;
	s15 =	sadd.s32 $0x0, s29  }
.LBB2_11:
0x4a: {  	[tilespmem:s30], [sflag:$0x2] =	stream.linear.gather [hbm4b:s15+s3], $0x80, $0x38;
	[tilespmem:$0x1D000] =	vst v63  }
0x4b: {  	s15 =	smov.u32 s1;
	s30 =	smov.u32 s0;
	p1 =	sne.s32 s1, $0x1F0  }
.Ltmp6:
0x4c: {  	s1 =	sadd.s32 $0x10, s1;
	(pc) =	sbr.rel @p1 .LBB2_11-.Ltmp6, $2  }
0x4d: {  	_ =	sdelay $0x2  }
0x4e: {  	s0 =	sadd.s32 $0x100, s0;
	s15 =	sadd.s32 s15, s29  }
0x4f: {  	[tilespmem:s30], [sflag:$0x2] =	stream.linear.gather [hbm4b:s15+s3], $0x80, $0x38;
	[tilespmem:$0x1D000] =	vst v63  }
0x50: {  	_ =	swait.ge [sflag:s13], $0x1000  }
0x51: {  	[sflag:s13] =	ssyncset.done $0x0  }
0x52: {  	[sflag:s13] =	ssyncadd.s32 $0xFFFFF000  }
0x53: {  	_ =	swait.ge [sflag:s13], $0x1000  }
0x54: {  	[sflag:s13] =	ssyncset.done $0x0  }
0x55: {  	s0 =	simm.s32 $0x19100;
	[sflag:s13] =	ssyncadd.s32 $0xFFFFF000  }
0x56: {  	v1 =	vld [tilespmem:s0+$0x70]  }
0x57: {  	v2 =	vld [tilespmem:s0+$0xFFFFFF10]  }
0x58: {  	s29 =	simm.s32 $0x1B100;
	v3 =	vld [tilespmem:s0+$0xFFFFFF20]  }
0x59: {  	v4 =	vld [tilespmem:s29+$0x70]  }
0x5a: {  	v5 =	vld [tilespmem:s0+$0xFFFFFF30]  }
0x5b: {  	v6 =	vld [tilespmem:s0+$0xFFFFFF40]  }
0x5c: {  	v7 =	vld [tilespmem:s0+$0xFFFFFF50]  }
0x5d: {  	v8 =	vld [tilespmem:s0+$0xFFFFFF60]  }
0x5e: {  	v63 =	vld [tilespmem:s0+$0x0]  }
0x5f: {  	v9 =	vld [tilespmem:s0+$0x10]  }
0x60: {  	v10 =	vld [tilespmem:s0+$0x20]  }
0x61: {  	v11 =	vld [tilespmem:s0+$0x30]  }
0x62: {  	v12 =	vld [tilespmem:s0+$0x40]  }
0x63: {  	v13 =	vld [tilespmem:s0+$0x50]  }
0x64: {  	v14 =	vld [tilespmem:s0+$0x60]  }
0x65: {  	v15 =	vld [tilespmem:s0+$0xFFFFFF00]  }
0x66: {  	v16 =	vld [tilespmem:s29+$0xFFFFFF00]  }
0x67: {  	v17 =	vld [tilespmem:s29+$0xFFFFFF10]  }
0x68: {  	v18 =	vld [tilespmem:s29+$0xFFFFFF20]  }
0x69: {  	v19 =	vld [tilespmem:s29+$0xFFFFFF30]  }
0x6a: {  	v20 =	vld [tilespmem:s29+$0xFFFFFF40]  }
0x6b: {  	v21 =	vld [tilespmem:s29+$0xFFFFFF50]  }
0x6c: {  	v22 =	vld [tilespmem:s29+$0xFFFFFF60]  }
0x6d: {  	v23 =	vld [tilespmem:s29+$0xFFFFFF70]  }
0x6e: {  	v24 =	vld [tilespmem:s29+$0x0]  }
0x6f: {  	v25 =	vld [tilespmem:s29+$0x10]  }
0x70: {  	v26 =	vld [tilespmem:s29+$0x20]  }
0x71: {  	v27 =	vld [tilespmem:s29+$0x30]  }
0x72: {  	v28 =	vld [tilespmem:s29+$0x40]  }
0x73: {  	v29 =	vld [tilespmem:s29+$0x50]  }
0x74: {  	v30 =	vld [tilespmem:s29+$0x60]  }
0x75: {  	[tilespmem:v1+s3+$0x0] =	vst.idx.add.f32.msk $0xffff, v4  }
0x76: {  	v1 =	vld [tilespmem:s0+$0xFFFFFF70]  }
0x77: {  	[tilespmem:v15+s3+$0x0] =	vst.idx.add.f32.msk $0xffff, v16  }
0x78: {  	[tilespmem:v2+s3+$0x0] =	vst.idx.add.f32.msk $0xffff, v17  }
0x79: {  	[tilespmem:v3+s3+$0x0] =	vst.idx.add.f32.msk $0xffff, v18  }
0x7a: {  	[tilespmem:v5+s3+$0x0] =	vst.idx.add.f32.msk $0xffff, v19  }
0x7b: {  	[tilespmem:v6+s3+$0x0] =	vst.idx.add.f32.msk $0xffff, v20  }
0x7c: {  	[tilespmem:v7+s3+$0x0] =	vst.idx.add.f32.msk $0xffff, v21  }
0x7d: {  	[tilespmem:v8+s3+$0x0] =	vst.idx.add.f32.msk $0xffff, v22  }
0x7e: {  	[tilespmem:v63+s3+$0x0] =	vst.idx.add.f32.msk $0xffff, v24  }
0x7f: {  	[tilespmem:v9+s3+$0x0] =	vst.idx.add.f32.msk $0xffff, v25  }
0x80: {  	[tilespmem:v10+s3+$0x0] =	vst.idx.add.f32.msk $0xffff, v26  }
0x81: {  	[tilespmem:v11+s3+$0x0] =	vst.idx.add.f32.msk $0xffff, v27  }
0x82: {  	[tilespmem:v12+s3+$0x0] =	vst.idx.add.f32.msk $0xffff, v28  }
0x83: {  	[tilespmem:v13+s3+$0x0] =	vst.idx.add.f32.msk $0xffff, v29  }
0x84: {  	[tilespmem:v14+s3+$0x0] =	vst.idx.add.f32.msk $0xffff, v30  }
0x85: {  	s30 =	simm.s32 $0x0;
	s31 =	simm.s32 $0x19300;
	[tilespmem:v1+s3+$0x0] =	vst.idx.add.f32.msk $0xffff, v23  }
.LBB2_13:
0x86: {  	v1 =	vld [tilespmem:s31+$0x70];
	s30 =	sadd.s32 $0x10, s30  }
0x87: {  	v2 =	vld [tilespmem:s31+$0xFFFFFF10];
	p1 =	slt.u32 s30, $0xF0  }
0x88: {  	s29 =	sadd.s32 $0x200, s29;
	v3 =	vld [tilespmem:s31+$0xFFFFFF20]  }
0x89: {  	v4 =	vld [tilespmem:s29+$0x70]  }
0x8a: {  	v5 =	vld [tilespmem:s31+$0xFFFFFF30]  }
0x8b: {  	v6 =	vld [tilespmem:s31+$0xFFFFFF40]  }
0x8c: {  	v7 =	vld [tilespmem:s31+$0xFFFFFF50]  }
0x8d: {  	v8 =	vld [tilespmem:s31+$0xFFFFFF60]  }
0x8e: {  	[tilespmem:v1+s3+$0x0] =	vst.idx.add.f32.msk $0xffff, v4  }
0x8f: {  	v1 =	vld [tilespmem:s31+$0xFFFFFF70]  }
0x90: {  	v4 =	vld [tilespmem:s31+$0x0]  }
0x91: {  	v9 =	vld [tilespmem:s31+$0x10]  }
0x92: {  	v10 =	vld [tilespmem:s31+$0x20]  }
0x93: {  	v11 =	vld [tilespmem:s31+$0x30]  }
0x94: {  	v12 =	vld [tilespmem:s31+$0x40]  }
0x95: {  	v13 =	vld [tilespmem:s31+$0x50]  }
0x96: {  	v14 =	vld [tilespmem:s31+$0x60]  }
0x97: {  	v15 =	vld [tilespmem:s31+$0xFFFFFF00]  }
0x98: {  	v16 =	vld [tilespmem:s29+$0xFFFFFF00]  }
0x99: {  	v17 =	vld [tilespmem:s29+$0xFFFFFF10]  }
0x9a: {  	v18 =	vld [tilespmem:s29+$0xFFFFFF20]  }
0x9b: {  	v19 =	vld [tilespmem:s29+$0xFFFFFF30]  }
0x9c: {  	v20 =	vld [tilespmem:s29+$0xFFFFFF40]  }
0x9d: {  	v21 =	vld [tilespmem:s29+$0xFFFFFF50]  }
0x9e: {  	v22 =	vld [tilespmem:s29+$0xFFFFFF60]  }
0x9f: {  	v23 =	vld [tilespmem:s29+$0xFFFFFF70]  }
0xa0: {  	v24 =	vld [tilespmem:s29+$0x0]  }
0xa1: {  	v25 =	vld [tilespmem:s29+$0x10]  }
0xa2: {  	v26 =	vld [tilespmem:s29+$0x20]  }
0xa3: {  	v27 =	vld [tilespmem:s29+$0x30]  }
0xa4: {  	v28 =	vld [tilespmem:s29+$0x40]  }
0xa5: {  	v29 =	vld [tilespmem:s29+$0x50]  }
0xa6: {  	v30 =	vld [tilespmem:s29+$0x60]  }
0xa7: {  	[tilespmem:v15+s3+$0x0] =	vst.idx.add.f32.msk $0xffff, v16  }
0xa8: {  	[tilespmem:v2+s3+$0x0] =	vst.idx.add.f32.msk $0xffff, v17  }
0xa9: {  	[tilespmem:v3+s3+$0x0] =	vst.idx.add.f32.msk $0xffff, v18  }
0xaa: {  	[tilespmem:v5+s3+$0x0] =	vst.idx.add.f32.msk $0xffff, v19  }
0xab: {  	[tilespmem:v6+s3+$0x0] =	vst.idx.add.f32.msk $0xffff, v20  }
0xac: {  	[tilespmem:v7+s3+$0x0] =	vst.idx.add.f32.msk $0xffff, v21  }
0xad: {  	[tilespmem:v8+s3+$0x0] =	vst.idx.add.f32.msk $0xffff, v22  }
0xae: {  	[tilespmem:v1+s3+$0x0] =	vst.idx.add.f32.msk $0xffff, v23  }
0xaf: {  	[tilespmem:v4+s3+$0x0] =	vst.idx.add.f32.msk $0xffff, v24  }
0xb0: {  	[tilespmem:v9+s3+$0x0] =	vst.idx.add.f32.msk $0xffff, v25  }
.Ltmp7:
0xb1: {  	[tilespmem:v10+s3+$0x0] =	vst.idx.add.f32.msk $0xffff, v26;
	(pc) =	sbr.rel @p1 .LBB2_13-.Ltmp7, $4  }
0xb2: {  	[tilespmem:v11+s3+$0x0] =	vst.idx.add.f32.msk $0xffff, v27  }
0xb3: {  	[tilespmem:v12+s3+$0x0] =	vst.idx.add.f32.msk $0xffff, v28  }
0xb4: {  	[tilespmem:v13+s3+$0x0] =	vst.idx.add.f32.msk $0xffff, v29  }
0xb5: {  	s31 =	sadd.s32 $0x200, s31;
	[tilespmem:v14+s3+$0x0] =	vst.idx.add.f32.msk $0xffff, v30  }
0xb6: {  	p1 =	seq.s32 s25, $0xB  }
.Ltmp8:
0xb7: {  	_ = 	snop;
	(pc) =	sbr.rel @p1 .LBB2_20-.Ltmp8, $1  }
0xb8: {  	_ =	sdelay $0x3  }
0xb9: {  	s26 =	sadd.s32 s26, s8  }
0xba: {  	s0 =	sshll.u32 s26, $0x5  }
0xbb: {  	s0 =	sand.u32 $0x1FFFFF00, s0  }
0xbc: {  	s30 =	simm.s32 $0x19000;
	s29 =	sadd.s32 s0, s5  }
0xbd: {  	s1 =	simm.s32 $0x20;
	s0 =	simm.s32 $0x19100;
	s15 =	sadd.s32 $0x0, s29  }
.LBB2_16:
0xbe: {  	[tilespmem:s30], [sflag:$0x1] =	stream.linear.gather [hbm4b:s15+s3], $0x80, $0x38;
	[tilespmem:$0x1D000] =	vst v63  }
0xbf: {  	s15 =	smov.u32 s1;
	s30 =	smov.u32 s0;
	p1 =	sne.s32 s1, $0x3E0  }
.Ltmp9:
0xc0: {  	s1 =	sadd.s32 $0x20, s1;
	(pc) =	sbr.rel @p1 .LBB2_16-.Ltmp9, $2  }
0xc1: {  	_ =	sdelay $0x2  }
0xc2: {  	s0 =	sadd.s32 $0x100, s0;
	s15 =	sadd.s32 s15, s29  }
0xc3: {  	[tilespmem:s30], [sflag:$0x1] =	stream.linear.gather [hbm4b:s15+s3], $0x80, $0x38;
	[tilespmem:$0x1D000] =	vst v63  }
0xc4: {  	s0 =	sshll.u32 s26, $0x4  }
0xc5: {  	s0 =	sand.u32 $0x1FFFFF80, s0  }
0xc6: {  	s29 =	simm.s32 $0x1B000;
	s26 =	sadd.s32 s2, s0  }
0xc7: {  	s1 =	simm.s32 $0x10;
	s0 =	simm.s32 $0x1B100;
	s15 =	sadd.s32 $0x0, s26  }
.LBB2_18:
0xc8: {  	[tilespmem:s29], [sflag:$0x1] =	stream.linear.gather [hbm4b:s15+s3], $0x80, $0x38;
	[tilespmem:$0x1D000] =	vst v63  }
0xc9: {  	s15 =	smov.u32 s1;
	s29 =	smov.u32 s0;
	p1 =	sne.s32 s1, $0x1F0  }
.Ltmp10:
0xca: {  	s1 =	sadd.s32 $0x10, s1;
	(pc) =	sbr.rel @p1 .LBB2_18-.Ltmp10, $2  }
0xcb: {  	_ =	sdelay $0x2  }
0xcc: {  	s0 =	sadd.s32 $0x100, s0;
	s15 =	sadd.s32 s15, s26  }
0xcd: {  	[tilespmem:s29], [sflag:$0x1] =	stream.linear.gather [hbm4b:s15+s3], $0x80, $0x38;
	[tilespmem:$0x1D000] =	vst v63  }
.LBB2_20:
0xce: {  	_ =	swait.ge [sflag:s14], $0x1000  }
0xcf: {  	[sflag:s14] =	ssyncset.done $0x0  }
0xd0: {  	[sflag:s14] =	ssyncadd.s32 $0xFFFFF000  }
0xd1: {  	_ =	swait.ge [sflag:s14], $0x1000  }
0xd2: {  	[sflag:s14] =	ssyncset.done $0x0  }
0xd3: {  	s0 =	simm.s32 $0x19180;
	[sflag:s14] =	ssyncadd.s32 $0xFFFFF000  }
0xd4: {  	v1 =	vld [tilespmem:s0+$0x70]  }
0xd5: {  	v2 =	vld [tilespmem:s0+$0xFFFFFF10]  }
0xd6: {  	s26 =	simm.s32 $0x1B180;
	v3 =	vld [tilespmem:s0+$0xFFFFFF20]  }
0xd7: {  	v4 =	vld [tilespmem:s26+$0x70]  }
0xd8: {  	v5 =	vld [tilespmem:s0+$0xFFFFFF30]  }
0xd9: {  	v6 =	vld [tilespmem:s0+$0xFFFFFF40]  }
0xda: {  	v7 =	vld [tilespmem:s0+$0xFFFFFF50]  }
0xdb: {  	v8 =	vld [tilespmem:s0+$0xFFFFFF60]  }
0xdc: {  	v63 =	vld [tilespmem:s0+$0x0]  }
0xdd: {  	v9 =	vld [tilespmem:s0+$0x10]  }
0xde: {  	v10 =	vld [tilespmem:s0+$0x20]  }
0xdf: {  	v11 =	vld [tilespmem:s0+$0x30]  }
0xe0: {  	v12 =	vld [tilespmem:s0+$0x40]  }
0xe1: {  	v13 =	vld [tilespmem:s0+$0x50]  }
0xe2: {  	v14 =	vld [tilespmem:s0+$0x60]  }
0xe3: {  	v15 =	vld [tilespmem:s0+$0xFFFFFF00]  }
0xe4: {  	v16 =	vld [tilespmem:s26+$0xFFFFFF00]  }
0xe5: {  	v17 =	vld [tilespmem:s26+$0xFFFFFF10]  }
0xe6: {  	v18 =	vld [tilespmem:s26+$0xFFFFFF20]  }
0xe7: {  	v19 =	vld [tilespmem:s26+$0xFFFFFF30]  }
0xe8: {  	v20 =	vld [tilespmem:s26+$0xFFFFFF40]  }
0xe9: {  	v21 =	vld [tilespmem:s26+$0xFFFFFF50]  }
0xea: {  	v22 =	vld [tilespmem:s26+$0xFFFFFF60]  }
0xeb: {  	v23 =	vld [tilespmem:s26+$0xFFFFFF70]  }
0xec: {  	v24 =	vld [tilespmem:s26+$0x0]  }
0xed: {  	v25 =	vld [tilespmem:s26+$0x10]  }
0xee: {  	v26 =	vld [tilespmem:s26+$0x20]  }
0xef: {  	v27 =	vld [tilespmem:s26+$0x30]  }
0xf0: {  	v28 =	vld [tilespmem:s26+$0x40]  }
0xf1: {  	v29 =	vld [tilespmem:s26+$0x50]  }
0xf2: {  	v30 =	vld [tilespmem:s26+$0x60]  }
0xf3: {  	[tilespmem:v1+s3+$0x0] =	vst.idx.add.f32.msk $0xffff, v4  }
0xf4: {  	v1 =	vld [tilespmem:s0+$0xFFFFFF70]  }
0xf5: {  	[tilespmem:v15+s3+$0x0] =	vst.idx.add.f32.msk $0xffff, v16  }
0xf6: {  	[tilespmem:v2+s3+$0x0] =	vst.idx.add.f32.msk $0xffff, v17  }
0xf7: {  	[tilespmem:v3+s3+$0x0] =	vst.idx.add.f32.msk $0xffff, v18  }
0xf8: {  	[tilespmem:v5+s3+$0x0] =	vst.idx.add.f32.msk $0xffff, v19  }
0xf9: {  	[tilespmem:v6+s3+$0x0] =	vst.idx.add.f32.msk $0xffff, v20  }
0xfa: {  	[tilespmem:v7+s3+$0x0] =	vst.idx.add.f32.msk $0xffff, v21  }
0xfb: {  	[tilespmem:v8+s3+$0x0] =	vst.idx.add.f32.msk $0xffff, v22  }
0xfc: {  	[tilespmem:v63+s3+$0x0] =	vst.idx.add.f32.msk $0xffff, v24  }
0xfd: {  	[tilespmem:v9+s3+$0x0] =	vst.idx.add.f32.msk $0xffff, v25  }
0xfe: {  	[tilespmem:v10+s3+$0x0] =	vst.idx.add.f32.msk $0xffff, v26  }
0xff: {  	[tilespmem:v11+s3+$0x0] =	vst.idx.add.f32.msk $0xffff, v27  }
0x100: {  	[tilespmem:v12+s3+$0x0] =	vst.idx.add.f32.msk $0xffff, v28  }
0x101: {  	[tilespmem:v13+s3+$0x0] =	vst.idx.add.f32.msk $0xffff, v29  }
0x102: {  	[tilespmem:v14+s3+$0x0] =	vst.idx.add.f32.msk $0xffff, v30  }
0x103: {  	s29 =	simm.s32 $0x0;
	s30 =	simm.s32 $0x19380;
	[tilespmem:v1+s3+$0x0] =	vst.idx.add.f32.msk $0xffff, v23  }
.LBB2_21:
0x104: {  	v1 =	vld [tilespmem:s30+$0x70];
	s29 =	sadd.s32 $0x10, s29  }
0x105: {  	v2 =	vld [tilespmem:s30+$0xFFFFFF10];
	p1 =	slt.u32 s29, $0xF0  }
0x106: {  	s26 =	sadd.s32 $0x200, s26;
	v3 =	vld [tilespmem:s30+$0xFFFFFF20]  }
0x107: {  	v4 =	vld [tilespmem:s26+$0x70]  }
0x108: {  	v5 =	vld [tilespmem:s30+$0xFFFFFF30]  }
0x109: {  	v6 =	vld [tilespmem:s30+$0xFFFFFF40]  }
0x10a: {  	v7 =	vld [tilespmem:s30+$0xFFFFFF50]  }
0x10b: {  	v8 =	vld [tilespmem:s30+$0xFFFFFF60]  }
0x10c: {  	[tilespmem:v1+s3+$0x0] =	vst.idx.add.f32.msk $0xffff, v4  }
0x10d: {  	v1 =	vld [tilespmem:s30+$0xFFFFFF70]  }
0x10e: {  	v4 =	vld [tilespmem:s30+$0x0]  }
0x10f: {  	v9 =	vld [tilespmem:s30+$0x10]  }
0x110: {  	v10 =	vld [tilespmem:s30+$0x20]  }
0x111: {  	v11 =	vld [tilespmem:s30+$0x30]  }
0x112: {  	v12 =	vld [tilespmem:s30+$0x40]  }
0x113: {  	v13 =	vld [tilespmem:s30+$0x50]  }
0x114: {  	v14 =	vld [tilespmem:s30+$0x60]  }
0x115: {  	v15 =	vld [tilespmem:s30+$0xFFFFFF00]  }
0x116: {  	v16 =	vld [tilespmem:s26+$0xFFFFFF00]  }
0x117: {  	v17 =	vld [tilespmem:s26+$0xFFFFFF10]  }
0x118: {  	v18 =	vld [tilespmem:s26+$0xFFFFFF20]  }
0x119: {  	v19 =	vld [tilespmem:s26+$0xFFFFFF30]  }
0x11a: {  	v20 =	vld [tilespmem:s26+$0xFFFFFF40]  }
0x11b: {  	v21 =	vld [tilespmem:s26+$0xFFFFFF50]  }
0x11c: {  	v22 =	vld [tilespmem:s26+$0xFFFFFF60]  }
0x11d: {  	v23 =	vld [tilespmem:s26+$0xFFFFFF70]  }
0x11e: {  	v24 =	vld [tilespmem:s26+$0x0]  }
0x11f: {  	v25 =	vld [tilespmem:s26+$0x10]  }
0x120: {  	v26 =	vld [tilespmem:s26+$0x20]  }
0x121: {  	v27 =	vld [tilespmem:s26+$0x30]  }
0x122: {  	v28 =	vld [tilespmem:s26+$0x40]  }
0x123: {  	v29 =	vld [tilespmem:s26+$0x50]  }
0x124: {  	v30 =	vld [tilespmem:s26+$0x60]  }
0x125: {  	[tilespmem:v15+s3+$0x0] =	vst.idx.add.f32.msk $0xffff, v16  }
0x126: {  	[tilespmem:v2+s3+$0x0] =	vst.idx.add.f32.msk $0xffff, v17  }
0x127: {  	[tilespmem:v3+s3+$0x0] =	vst.idx.add.f32.msk $0xffff, v18  }
0x128: {  	[tilespmem:v5+s3+$0x0] =	vst.idx.add.f32.msk $0xffff, v19  }
0x129: {  	[tilespmem:v6+s3+$0x0] =	vst.idx.add.f32.msk $0xffff, v20  }
0x12a: {  	[tilespmem:v7+s3+$0x0] =	vst.idx.add.f32.msk $0xffff, v21  }
0x12b: {  	[tilespmem:v8+s3+$0x0] =	vst.idx.add.f32.msk $0xffff, v22  }
0x12c: {  	[tilespmem:v1+s3+$0x0] =	vst.idx.add.f32.msk $0xffff, v23  }
0x12d: {  	[tilespmem:v4+s3+$0x0] =	vst.idx.add.f32.msk $0xffff, v24  }
0x12e: {  	[tilespmem:v9+s3+$0x0] =	vst.idx.add.f32.msk $0xffff, v25  }
.Ltmp11:
0x12f: {  	[tilespmem:v10+s3+$0x0] =	vst.idx.add.f32.msk $0xffff, v26;
	(pc) =	sbr.rel @p1 .LBB2_21-.Ltmp11, $4  }
0x130: {  	[tilespmem:v11+s3+$0x0] =	vst.idx.add.f32.msk $0xffff, v27  }
0x131: {  	[tilespmem:v12+s3+$0x0] =	vst.idx.add.f32.msk $0xffff, v28  }
0x132: {  	[tilespmem:v13+s3+$0x0] =	vst.idx.add.f32.msk $0xffff, v29  }
0x133: {  	s30 =	sadd.s32 $0x200, s30;
	[tilespmem:v14+s3+$0x0] =	vst.idx.add.f32.msk $0xffff, v30  }
0x134: {  	s25 =	sadd.s32 $0x1, s25  }
0x135: {  	p1 =	sne.s32 s25, $0xC  }
.Ltmp12:
0x136: {  	_ = 	snop;
	(pc) =	sbr.rel @p1 .LBB2_8-.Ltmp12, $1  }
0x137: {  	_ =	sdelay $0x3  }
.Ltmp13:
0x138: {  	(pc) =	sbr.rel @p0 .LBB2_26-.Ltmp13, $3  }
0x139: {  	_ =	sdelay $0x1  }
0x13a: {  	s30 =	sadd.s32 $0x20, s9;
	s29 =	sadd.s32 $0x40, s9  }
0x13b: {  	s25 =	sadd.s32 $0x60, s9;
	s0 =	sadd.s32 $0x80, s9;
	s1 =	sadd.s32 $0xA0, s9  }
0x13c: {  	s15 =	simm.s32 $0x19000  }
0x13d: {  	[tilespmem:s15], [sflag:$0x1] =	stream.linear.gather [hbm4b:s9+s3], $0x80, $0x38;
	[tilespmem:$0x1D000] =	vst v63  }
0x13e: {  	s26 =	simm.s32 $0x19100  }
0x13f: {  	[tilespmem:s26], [sflag:$0x1] =	stream.linear.gather [hbm4b:s30+s3], $0x80, $0x38;
	[tilespmem:$0x1D000] =	vst v63  }
0x140: {  	s31 =	simm.s32 $0x19200  }
0x141: {  	[tilespmem:s31], [sflag:$0x1] =	stream.linear.gather [hbm4b:s29+s3], $0x80, $0x38;
	[tilespmem:$0x1D000] =	vst v63  }
0x142: {  	s30 =	simm.s32 $0x19300  }
0x143: {  	[tilespmem:s30], [sflag:$0x1] =	stream.linear.gather [hbm4b:s25+s3], $0x80, $0x38;
	[tilespmem:$0x1D000] =	vst v63  }
0x144: {  	s31 =	simm.s32 $0x19400  }
0x145: {  	[tilespmem:s31], [sflag:$0x1] =	stream.linear.gather [hbm4b:s0+s3], $0x80, $0x38;
	[tilespmem:$0x1D000] =	vst v63  }
0x146: {  	s25 =	simm.s32 $0x19500  }
0x147: {  	[tilespmem:s25], [sflag:$0x1] =	stream.linear.gather [hbm4b:s1+s3], $0x80, $0x38;
	[tilespmem:$0x1D000] =	vst v63  }
0x148: {  	s30 =	sadd.s32 $0xC0, s9;
	s31 =	simm.s32 $0x19600  }
0x149: {  	[tilespmem:s31], [sflag:$0x1] =	stream.linear.gather [hbm4b:s30+s3], $0x80, $0x38;
	[tilespmem:$0x1D000] =	vst v63  }
0x14a: {  	s15 =	sadd.s32 $0xE0, s9;
	s25 =	simm.s32 $0x19700  }
0x14b: {  	[tilespmem:s25], [sflag:$0x1] =	stream.linear.gather [hbm4b:s15+s3], $0x80, $0x38;
	[tilespmem:$0x1D000] =	vst v63  }
0x14c: {  	s30 =	sadd.s32 $0x100, s9;
	s31 =	simm.s32 $0x19800  }
0x14d: {  	[tilespmem:s31], [sflag:$0x1] =	stream.linear.gather [hbm4b:s30+s3], $0x80, $0x38;
	[tilespmem:$0x1D000] =	vst v63  }
0x14e: {  	s15 =	sadd.s32 $0x120, s9;
	s25 =	simm.s32 $0x19900  }
0x14f: {  	[tilespmem:s25], [sflag:$0x1] =	stream.linear.gather [hbm4b:s15+s3], $0x80, $0x38;
	[tilespmem:$0x1D000] =	vst v63  }
0x150: {  	s30 =	sadd.s32 $0x140, s9;
	s31 =	simm.s32 $0x19A00  }
0x151: {  	[tilespmem:s31], [sflag:$0x1] =	stream.linear.gather [hbm4b:s30+s3], $0x80, $0x38;
	[tilespmem:$0x1D000] =	vst v63  }
0x152: {  	s15 =	sadd.s32 $0x160, s9;
	s25 =	simm.s32 $0x19B00  }
0x153: {  	[tilespmem:s25], [sflag:$0x1] =	stream.linear.gather [hbm4b:s15+s3], $0x80, $0x38;
	[tilespmem:$0x1D000] =	vst v63  }
0x154: {  	s30 =	sadd.s32 $0x180, s9;
	s31 =	simm.s32 $0x19C00  }
0x155: {  	[tilespmem:s31], [sflag:$0x1] =	stream.linear.gather [hbm4b:s30+s3], $0x80, $0x38;
	[tilespmem:$0x1D000] =	vst v63  }
0x156: {  	s15 =	sadd.s32 $0x1A0, s9;
	s25 =	simm.s32 $0x19D00  }
0x157: {  	[tilespmem:s25], [sflag:$0x1] =	stream.linear.gather [hbm4b:s15+s3], $0x80, $0x38;
	[tilespmem:$0x1D000] =	vst v63  }
0x158: {  	s30 =	sadd.s32 $0x1C0, s9;
	s31 =	simm.s32 $0x19E00  }
0x159: {  	[tilespmem:s31], [sflag:$0x1] =	stream.linear.gather [hbm4b:s30+s3], $0x80, $0x38;
	[tilespmem:$0x1D000] =	vst v63  }
0x15a: {  	s15 =	sadd.s32 $0x1E0, s9;
	s25 =	simm.s32 $0x19F00  }
0x15b: {  	[tilespmem:s25], [sflag:$0x1] =	stream.linear.gather [hbm4b:s15+s3], $0x80, $0x38;
	[tilespmem:$0x1D000] =	vst v63  }
0x15c: {  	s30 =	simm.s32 $0x1B000  }
0x15d: {  	[tilespmem:s30], [sflag:$0x1] =	stream.linear.gather [hbm4b:s10+s3], $0x80, $0x38;
	[tilespmem:$0x1D000] =	vst v63  }
0x15e: {  	s31 =	sadd.s32 $0x10, s10;
	s25 =	simm.s32 $0x1B100  }
0x15f: {  	[tilespmem:s25], [sflag:$0x1] =	stream.linear.gather [hbm4b:s31+s3], $0x80, $0x38;
	[tilespmem:$0x1D000] =	vst v63  }
0x160: {  	s1 =	sadd.s32 $0x20, s10;
	s15 =	simm.s32 $0x1B200  }
0x161: {  	[tilespmem:s15], [sflag:$0x1] =	stream.linear.gather [hbm4b:s1+s3], $0x80, $0x38;
	[tilespmem:$0x1D000] =	vst v63  }
0x162: {  	s30 =	sadd.s32 $0x30, s10;
	s31 =	simm.s32 $0x1B300  }
0x163: {  	[tilespmem:s31], [sflag:$0x1] =	stream.linear.gather [hbm4b:s30+s3], $0x80, $0x38;
	[tilespmem:$0x1D000] =	vst v63  }
0x164: {  	s1 =	sadd.s32 $0x40, s10;
	s15 =	simm.s32 $0x1B400  }
0x165: {  	[tilespmem:s15], [sflag:$0x1] =	stream.linear.gather [hbm4b:s1+s3], $0x80, $0x38;
	[tilespmem:$0x1D000] =	vst v63  }
0x166: {  	s30 =	sadd.s32 $0x50, s10;
	s31 =	simm.s32 $0x1B500  }
0x167: {  	[tilespmem:s31], [sflag:$0x1] =	stream.linear.gather [hbm4b:s30+s3], $0x80, $0x38;
	[tilespmem:$0x1D000] =	vst v63  }
0x168: {  	s1 =	sadd.s32 $0x60, s10;
	s15 =	simm.s32 $0x1B600  }
0x169: {  	[tilespmem:s15], [sflag:$0x1] =	stream.linear.gather [hbm4b:s1+s3], $0x80, $0x38;
	[tilespmem:$0x1D000] =	vst v63  }
0x16a: {  	s30 =	sadd.s32 $0x70, s10;
	s31 =	simm.s32 $0x1B700  }
0x16b: {  	[tilespmem:s31], [sflag:$0x1] =	stream.linear.gather [hbm4b:s30+s3], $0x80, $0x38;
	[tilespmem:$0x1D000] =	vst v63  }
0x16c: {  	s1 =	sadd.s32 $0x80, s10;
	s15 =	simm.s32 $0x1B800  }
0x16d: {  	[tilespmem:s15], [sflag:$0x1] =	stream.linear.gather [hbm4b:s1+s3], $0x80, $0x38;
	[tilespmem:$0x1D000] =	vst v63  }
0x16e: {  	s30 =	sadd.s32 $0x90, s10;
	s31 =	simm.s32 $0x1B900  }
0x16f: {  	[tilespmem:s31], [sflag:$0x1] =	stream.linear.gather [hbm4b:s30+s3], $0x80, $0x38;
	[tilespmem:$0x1D000] =	vst v63  }
0x170: {  	s1 =	sadd.s32 $0xA0, s10;
	s15 =	simm.s32 $0x1BA00  }
0x171: {  	[tilespmem:s15], [sflag:$0x1] =	stream.linear.gather [hbm4b:s1+s3], $0x80, $0x38;
	[tilespmem:$0x1D000] =	vst v63  }
0x172: {  	s30 =	sadd.s32 $0xB0, s10;
	s31 =	simm.s32 $0x1BB00  }
0x173: {  	[tilespmem:s31], [sflag:$0x1] =	stream.linear.gather [hbm4b:s30+s3], $0x80, $0x38;
	[tilespmem:$0x1D000] =	vst v63  }
0x174: {  	s1 =	sadd.s32 $0xC0, s10;
	s15 =	simm.s32 $0x1BC00  }
0x175: {  	[tilespmem:s15], [sflag:$0x1] =	stream.linear.gather [hbm4b:s1+s3], $0x80, $0x38;
	[tilespmem:$0x1D000] =	vst v63  }
0x176: {  	s30 =	sadd.s32 $0xD0, s10;
	s31 =	simm.s32 $0x1BD00  }
0x177: {  	[tilespmem:s31], [sflag:$0x1] =	stream.linear.gather [hbm4b:s30+s3], $0x80, $0x38;
	[tilespmem:$0x1D000] =	vst v63  }
0x178: {  	s1 =	sadd.s32 $0xE0, s10;
	s15 =	simm.s32 $0x1BE00  }
0x179: {  	[tilespmem:s15], [sflag:$0x1] =	stream.linear.gather [hbm4b:s1+s3], $0x80, $0x38;
	[tilespmem:$0x1D000] =	vst v63  }
0x17a: {  	s30 =	sadd.s32 $0xF0, s10;
	s31 =	simm.s32 $0x1BF00  }
0x17b: {  	[tilespmem:s31], [sflag:$0x1] =	stream.linear.gather [hbm4b:s30+s3], $0x80, $0x38;
	[tilespmem:$0x1D000] =	vst v63  }
0x17c: {  	_ =	swait.ge [sflag:s13], $0x800  }
0x17d: {  	[sflag:s13] =	ssyncset.done $0x0  }
0x17e: {  	[sflag:s13] =	ssyncadd.s32 $0xFFFFF800  }
0x17f: {  	_ =	swait.ge [sflag:s13], $0x800  }
0x180: {  	[sflag:s13] =	ssyncset.done $0x0  }
0x181: {  	[sflag:s13] =	ssyncadd.s32 $0xFFFFF800  }
0x182: {  	v1 =	vld [tilespmem:s26+$0x70]  }
0x183: {  	v2 =	vld [tilespmem:s26+$0xFFFFFF10]  }
0x184: {  	v3 =	vld [tilespmem:s26+$0xFFFFFF20]  }
0x185: {  	v4 =	vld [tilespmem:s25+$0x70]  }
0x186: {  	v5 =	vld [tilespmem:s26+$0xFFFFFF30]  }
0x187: {  	v6 =	vld [tilespmem:s26+$0xFFFFFF40]  }
0x188: {  	v7 =	vld [tilespmem:s26+$0xFFFFFF50]  }
0x189: {  	v8 =	vld [tilespmem:s26+$0xFFFFFF60]  }
0x18a: {  	v63 =	vld [tilespmem:s26+$0x0]  }
0x18b: {  	v9 =	vld [tilespmem:s26+$0x10]  }
0x18c: {  	v10 =	vld [tilespmem:s26+$0x20]  }
0x18d: {  	v11 =	vld [tilespmem:s26+$0x30]  }
0x18e: {  	v12 =	vld [tilespmem:s26+$0x40]  }
0x18f: {  	v13 =	vld [tilespmem:s26+$0x50]  }
0x190: {  	v14 =	vld [tilespmem:s26+$0x60]  }
0x191: {  	v15 =	vld [tilespmem:s26+$0xFFFFFF00]  }
0x192: {  	v16 =	vld [tilespmem:s25+$0xFFFFFF00]  }
0x193: {  	v17 =	vld [tilespmem:s25+$0xFFFFFF10]  }
0x194: {  	v18 =	vld [tilespmem:s25+$0xFFFFFF20]  }
0x195: {  	v19 =	vld [tilespmem:s25+$0xFFFFFF30]  }
0x196: {  	v20 =	vld [tilespmem:s25+$0xFFFFFF40]  }
0x197: {  	v21 =	vld [tilespmem:s25+$0xFFFFFF50]  }
0x198: {  	v22 =	vld [tilespmem:s25+$0xFFFFFF60]  }
0x199: {  	v23 =	vld [tilespmem:s25+$0xFFFFFF70]  }
0x19a: {  	v24 =	vld [tilespmem:s25+$0x0]  }
0x19b: {  	v25 =	vld [tilespmem:s25+$0x10]  }
0x19c: {  	v26 =	vld [tilespmem:s25+$0x20]  }
0x19d: {  	v27 =	vld [tilespmem:s25+$0x30]  }
0x19e: {  	v28 =	vld [tilespmem:s25+$0x40]  }
0x19f: {  	v29 =	vld [tilespmem:s25+$0x50]  }
0x1a0: {  	v30 =	vld [tilespmem:s25+$0x60]  }
0x1a1: {  	[tilespmem:v1+s3+$0x0] =	vst.idx.add.f32.msk $0xffff, v4  }
0x1a2: {  	v1 =	vld [tilespmem:s26+$0xFFFFFF70]  }
0x1a3: {  	[tilespmem:v15+s3+$0x0] =	vst.idx.add.f32.msk $0xffff, v16  }
0x1a4: {  	[tilespmem:v2+s3+$0x0] =	vst.idx.add.f32.msk $0xffff, v17  }
0x1a5: {  	[tilespmem:v3+s3+$0x0] =	vst.idx.add.f32.msk $0xffff, v18  }
0x1a6: {  	[tilespmem:v5+s3+$0x0] =	vst.idx.add.f32.msk $0xffff, v19  }
0x1a7: {  	[tilespmem:v6+s3+$0x0] =	vst.idx.add.f32.msk $0xffff, v20  }
0x1a8: {  	[tilespmem:v7+s3+$0x0] =	vst.idx.add.f32.msk $0xffff, v21  }
0x1a9: {  	[tilespmem:v8+s3+$0x0] =	vst.idx.add.f32.msk $0xffff, v22  }
0x1aa: {  	[tilespmem:v63+s3+$0x0] =	vst.idx.add.f32.msk $0xffff, v24  }
0x1ab: {  	[tilespmem:v9+s3+$0x0] =	vst.idx.add.f32.msk $0xffff, v25  }
0x1ac: {  	[tilespmem:v10+s3+$0x0] =	vst.idx.add.f32.msk $0xffff, v26  }
0x1ad: {  	[tilespmem:v11+s3+$0x0] =	vst.idx.add.f32.msk $0xffff, v27  }
0x1ae: {  	[tilespmem:v12+s3+$0x0] =	vst.idx.add.f32.msk $0xffff, v28  }
0x1af: {  	[tilespmem:v13+s3+$0x0] =	vst.idx.add.f32.msk $0xffff, v29  }
0x1b0: {  	[tilespmem:v14+s3+$0x0] =	vst.idx.add.f32.msk $0xffff, v30  }
0x1b1: {  	s29 =	simm.s32 $0x19300;
	s26 =	simm.s32 $0x0;
	[tilespmem:v1+s3+$0x0] =	vst.idx.add.f32.msk $0xffff, v23  }
.LBB2_25:
0x1b2: {  	v1 =	vld [tilespmem:s29+$0x70];
	s26 =	sadd.s32 $0x10, s26  }
0x1b3: {  	v2 =	vld [tilespmem:s29+$0xFFFFFF10];
	p1 =	slt.u32 s26, $0x70  }
0x1b4: {  	s25 =	sadd.s32 $0x200, s25;
	v3 =	vld [tilespmem:s29+$0xFFFFFF20]  }
0x1b5: {  	v4 =	vld [tilespmem:s25+$0x70]  }
0x1b6: {  	v5 =	vld [tilespmem:s29+$0xFFFFFF30]  }
0x1b7: {  	v6 =	vld [tilespmem:s29+$0xFFFFFF40]  }
0x1b8: {  	v7 =	vld [tilespmem:s29+$0xFFFFFF50]  }
0x1b9: {  	v8 =	vld [tilespmem:s29+$0xFFFFFF60]  }
0x1ba: {  	[tilespmem:v1+s3+$0x0] =	vst.idx.add.f32.msk $0xffff, v4  }
0x1bb: {  	v1 =	vld [tilespmem:s29+$0xFFFFFF70]  }
0x1bc: {  	v4 =	vld [tilespmem:s29+$0x0]  }
0x1bd: {  	v9 =	vld [tilespmem:s29+$0x10]  }
0x1be: {  	v10 =	vld [tilespmem:s29+$0x20]  }
0x1bf: {  	v11 =	vld [tilespmem:s29+$0x30]  }
0x1c0: {  	v12 =	vld [tilespmem:s29+$0x40]  }
0x1c1: {  	v13 =	vld [tilespmem:s29+$0x50]  }
0x1c2: {  	v14 =	vld [tilespmem:s29+$0x60]  }
0x1c3: {  	v15 =	vld [tilespmem:s29+$0xFFFFFF00]  }
0x1c4: {  	v16 =	vld [tilespmem:s25+$0xFFFFFF00]  }
0x1c5: {  	v17 =	vld [tilespmem:s25+$0xFFFFFF10]  }
0x1c6: {  	v18 =	vld [tilespmem:s25+$0xFFFFFF20]  }
0x1c7: {  	v19 =	vld [tilespmem:s25+$0xFFFFFF30]  }
0x1c8: {  	v20 =	vld [tilespmem:s25+$0xFFFFFF40]  }
0x1c9: {  	v21 =	vld [tilespmem:s25+$0xFFFFFF50]  }
0x1ca: {  	v22 =	vld [tilespmem:s25+$0xFFFFFF60]  }
0x1cb: {  	v23 =	vld [tilespmem:s25+$0xFFFFFF70]  }
0x1cc: {  	v24 =	vld [tilespmem:s25+$0x0]  }
0x1cd: {  	v25 =	vld [tilespmem:s25+$0x10]  }
0x1ce: {  	v26 =	vld [tilespmem:s25+$0x20]  }
0x1cf: {  	v27 =	vld [tilespmem:s25+$0x30]  }
0x1d0: {  	v28 =	vld [tilespmem:s25+$0x40]  }
0x1d1: {  	v29 =	vld [tilespmem:s25+$0x50]  }
0x1d2: {  	v30 =	vld [tilespmem:s25+$0x60]  }
0x1d3: {  	[tilespmem:v15+s3+$0x0] =	vst.idx.add.f32.msk $0xffff, v16  }
0x1d4: {  	[tilespmem:v2+s3+$0x0] =	vst.idx.add.f32.msk $0xffff, v17  }
0x1d5: {  	[tilespmem:v3+s3+$0x0] =	vst.idx.add.f32.msk $0xffff, v18  }
0x1d6: {  	[tilespmem:v5+s3+$0x0] =	vst.idx.add.f32.msk $0xffff, v19  }
0x1d7: {  	[tilespmem:v6+s3+$0x0] =	vst.idx.add.f32.msk $0xffff, v20  }
0x1d8: {  	[tilespmem:v7+s3+$0x0] =	vst.idx.add.f32.msk $0xffff, v21  }
0x1d9: {  	[tilespmem:v8+s3+$0x0] =	vst.idx.add.f32.msk $0xffff, v22  }
0x1da: {  	[tilespmem:v1+s3+$0x0] =	vst.idx.add.f32.msk $0xffff, v23  }
0x1db: {  	[tilespmem:v4+s3+$0x0] =	vst.idx.add.f32.msk $0xffff, v24  }
0x1dc: {  	[tilespmem:v9+s3+$0x0] =	vst.idx.add.f32.msk $0xffff, v25  }
.Ltmp14:
0x1dd: {  	[tilespmem:v10+s3+$0x0] =	vst.idx.add.f32.msk $0xffff, v26;
	(pc) =	sbr.rel @p1 .LBB2_25-.Ltmp14, $4  }
0x1de: {  	[tilespmem:v11+s3+$0x0] =	vst.idx.add.f32.msk $0xffff, v27  }
0x1df: {  	[tilespmem:v12+s3+$0x0] =	vst.idx.add.f32.msk $0xffff, v28  }
0x1e0: {  	[tilespmem:v13+s3+$0x0] =	vst.idx.add.f32.msk $0xffff, v29  }
0x1e1: {  	s29 =	sadd.s32 $0x200, s29;
	[tilespmem:v14+s3+$0x0] =	vst.idx.add.f32.msk $0xffff, v30  }
.Ltmp15:
0x1e2: {  	_ = 	snop;
	(pc) =	sbr.rel .LBB2_28-.Ltmp15, $1  }
0x1e3: {  	_ =	sdelay $0x3  }
.LBB2_26:
0x1e4: {  	s15 =	simm.s32 $0x19080  }
0x1e5: {  	[tilespmem:s15], [sflag:$0x2] =	stream.linear.gather [hbm4b:s9+s3], $0x80, $0x38;
	[tilespmem:$0x1D000] =	vst v63  }
0x1e6: {  	s15 =	simm.s32 $0x19180  }
0x1e7: {  	[tilespmem:s15], [sflag:$0x2] =	stream.linear.gather [hbm4b:s30+s3], $0x80, $0x38;
	[tilespmem:$0x1D000] =	vst v63  }
0x1e8: {  	s26 =	simm.s32 $0x19280  }
0x1e9: {  	[tilespmem:s26], [sflag:$0x2] =	stream.linear.gather [hbm4b:s29+s3], $0x80, $0x38;
	[tilespmem:$0x1D000] =	vst v63  }
0x1ea: {  	s30 =	simm.s32 $0x19380  }
0x1eb: {  	[tilespmem:s30], [sflag:$0x2] =	stream.linear.gather [hbm4b:s25+s3], $0x80, $0x38;
	[tilespmem:$0x1D000] =	vst v63  }
0x1ec: {  	s31 =	simm.s32 $0x19480  }
0x1ed: {  	[tilespmem:s31], [sflag:$0x2] =	stream.linear.gather [hbm4b:s0+s3], $0x80, $0x38;
	[tilespmem:$0x1D000] =	vst v63  }
0x1ee: {  	s26 =	simm.s32 $0x19580  }
0x1ef: {  	[tilespmem:s26], [sflag:$0x2] =	stream.linear.gather [hbm4b:s1+s3], $0x80, $0x38;
	[tilespmem:$0x1D000] =	vst v63  }
0x1f0: {  	s30 =	sadd.s32 $0xC0, s9;
	s31 =	simm.s32 $0x19680  }
0x1f1: {  	[tilespmem:s31], [sflag:$0x2] =	stream.linear.gather [hbm4b:s30+s3], $0x80, $0x38;
	[tilespmem:$0x1D000] =	vst v63  }
0x1f2: {  	s25 =	sadd.s32 $0xE0, s9  }
0x1f3: {  	[tilespmem:s16], [sflag:$0x2] =	stream.linear.gather [hbm4b:s25+s3], $0x80, $0x38;
	[tilespmem:$0x1D000] =	vst v63  }
0x1f4: {  	_ = 	snop  }
0x1f5: {  	[tilespmem:s17], [sflag:$0x2] =	stream.linear.gather [hbm4b:s10+s3], $0x80, $0x38;
	[tilespmem:$0x1D000] =	vst v63  }
0x1f6: {  	s26 =	sadd.s32 $0x10, s10;
	s25 =	simm.s32 $0x1B180  }
0x1f7: {  	[tilespmem:s25], [sflag:$0x2] =	stream.linear.gather [hbm4b:s26+s3], $0x80, $0x38;
	[tilespmem:$0x1D000] =	vst v63  }
0x1f8: {  	s30 =	sadd.s32 $0x20, s10  }
0x1f9: {  	[tilespmem:s18], [sflag:$0x2] =	stream.linear.gather [hbm4b:s30+s3], $0x80, $0x38;
	[tilespmem:$0x1D000] =	vst v63  }
0x1fa: {  	s31 =	sadd.s32 $0x30, s10  }
0x1fb: {  	[tilespmem:s19], [sflag:$0x2] =	stream.linear.gather [hbm4b:s31+s3], $0x80, $0x38;
	[tilespmem:$0x1D000] =	vst v63  }
0x1fc: {  	s1 =	sadd.s32 $0x40, s10  }
0x1fd: {  	[tilespmem:s20], [sflag:$0x2] =	stream.linear.gather [hbm4b:s1+s3], $0x80, $0x38;
	[tilespmem:$0x1D000] =	vst v63  }
0x1fe: {  	s26 =	sadd.s32 $0x50, s10  }
0x1ff: {  	[tilespmem:s21], [sflag:$0x2] =	stream.linear.gather [hbm4b:s26+s3], $0x80, $0x38;
	[tilespmem:$0x1D000] =	vst v63  }
0x200: {  	s30 =	sadd.s32 $0x60, s10  }
0x201: {  	[tilespmem:s22], [sflag:$0x2] =	stream.linear.gather [hbm4b:s30+s3], $0x80, $0x38;
	[tilespmem:$0x1D000] =	vst v63  }
0x202: {  	s31 =	sadd.s32 $0x70, s10  }
0x203: {  	[tilespmem:s23], [sflag:$0x2] =	stream.linear.gather [hbm4b:s31+s3], $0x80, $0x38;
	[tilespmem:$0x1D000] =	vst v63  }
0x204: {  	_ =	swait.ge [sflag:s14], $0x400  }
0x205: {  	[sflag:s14] =	ssyncset.done $0x0  }
0x206: {  	[sflag:s14] =	ssyncadd.s32 $0xFFFFFC00  }
0x207: {  	_ =	swait.ge [sflag:s14], $0x400  }
0x208: {  	[sflag:s14] =	ssyncset.done $0x0  }
0x209: {  	[sflag:s14] =	ssyncadd.s32 $0xFFFFFC00  }
0x20a: {  	v1 =	vld [tilespmem:s15+$0x70]  }
0x20b: {  	v2 =	vld [tilespmem:s15+$0xFFFFFF10]  }
0x20c: {  	v3 =	vld [tilespmem:s15+$0xFFFFFF20]  }
0x20d: {  	v4 =	vld [tilespmem:s25+$0x70]  }
0x20e: {  	v5 =	vld [tilespmem:s15+$0xFFFFFF30]  }
0x20f: {  	v6 =	vld [tilespmem:s15+$0xFFFFFF40]  }
0x210: {  	v7 =	vld [tilespmem:s15+$0xFFFFFF50]  }
0x211: {  	v8 =	vld [tilespmem:s15+$0xFFFFFF60]  }
0x212: {  	v63 =	vld [tilespmem:s15+$0x0]  }
0x213: {  	v9 =	vld [tilespmem:s15+$0x10]  }
0x214: {  	v10 =	vld [tilespmem:s15+$0x20]  }
0x215: {  	v11 =	vld [tilespmem:s15+$0x30]  }
0x216: {  	v12 =	vld [tilespmem:s15+$0x40]  }
0x217: {  	v13 =	vld [tilespmem:s15+$0x50]  }
0x218: {  	v14 =	vld [tilespmem:s15+$0x60]  }
0x219: {  	v15 =	vld [tilespmem:s15+$0xFFFFFF00]  }
0x21a: {  	v16 =	vld [tilespmem:s25+$0xFFFFFF00]  }
0x21b: {  	v17 =	vld [tilespmem:s25+$0xFFFFFF10]  }
0x21c: {  	v18 =	vld [tilespmem:s25+$0xFFFFFF20]  }
0x21d: {  	v19 =	vld [tilespmem:s25+$0xFFFFFF30]  }
0x21e: {  	v20 =	vld [tilespmem:s25+$0xFFFFFF40]  }
0x21f: {  	v21 =	vld [tilespmem:s25+$0xFFFFFF50]  }
0x220: {  	v22 =	vld [tilespmem:s25+$0xFFFFFF60]  }
0x221: {  	v23 =	vld [tilespmem:s25+$0xFFFFFF70]  }
0x222: {  	v24 =	vld [tilespmem:s25+$0x0]  }
0x223: {  	v25 =	vld [tilespmem:s25+$0x10]  }
0x224: {  	v26 =	vld [tilespmem:s25+$0x20]  }
0x225: {  	v27 =	vld [tilespmem:s25+$0x30]  }
0x226: {  	v28 =	vld [tilespmem:s25+$0x40]  }
0x227: {  	v29 =	vld [tilespmem:s25+$0x50]  }
0x228: {  	v30 =	vld [tilespmem:s25+$0x60]  }
0x229: {  	[tilespmem:v1+s3+$0x0] =	vst.idx.add.f32.msk $0xffff, v4  }
0x22a: {  	v1 =	vld [tilespmem:s15+$0xFFFFFF70]  }
0x22b: {  	[tilespmem:v15+s3+$0x0] =	vst.idx.add.f32.msk $0xffff, v16  }
0x22c: {  	[tilespmem:v2+s3+$0x0] =	vst.idx.add.f32.msk $0xffff, v17  }
0x22d: {  	[tilespmem:v3+s3+$0x0] =	vst.idx.add.f32.msk $0xffff, v18  }
0x22e: {  	[tilespmem:v5+s3+$0x0] =	vst.idx.add.f32.msk $0xffff, v19  }
0x22f: {  	[tilespmem:v6+s3+$0x0] =	vst.idx.add.f32.msk $0xffff, v20  }
0x230: {  	[tilespmem:v7+s3+$0x0] =	vst.idx.add.f32.msk $0xffff, v21  }
0x231: {  	[tilespmem:v8+s3+$0x0] =	vst.idx.add.f32.msk $0xffff, v22  }
0x232: {  	[tilespmem:v63+s3+$0x0] =	vst.idx.add.f32.msk $0xffff, v24  }
0x233: {  	[tilespmem:v9+s3+$0x0] =	vst.idx.add.f32.msk $0xffff, v25  }
0x234: {  	[tilespmem:v10+s3+$0x0] =	vst.idx.add.f32.msk $0xffff, v26  }
0x235: {  	[tilespmem:v11+s3+$0x0] =	vst.idx.add.f32.msk $0xffff, v27  }
0x236: {  	[tilespmem:v12+s3+$0x0] =	vst.idx.add.f32.msk $0xffff, v28  }
0x237: {  	[tilespmem:v13+s3+$0x0] =	vst.idx.add.f32.msk $0xffff, v29  }
0x238: {  	[tilespmem:v14+s3+$0x0] =	vst.idx.add.f32.msk $0xffff, v30  }
0x239: {  	s29 =	simm.s32 $0x19380;
	s26 =	simm.s32 $0x0;
	[tilespmem:v1+s3+$0x0] =	vst.idx.add.f32.msk $0xffff, v23  }
.LBB2_27:
0x23a: {  	v1 =	vld [tilespmem:s29+$0x70];
	s26 =	sadd.s32 $0x10, s26  }
0x23b: {  	v2 =	vld [tilespmem:s29+$0xFFFFFF10];
	p1 =	slt.u32 s26, $0x30  }
0x23c: {  	s25 =	sadd.s32 $0x200, s25;
	v3 =	vld [tilespmem:s29+$0xFFFFFF20]  }
0x23d: {  	v4 =	vld [tilespmem:s25+$0x70]  }
0x23e: {  	v5 =	vld [tilespmem:s29+$0xFFFFFF30]  }
0x23f: {  	v6 =	vld [tilespmem:s29+$0xFFFFFF40]  }
0x240: {  	v7 =	vld [tilespmem:s29+$0xFFFFFF50]  }
0x241: {  	v8 =	vld [tilespmem:s29+$0xFFFFFF60]  }
0x242: {  	[tilespmem:v1+s3+$0x0] =	vst.idx.add.f32.msk $0xffff, v4  }
0x243: {  	v1 =	vld [tilespmem:s29+$0xFFFFFF70]  }
0x244: {  	v4 =	vld [tilespmem:s29+$0x0]  }
0x245: {  	v9 =	vld [tilespmem:s29+$0x10]  }
0x246: {  	v10 =	vld [tilespmem:s29+$0x20]  }
0x247: {  	v11 =	vld [tilespmem:s29+$0x30]  }
0x248: {  	v12 =	vld [tilespmem:s29+$0x40]  }
0x249: {  	v13 =	vld [tilespmem:s29+$0x50]  }
0x24a: {  	v14 =	vld [tilespmem:s29+$0x60]  }
0x24b: {  	v15 =	vld [tilespmem:s29+$0xFFFFFF00]  }
0x24c: {  	v16 =	vld [tilespmem:s25+$0xFFFFFF00]  }
0x24d: {  	v17 =	vld [tilespmem:s25+$0xFFFFFF10]  }
0x24e: {  	v18 =	vld [tilespmem:s25+$0xFFFFFF20]  }
0x24f: {  	v19 =	vld [tilespmem:s25+$0xFFFFFF30]  }
0x250: {  	v20 =	vld [tilespmem:s25+$0xFFFFFF40]  }
0x251: {  	v21 =	vld [tilespmem:s25+$0xFFFFFF50]  }
0x252: {  	v22 =	vld [tilespmem:s25+$0xFFFFFF60]  }
0x253: {  	v23 =	vld [tilespmem:s25+$0xFFFFFF70]  }
0x254: {  	v24 =	vld [tilespmem:s25+$0x0]  }
0x255: {  	v25 =	vld [tilespmem:s25+$0x10]  }
0x256: {  	v26 =	vld [tilespmem:s25+$0x20]  }
0x257: {  	v27 =	vld [tilespmem:s25+$0x30]  }
0x258: {  	v28 =	vld [tilespmem:s25+$0x40]  }
0x259: {  	v29 =	vld [tilespmem:s25+$0x50]  }
0x25a: {  	v30 =	vld [tilespmem:s25+$0x60]  }
0x25b: {  	[tilespmem:v15+s3+$0x0] =	vst.idx.add.f32.msk $0xffff, v16  }
0x25c: {  	[tilespmem:v2+s3+$0x0] =	vst.idx.add.f32.msk $0xffff, v17  }
0x25d: {  	[tilespmem:v3+s3+$0x0] =	vst.idx.add.f32.msk $0xffff, v18  }
0x25e: {  	[tilespmem:v5+s3+$0x0] =	vst.idx.add.f32.msk $0xffff, v19  }
0x25f: {  	[tilespmem:v6+s3+$0x0] =	vst.idx.add.f32.msk $0xffff, v20  }
0x260: {  	[tilespmem:v7+s3+$0x0] =	vst.idx.add.f32.msk $0xffff, v21  }
0x261: {  	[tilespmem:v8+s3+$0x0] =	vst.idx.add.f32.msk $0xffff, v22  }
0x262: {  	[tilespmem:v1+s3+$0x0] =	vst.idx.add.f32.msk $0xffff, v23  }
0x263: {  	[tilespmem:v4+s3+$0x0] =	vst.idx.add.f32.msk $0xffff, v24  }
0x264: {  	[tilespmem:v9+s3+$0x0] =	vst.idx.add.f32.msk $0xffff, v25  }
.Ltmp16:
0x265: {  	[tilespmem:v10+s3+$0x0] =	vst.idx.add.f32.msk $0xffff, v26;
	(pc) =	sbr.rel @p1 .LBB2_27-.Ltmp16, $4  }
0x266: {  	[tilespmem:v11+s3+$0x0] =	vst.idx.add.f32.msk $0xffff, v27  }
0x267: {  	[tilespmem:v12+s3+$0x0] =	vst.idx.add.f32.msk $0xffff, v28  }
0x268: {  	[tilespmem:v13+s3+$0x0] =	vst.idx.add.f32.msk $0xffff, v29  }
0x269: {  	s29 =	sadd.s32 $0x200, s29;
	[tilespmem:v14+s3+$0x0] =	vst.idx.add.f32.msk $0xffff, v30  }
.Ltmp17:
0x26a: {  	_ = 	snop;
	(pc) =	sbr.rel .LBB2_28-.Ltmp17, $1  }
0x26b: {  	_ =	sdelay $0x3  }
.LBB2_29:
0x26c: {  	_ =	sfence.sel $0x180000  }
0x26d: {  	[bflag:$0x0] =	sbarrier.arrive $0xFFFF  }
0x26e: {  	_ =	strace $0x90000047  }
0x26f: {  	s0 =	stileid.u32;
	[bflag:$0x2] =	sbarrier.arrive $0xFFFF  }
0x270: {  	p0 =	sne.s32 s0, $0x0;
	s0 =	rddreg [dreg:$0x3]  }
0x271: {  	s0 =	sadd.s32 @!p0 $0x100000, s0  }
0x272: {  	[sflag:s0] =	ssyncadd.tile.s32 @!p0 $0x1;
	_ =	shalt  }
.Lfunc_end2:
_tile_overlayer_lowered:
.L_overlay_start_2:
0x273: {  	(tag) =	ssettag $0x2  }
0x274: {  	s0 =	rddreg [dreg:$0x0];
	s2 =	stileid.u32  }
0x275: {  	s1 =	rddreg [dreg:$0x1];
	p0 =	sne.s32 s2, $0x0  }
0x276: {  	s3 =	rddreg [dreg:$0x2];
	[bflag:$0x3] =	sbarrier.arrive $0xFFFF;
	s2 =	simm.s32 @!p0 $0x1C03  }
0x277: {  	[timem:s3], [sflag:s2] =	dma.local @!p0 [hbm:s0], s1  }
0x278: {  	s0 =	simm.s32 @!p0 $0x3  }
0x279: {  	_ =	swait.ge @!p0 [sflag:s0], s1  }
0x27a: {  	s1 =	ssub.s32 @!p0 $0x0, s1;
	[sflag:s0] =	ssyncset.done @!p0 $0x0  }
0x27b: {  	[sflag:s0] =	ssyncadd.s32 @!p0 s1  }
0x27c: {  	[bflag:$0x3] =	sbarrier.arrive $0xFFFF  }
0x27d: {  	_ =	shalt  }

// kernel: kernel.8.cloned.1.call-start
scs
__scs_entry_jumppad:
0x0: {  	(pc) =	sbr.rel $0x88, $3  }
0x1: {  	(tag) =	ssettag $0x0;
	lr =	simm.s32 $0x1  }
0x2: {  	[smem:$0x3F9F] =	sst lr;
	_ =	strace $0xD0000000  }
0x3: {  	_ = 	snop  }
0x4: {  	_ = 	snop  }
0x5: {  	_ = 	snop  }
0x6: {  	_ = 	snop  }
0x7: {  	_ = 	snop  }
__scs_overlays_trampoline_lowered:
0x8: {  	[smem:$0x3FAE] =	sst s0  }
0x9: {  	[smem:$0x3FAF] =	sst s1  }
0xa: {  	[smem:$0x3FB0] =	sst s2  }
0xb: {  	[smem:$0x3FB1] =	sst s3  }
0xc: {  	[smem:$0x3FB2] =	sst s4  }
0xd: {  	[smem:$0x3FB3] =	sst s5  }
0xe: {  	[smem:$0x3FB4] =	sst s6  }
0xf: {  	[smem:$0x3FB5] =	sst s7  }
0x10: {  	[smem:$0x3FB6] =	sst s8  }
0x11: {  	[smem:$0x3FB7] =	sst s9;
	s0 =	simm.s32 @!p0 $0x0  }
0x12: {  	s1 =	sld [smem:$0x3F9D];
	s0 =	simm.s32 @p0 $0x1  }
0x13: {  	[smem:$0x3FB8] =	sst s0;
	s0 =	simm.s32 @!p1 $0x0  }
0x14: {  	s2 =	sld [smem:$0x3F9C];
	s0 =	simm.s32 @p1 $0x1  }
0x15: {  	[smem:$0x3FB9] =	sst s0;
	s0 =	simm.s32 @!p2 $0x0  }
0x16: {  	s3 =	sld [smem:$0x3FDB];
	s0 =	simm.s32 @p2 $0x1  }
0x17: {  	s4 =	simm.s32 $0x1BF5;
	[smem:$0x3FBB] =	sst s0  }
0x18: {  	s0 =	sld [smem:$0x3F9E];
	_ =	swait.ge [sflag:s4], $0x0  }
0x19: {  	s7 =	sld [smem:$0x3F9F]  }
0x1a: {  	s8 =	sadd.s32 $0xFFFFE003, lr  }
0x1b: {  	s9 =	sadd.s32 $0xFFFFFEF7, lr;
	s5 =	simm.s32 $0xFFFFFFFF;
	p2 =	slt.u32 s8, $0xFFFFF086  }
0x1c: {  	p1 =	slt.u32 s9, $0xF7A;
	s5 =	simm.s32 @!p2 $0x0  }
0x1d: {  	s5 =	simm.s32 @p1 $0x1;
	p0 =	seq.s32 s7, s2  }
0x1e: {  	s7 =	smul.u32 @!p0 $0xF7A, s2;
	p2 =	seq.s32 @!p0 s5, $0x0  }
0x1f: {  	s9 =	smul.u32 $0xF7A, s1;
	s8 =	simm.s32 @!p0 $0x1BF5;
	p2 =	por !p2, p0  }
0x20: {  	[sflag:s8] =	ssyncset.s32 @!p0 $0xFFFFF086;
	s6 =	sadd.s32 @!p0 s3, s7;
	s7 =	simm.s32 @!p0 $0x108  }
0x21: {  	s3 =	sadd.s32 s3, s9;
	s6 =	sadd.s32 @!p0 $0x88, s6;
	s7 =	simm.s32 @p2 $0x1082  }
0x22: {  	[simem:s7], [sflag:s8] =	dma.local @!p0 [hbm:s6], $0xF7A  }
0x23: {  	s9 =	sor.u32 $0xD0000000, s2;
	s6 =	simm.s32 $0x108;
	_ =	swait.ge @!p0 [sflag:s8], $0x0  }
0x24: {  	s3 =	sadd.s32 $0x88, s3;
	s6 =	simm.s32 @!p1 $0x1082;
	[sflag:s4] =	ssyncset.s32 $0xFFFFF086  }
0x25: {  	[simem:s6], [sflag:s4] =	dma.local [hbm:s3], $0xF7A  }
0x26: {  	[smem:$0x3F9F] =	sst s1;
	(tag) =	ssettag s2;
	_ =	strace s9  }
0x27: {  	s1 =	sld [smem:$0x3FAF]  }
0x28: {  	s2 =	sld [smem:$0x3FB0]  }
0x29: {  	s4 =	sld [smem:$0x3FB2]  }
0x2a: {  	p0 =	seq.s32 s5, $0x0;
	s5 =	sld [smem:$0x3FB3]  }
0x2b: {  	s6 =	sld [smem:$0x3FB4]  }
0x2c: {  	s7 =	sld [smem:$0x3FB5]  }
0x2d: {  	s3 =	simm.s32 $0x108;
	s8 =	sld [smem:$0x3FB6]  }
0x2e: {  	s3 =	simm.s32 @!p0 $0x1082;
	s9 =	sld [smem:$0x3FB7]  }
0x2f: {  	lr =	sadd.s32 s0, s3;
	s0 =	sld [smem:$0x3FAE]  }
0x30: {  	s3 =	sld [smem:$0x3FB1]  }
0x31: {  	[smem:$0x3FBA] =	sst s10  }
0x32: {  	s10 =	sld [smem:$0x3FB8];
	_ =	sdelay $0x3  }
0x33: {  	p0 =	seq.s32 s10, $0x1;
	s10 =	sld [smem:$0x3FBA];
	_ =	sdelay $0x3  }
0x34: {  	[smem:$0x3FBA] =	sst s10  }
0x35: {  	s10 =	sld [smem:$0x3FB9];
	_ =	sdelay $0x3  }
0x36: {  	p1 =	seq.s32 s10, $0x1;
	s10 =	sld [smem:$0x3FBA];
	_ =	sdelay $0x3  }
0x37: {  	[smem:$0x3FBA] =	sst s10  }
0x38: {  	s10 =	sld [smem:$0x3FBB]  }
0x39: {  	_ = 	snop;
	(pc) =	sbr.ind lr, $3  }
0x3a: {  	_ = 	snop  }
0x3b: {  	_ = 	snop  }
0x3c: {  	p2 =	seq.s32 s10, $0x1;
	s10 =	sld [smem:$0x3FBA]  }
0x3d: {  	_ =	shalt  }
0x3e: {  	_ =	shalt  }
0x3f: {  	_ =	shalt  }
0x40: {  	_ =	shalt  }
0x41: {  	_ =	shalt  }
0x42: {  	_ =	shalt  }
0x43: {  	_ =	shalt  }
0x44: {  	_ =	shalt  }
0x45: {  	_ =	shalt  }
0x46: {  	_ =	shalt  }
0x47: {  	_ =	shalt  }
0x48: {  	_ =	shalt  }
0x49: {  	_ =	shalt  }
0x4a: {  	_ =	shalt  }
0x4b: {  	_ =	shalt  }
0x4c: {  	_ =	shalt  }
0x4d: {  	_ =	shalt  }
0x4e: {  	_ =	shalt  }
0x4f: {  	_ =	shalt  }
0x50: {  	_ =	shalt  }
0x51: {  	_ =	shalt  }
0x52: {  	_ =	shalt  }
0x53: {  	_ =	shalt  }
0x54: {  	_ =	shalt  }
0x55: {  	_ =	shalt  }
0x56: {  	_ =	shalt  }
0x57: {  	_ =	shalt  }
0x58: {  	_ =	shalt  }
0x59: {  	_ =	shalt  }
0x5a: {  	_ =	shalt  }
0x5b: {  	_ =	shalt  }
0x5c: {  	_ =	shalt  }
0x5d: {  	_ =	shalt  }
0x5e: {  	_ =	shalt  }
0x5f: {  	_ =	shalt  }
0x60: {  	_ =	shalt  }
0x61: {  	_ =	shalt  }
0x62: {  	_ =	shalt  }
0x63: {  	_ =	shalt  }
0x64: {  	_ =	shalt  }
0x65: {  	_ =	shalt  }
0x66: {  	_ =	shalt  }
0x67: {  	_ =	shalt  }
0x68: {  	_ =	shalt  }
0x69: {  	_ =	shalt  }
0x6a: {  	_ =	shalt  }
0x6b: {  	_ =	shalt  }
0x6c: {  	_ =	shalt  }
0x6d: {  	_ =	shalt  }
0x6e: {  	_ =	shalt  }
0x6f: {  	_ =	shalt  }
0x70: {  	_ =	shalt  }
0x71: {  	_ =	shalt  }
0x72: {  	_ =	shalt  }
0x73: {  	_ =	shalt  }
0x74: {  	_ =	shalt  }
0x75: {  	_ =	shalt  }
0x76: {  	_ =	shalt  }
0x77: {  	_ =	shalt  }
0x78: {  	_ =	shalt  }
0x79: {  	_ =	shalt  }
0x7a: {  	_ =	shalt  }
0x7b: {  	_ =	shalt  }
0x7c: {  	_ =	shalt  }
0x7d: {  	_ =	shalt  }
0x7e: {  	_ =	shalt  }
0x7f: {  	_ =	shalt  }
0x80: {  	_ =	shalt  }
0x81: {  	_ =	shalt  }
0x82: {  	_ =	shalt  }
0x83: {  	_ =	shalt  }
0x84: {  	_ =	shalt  }
0x85: {  	_ =	shalt  }
0x86: {  	_ =	shalt  }
0x87: {  	_ =	shalt  }
.Lfunc_end0:
.L_simem_size_0:
called_computation.1_lowered:
.L_overlay_start_0:
0x88: {  	s2 =	sld [smem:$0x3FD9]  }
0x89: {  	s3 =	sld [smem:$0x3FFE];
	_ =	sdelay $0x1  }
0x8a: {  	s1 =	srdreg.scid  }
0x8b: {  	s0 =	sand.u32 $0x1, s1  }
0x8c: {  	s14 =	sshll.u32 s0, $0xA;
	s2 =	sadd.s32 s3, s2  }
0x8d: {  	s2 =	sadd.s32 s2, s14  }
0x8e: {  	[smem:$0x3FC6] =	sst s2  }
0x8f: {  	_ = 	snop  }
0x90: {  	s2 =	sld [smem:$0x3FD0];
	_ =	sdelay $0x1  }
0x91: {  	s15 =	sld [smem:$0x3FC9]  }
0x92: {  	s5 =	simm.s32 $0xA;
	s6 =	simm.s32 $0x10;
	s4 =	sld [smem:$0x3FC8]  }
0x93: {  	[smem:s6], [sflag:s5] =	dma.local [hbm:s2], $0x1  }
0x94: {  	_ =	swait.eq [sflag:s5], $0x1  }
0x95: {  	[sflag:s5] =	ssyncset.done $0x0  }
0x96: {  	[sflag:s5] =	ssyncadd.s32 $0xFFFFFFFF  }
0x97: {  	s16 =	sld [smem:$0x10];
	(tm) =	ssettm $0x1  }
0x98: {  	s17 =	sld [smem:$0x3FFB];
	_ =	sdelay $0x3  }
0x99: {  	_ =	strace s17  }
0x9a: {  	s5 =	sld [smem:$0x3FFC];
	_ =	sdelay $0x3  }
0x9b: {  	_ =	strace s5  }
0x9c: {  	s5 =	sld [smem:$0x3FFD];
	_ =	sdelay $0x3  }
0x9d: {  	_ =	strace s5  }
0x9e: {  	_ =	strace $0x8FFFFFFF  }
0x9f: {  	s18 =	sld [smem:$0x3FDB];
	_ =	sdelay $0x1  }
0xa0: {  	s19 =	simm.s32 $_scs_section_size  }
0xa1: {  	s7 =	simm.s32 $_size__tile_overlayer_lowered;
	s8 =	simm.s32 $_tile_overlayer_lowered  }
0xa2: {  	s22 =	simm.s32 $0x1BFF;
	s21 =	sshll.u32 s8, $0x1;
	s5 =	sadd.s32 s19, s18  }
0xa3: {  	s9 =	simm.s32 $0x0;
	s20 =	sshll.u32 s7, $0x1;
	s7 =	sadd.s32 s21, s5  }
0xa4: {  	[timem:s9], [sflag:s22] =	dma.local [hbm:s7], s20  }
0xa5: {  	_ =	swait.ge [sflag:s22], s20  }
0xa6: {  	s6 =	ssub.s32 $0x0, s20;
	[sflag:s22] =	ssyncset.done $0x0  }
0xa7: {  	[sflag:s22] =	ssyncadd.s32 s6;
	_ =	sdelay $0x1  }
0xa8: {  	s23 =	simm.s32 $0x1B8B  }
0xa9: {  	_ =	swait.ge [sflag:s23], $0x1  }
0xaa: {  	[sflag:s23] =	ssyncset.done $0x0  }
0xab: {  	s25 =	simm.s32 $0x1B8E;
	s24 =	sld [smem:$0x3FFE];
	[sflag:s23] =	ssyncadd.s32 $0xFFFFFFFF  }
0xac: {  	s26 =	simm.s32 $execute0_lowered;
	[smem:$0x3FD2] =	sst s25  }
0xad: {  	s7 =	sshll.u32 s26, $0x1;
	_ =	strace $0x80000049;
	[dreg:$0x1] =	wrdreg $0xFFFFFFFF  }
0xae: {  	s28 =	simm.s32 $_size_execute0_lowered;
	s5 =	sadd.s32 s5, s7;
	[dreg:$0x0] =	wrdreg $0x0  }
0xaf: {  	s7 =	sshll.u32 s28, $0x1;
	[dreg:$0x2] =	wrdreg s5  }
0xb0: {  	[dreg:$0x3] =	wrdreg s7  }
0xb1: {  	[dreg:$0x4] =	wrdreg $0xC0  }
0xb2: {  	_ =	task [dreg:s9], $0x5FFFF  }
0xb3: {  	[dreg:$0x1] =	wrdreg $0xFFFFFFFF  }
0xb4: {  	[dreg:$0x0] =	wrdreg $0x60  }
0xb5: {  	[dreg:$0x2] =	wrdreg s15  }
0xb6: {  	[dreg:$0x3] =	wrdreg s4  }
0xb7: {  	[dreg:$0x4] =	wrdreg s24  }
0xb8: {  	[dreg:$0x5] =	wrdreg s16  }
0xb9: {  	[dreg:$0x6] =	wrdreg $0x9  }
0xba: {  	_ =	task.clear_ibuf [dreg:s9], $0x7FFFF;
	_ =	strace $0x90000049  }
0xbb: {  	s29 =	simm.s32 $0x9;
	_ =	strace $0x8000004B  }
0xbc: {  	_ =	swait.ge [sflag:s29], $0x1  }
0xbd: {  	[sflag:s29] =	ssyncadd.s32 $0xFFFFFFFF  }
0xbe: {  	_ =	strace $0x9000004B  }
0xbf: {  	_ =	sfence  }
0xc0: {  	s30 =	sld [smem:$0x0];
	_ =	sdelay $0x2  }
0xc1: {  	s31 =	sshll.u32 s1, $0xD;
	s1 =	sshrl.u32 s1, $0x2  }
0xc2: {  	s3 =	sand.u32 $0x4000, s31;
	s1 =	sadd.s32 s1, s30  }
0xc3: {  	s0 =	sor.u32 s3, s0;
	s1 =	sshll.u32 s1, $0x11  }
0xc4: {  	s0 =	sor.u32 s1, s0  }
0xc5: {  	s0 =	sadd.s32 $0x8F2B, s0  }
0xc6: {  	[sflag:s0] =	ssyncadd.remote.s32 $0x1  }
0xc7: {  	_ =	sfence.sel $0xFFFF  }
0xc8: {  	[dreg:$0x0] =	wrdreg $0xFFFFFFFF;
	(pc) =	sbr.abs _section_cstart, $3  }
0xc9: {  	[dreg:$0x1] =	wrdreg $0xFFFFFFFF  }
0xca: {  	_ =	task.clear_ibuf [dreg:s9], $0x2FFFF;
	_ =	strace $0x9FFFFFFF  }
0xcb: {  	(tm) =	ssettm $0x7FFFFFFF  }
tec
execute0_lowered:
.L_overlay_start_1:
0x0: {  	(tag) =	ssettag $0x1  }
0x1: {  	s0 =	rddreg [dreg:$0x0]  }
0x2: {  	s1 =	rddreg [dreg:$0x1]  }
0x3: {  	s2 =	rddreg [dreg:$0x2]  }
0x4: {  	s16 =	rddreg [dreg:$0x3];
	s4 =	srdreg.scid;
	s3 =	simm.s32 $0x0  }
0x5: {  	s6 =	stileid.u32;
	s20 =	simm.s32 $0x12C00;
	s21 =	simm.s32 $0x3  }
0x6: {  	s22 =	simm.s32 $0x1;
	s23 =	simm.s32 $0x2;
	s4 =	sand.u32 $0x1, s4  }
0x7: {  	[smem:$0x7FF] =	sst s3;
	s9 =	sadd.s32 $0x10, s0;
	s0 =	simm.s32 $0x5  }
0x8: {  	s5 =	sshll.u32 s4, $0x4;
	_ =	strace $0x8000004A;
	s24 =	ssub.s32 $0x2, s4  }
0x9: {  	s4 =	sadd.s32 $0xE00, s2;
	s18 =	sor.u32 s6, s5;
	s8 =	sshrl.u32 s24, $0x1  }
0xa: {  	s5 =	sadd.s32 $0x1A80, s2;
	s6 =	smul.u32 $0x308, s18;
	s7 =	smin.u32 s18, $0x15  }
0xb: {  	s17 =	ssub.s32 s24, s8;
	s8 =	sadd.s32 $0x3380, s2;
	s7 =	sshll.u32 s7, $0x3  }
0xc: {  	p0 =	sgt.u32 s18, $0x14;
	s24 =	simm.s32 $0x4;
	s6 =	sadd.s32 s6, s7  }
0xd: {  	s17 =	smax.u32 s17, $0x1;
	s7 =	sadd.s32 $0x2700, s2;
	s25 =	sshll.u32 s6, $0x5  }
.Ltmp0:
0xe: {  	s26 =	sshll.u32 s6, $0x4;
	s13 =	sadd.s32 $0x300, s6;
	(pc) =	sbr.rel .LBB2_1-.Ltmp0, $4  }
0xf: {  	s10 =	sadd.s32 s25, s9;
	s11 =	sadd.s32 s1, s26;
	s28 =	sshll.u32 s13, $0x5  }
0x10: {  	s12 =	sadd.s32 s16, s26;
	s30 =	sshll.u32 s13, $0x4;
	s13 =	sadd.s32 $0x40, s6  }
0x11: {  	s25 =	simm.s32 $0x0;
	s29 =	sand.u32 $0x1FFFFF00, s28;
	s31 =	sand.u32 $0x1FFFFF80, s30  }
0x12: {  	s14 =	sadd.s32 s29, s9;
	s15 =	sadd.s32 s1, s31;
	s16 =	sadd.s32 s16, s31  }
.LBB2_32:
0x13: {  	s25 =	sadd.s32 $0x1, s25  }
0x14: {  	p1 =	sne.s32 s25, s17  }
.Ltmp1:
0x15: {  	_ = 	snop;
	(pc) =	sbr.rel @!p1 .LBB2_33-.Ltmp1, $1  }
0x16: {  	_ =	sdelay $0x3  }
.LBB2_1:
0x17: {  	[tilespmem:s3], [sflag:$0x3] =	stream.linear.gather [hbm4b:s4+s3], $0x6400, $0x38;
	[tilespmem:$0x1F000] =	vst v63  }
0x18: {  	s2 =	simm.s32 $0x6400  }
0x19: {  	[tilespmem:s2], [sflag:$0x3] =	stream.linear.gather [hbm4b:s5+s3], $0x6400, $0x38;
	[tilespmem:$0x1F000] =	vst v63  }
0x1a: {  	s31 =	simm.s32 $0xC800;
	s28 =	sadd.s32 $0x0, s10  }
0x1b: {  	[tilespmem:s31], [sflag:$0x3] =	stream.linear.gather [hbm4b:s7+s3], $0x6400, $0x38;
	[tilespmem:$0x1F000] =	vst v63  }
0x1c: {  	s26 =	simm.s32 $0x19100;
	s18 =	simm.s32 $0x19000;
	s2 =	simm.s32 $0x20  }
0x1d: {  	[tilespmem:s20], [sflag:$0x3] =	stream.linear.gather [hbm4b:s8+s3], $0x6400, $0x38;
	[tilespmem:$0x1F000] =	vst v63  }
.LBB2_2:
0x1e: {  	[tilespmem:s18], [sflag:$0x1] =	stream.linear.gather [hbm4b:s28+s3], $0x80, $0x38;
	[tilespmem:$0x1F000] =	vst v63  }
0x1f: {  	s19 =	smov.u32 s2;
	s18 =	smov.u32 s26;
	p1 =	sne.s32 s2, $0x3E0  }
.Ltmp2:
0x20: {  	s2 =	sadd.s32 $0x20, s2;
	(pc) =	sbr.rel @p1 .LBB2_2-.Ltmp2, $2  }
0x21: {  	_ =	sdelay $0x2  }
0x22: {  	s26 =	sadd.s32 $0x100, s26;
	s28 =	sadd.s32 s19, s10  }
0x23: {  	[tilespmem:s18], [sflag:$0x1] =	stream.linear.gather [hbm4b:s28+s3], $0x80, $0x38;
	[tilespmem:$0x1F000] =	vst v63  }
0x24: {  	s2 =	simm.s32 $0x1B000  }
0x25: {  	s26 =	simm.s32 $0x10;
	s18 =	sadd.s32 $0x0, s11;
	s28 =	simm.s32 $0x1B100  }
.LBB2_4:
0x26: {  	[tilespmem:s2], [sflag:$0x1] =	stream.linear.gather [hbm4b:s18+s3], $0x80, $0x38;
	[tilespmem:$0x1F000] =	vst v63  }
0x27: {  	s18 =	smov.u32 s26;
	s2 =	smov.u32 s28;
	p1 =	sne.s32 s26, $0x1F0  }
.Ltmp3:
0x28: {  	s26 =	sadd.s32 $0x10, s26;
	(pc) =	sbr.rel @p1 .LBB2_4-.Ltmp3, $2  }
0x29: {  	_ =	sdelay $0x2  }
0x2a: {  	s28 =	sadd.s32 $0x100, s28;
	s18 =	sadd.s32 s18, s11  }
0x2b: {  	[tilespmem:s2], [sflag:$0x1] =	stream.linear.gather [hbm4b:s18+s3], $0x80, $0x38;
	[tilespmem:$0x1F000] =	vst v63  }
0x2c: {  	_ =	swait.ge [sflag:s21], $0x6400  }
0x2d: {  	[sflag:s21] =	ssyncset.done $0x0  }
0x2e: {  	[sflag:s21] =	ssyncadd.s32 $0xFFFF9C00  }
0x2f: {  	_ =	swait.ge [sflag:s21], $0x6400  }
0x30: {  	[sflag:s21] =	ssyncset.done $0x0  }
0x31: {  	[sflag:s21] =	ssyncadd.s32 $0xFFFF9C00  }
0x32: {  	_ =	swait.ge [sflag:s21], $0x6400  }
0x33: {  	[sflag:s21] =	ssyncset.done $0x0  }
0x34: {  	[sflag:s21] =	ssyncadd.s32 $0xFFFF9C00  }
0x35: {  	_ =	swait.ge [sflag:s21], $0x6400  }
0x36: {  	[sflag:s21] =	ssyncset.done $0x0  }
0x37: {  	s26 =	simm.s32 $0x0;
	[sflag:s21] =	ssyncadd.s32 $0xFFFF9C00  }
.LBB2_6:
0x38: {  	s28 =	sshllo.u32 s26, $0x1  }
0x39: {  	s2 =	sshll.u32 s28, $0x5  }
0x3a: {  	s2 =	sadd.s32 s6, s2  }
0x3b: {  	s18 =	sshll.u32 s2, $0x5  }
0x3c: {  	s18 =	sand.u32 $0x1FFFFF00, s18  }
0x3d: {  	s30 =	simm.s32 $0x19080;
	s29 =	sadd.s32 s18, s9  }
0x3e: {  	s31 =	simm.s32 $0x20;
	s18 =	simm.s32 $0x19180;
	s19 =	sadd.s32 $0x0, s29  }
.LBB2_7:
0x3f: {  	[tilespmem:s30], [sflag:$0x2] =	stream.linear.gather [hbm4b:s19+s3], $0x80, $0x38;
	[tilespmem:$0x1F000] =	vst v63  }
0x40: {  	s19 =	smov.u32 s31;
	s30 =	smov.u32 s18;
	p1 =	sne.s32 s31, $0x3E0  }
.Ltmp4:
0x41: {  	s31 =	sadd.s32 $0x20, s31;
	(pc) =	sbr.rel @p1 .LBB2_7-.Ltmp4, $2  }
0x42: {  	_ =	sdelay $0x2  }
0x43: {  	s18 =	sadd.s32 $0x100, s18;
	s19 =	sadd.s32 s19, s29  }
0x44: {  	[tilespmem:s30], [sflag:$0x2] =	stream.linear.gather [hbm4b:s19+s3], $0x80, $0x38;
	[tilespmem:$0x1F000] =	vst v63  }
0x45: {  	s2 =	sshll.u32 s2, $0x4  }
0x46: {  	s2 =	sand.u32 $0x1FFFFF80, s2  }
0x47: {  	s29 =	simm.s32 $0x1B080;
	s2 =	sadd.s32 s1, s2  }
0x48: {  	s30 =	simm.s32 $0x10;
	s18 =	simm.s32 $0x1B180;
	s19 =	sadd.s32 $0x0, s2  }
.LBB2_9:
0x49: {  	[tilespmem:s29], [sflag:$0x2] =	stream.linear.gather [hbm4b:s19+s3], $0x80, $0x38;
	[tilespmem:$0x1F000] =	vst v63  }
0x4a: {  	s19 =	smov.u32 s30;
	s29 =	smov.u32 s18;
	p1 =	sne.s32 s30, $0x1F0  }
.Ltmp5:
0x4b: {  	s30 =	sadd.s32 $0x10, s30;
	(pc) =	sbr.rel @p1 .LBB2_9-.Ltmp5, $2  }
0x4c: {  	_ =	sdelay $0x2  }
0x4d: {  	s18 =	sadd.s32 $0x100, s18;
	s19 =	sadd.s32 s19, s2  }
0x4e: {  	[tilespmem:s29], [sflag:$0x2] =	stream.linear.gather [hbm4b:s19+s3], $0x80, $0x38;
	[tilespmem:$0x1F000] =	vst v63  }
0x4f: {  	_ =	swait.ge [sflag:s22], $0x1000  }
0x50: {  	[sflag:s22] =	ssyncset.done $0x0  }
0x51: {  	[sflag:s22] =	ssyncadd.s32 $0xFFFFF000  }
0x52: {  	_ =	swait.ge [sflag:s22], $0x1000  }
0x53: {  	p1 =	seq.s32 s26, $0x0;
	[sflag:s22] =	ssyncset.done $0x0  }
0x54: {  	s2 =	simm.s32 @!p1 $0x3;
	[sflag:s22] =	ssyncadd.s32 $0xFFFFF000  }
0x55: {  	_ =	swait.ge @!p1 [sflag:s2], $0x1000  }
0x56: {  	[sflag:s2] =	ssyncset.done @!p1 $0x0  }
0x57: {  	s19 =	simm.s32 $0x19100;
	[sflag:s2] =	ssyncadd.s32 @!p1 $0xFFFFF000  }
0x58: {  	v0 =	vld [tilespmem:s19+$0x70]  }
0x59: {  	v1 =	vld [tilespmem:s19+$0xFFFFFF10]  }
0x5a: {  	v2 =	vld [tilespmem:s19+$0xFFFFFF20]  }
0x5b: {  	v3 =	vld [tilespmem:s19+$0xFFFFFF30]  }
0x5c: {  	v4 =	vld [tilespmem:s19+$0xFFFFFF40]  }
0x5d: {  	v5 =	vld [tilespmem:s19+$0xFFFFFF50]  }
0x5e: {  	v6 =	vld [tilespmem:s19+$0xFFFFFF60]  }
0x5f: {  	s29 =	simm.s32 $0x1B100;
	v7 =	vld [tilespmem:s19+$0xFFFFFF70]  }
0x60: {  	v9 =	vld [tilespmem:s29+$0x70]  }
0x61: {  	v10 =	vld [tilespmem:s19+$0x10]  }
0x62: {  	v11 =	vld [tilespmem:s19+$0x20]  }
0x63: {  	v12 =	vld [tilespmem:s19+$0x30]  }
0x64: {  	v13 =	vld [tilespmem:s19+$0x40]  }
0x65: {  	v14 =	vld [tilespmem:s19+$0x50]  }
0x66: {  	v15 =	vld [tilespmem:s19+$0x60]  }
0x67: {  	v16 =	vld [tilespmem:s19+$0xFFFFFF00]  }
0x68: {  	v55 =	vld [tilespmem:s29+$0xFFFFFF10]  }
0x69: {  	v56 =	vld [tilespmem:s29+$0xFFFFFF20]  }
0x6a: {  	v57 =	vld [tilespmem:s29+$0xFFFFFF30]  }
0x6b: {  	v58 =	vld [tilespmem:s29+$0xFFFFFF50]  }
0x6c: {  	v59 =	vld [tilespmem:s29+$0xFFFFFF60]  }
0x6d: {  	v60 =	vld [tilespmem:s29+$0xFFFFFF70]  }
0x6e: {  	v61 =	vld [tilespmem:s29+$0x0]  }
0x6f: {  	v62 =	vld [tilespmem:s29+$0x10]  }
0x70: {  	v8 =	vld.idx.msk [tilespmem:v0+s3+$0x0], $0xffff  }
0x71: {  	v0 =	vld [tilespmem:s19+$0x0]  }
0x72: {  	v17 =	vld.idx.msk [tilespmem:v1+s3+$0x0], $0xffff  }
0x73: {  	v18 =	vld.idx.msk [tilespmem:v2+s3+$0x0], $0xffff  }
0x74: {  	v19 =	vld.idx.msk [tilespmem:v3+s3+$0x0], $0xffff  }
0x75: {  	v20 =	vld.idx.msk [tilespmem:v4+s3+$0x0], $0xffff  }
0x76: {  	v5 =	vld.idx.msk [tilespmem:v5+s3+$0x0], $0xffff  }
0x77: {  	v16 =	vld.idx.msk [tilespmem:v16+s3+$0x0], $0xffff  }
0x78: {  	v4 =	vld.idx.msk [tilespmem:v11+s3+$0x0], $0xffff  }
0x79: {  	v11 =	vld [tilespmem:s29+$0xFFFFFF00]  }
0x7a: {  	v6 =	vld.idx.msk [tilespmem:v6+s3+$0x0], $0xffff  }
0x7b: {  	v7 =	vld.idx.msk [tilespmem:v7+s3+$0x0], $0xffff  }
0x7c: {  	v10 =	vld.idx.msk [tilespmem:v10+s3+$0x0], $0xffff  }
0x7d: {  	v8 =	vmul.f32 v9, v8;
	v9 =	vld [tilespmem:s29+$0xFFFFFF40]  }
0x7e: {  	s30 =	simm.s32 $0x1D100;
	v3 =	vld.idx.msk [tilespmem:v12+s3+$0x0], $0xffff;
	v11 =	vmul.f32 v11, v16  }
0x7f: {  	v2 =	vld.idx.msk [tilespmem:v13+s3+$0x0], $0xffff;
	[tilespmem:s30+$0x70] =	vst v8;
	v8 =	vmul.f32 v55, v17  }
0x80: {  	v1 =	vld.idx.msk [tilespmem:v14+s3+$0x0], $0xffff;
	v63 =	vmul.f32 v60, v7;
	[tilespmem:s30+$0xFFFFFF00] =	vst v11  }
0x81: {  	v21 =	vld.idx.msk [tilespmem:v0+s3+$0x0], $0xffff;
	[tilespmem:s30+$0xFFFFFF10] =	vst v8;
	v8 =	vmul.f32 v57, v19  }
0x82: {  	v7 =	vld [tilespmem:s29+$0x40];
	[tilespmem:s30+$0xFFFFFF70] =	vst v63;
	v9 =	vmul.f32 v9, v20  }
0x83: {  	v11 =	vmul.f32 v56, v18;
	[tilespmem:s30+$0xFFFFFF30] =	vst v8;
	v8 =	vmul.f32 v58, v5;
	v5 =	vld [tilespmem:s29+$0x20]  }
0x84: {  	[tilespmem:s30+$0xFFFFFF40] =	vst v9;
	v9 =	vmul.f32 v59, v6;
	v6 =	vld [tilespmem:s29+$0x30]  }
0x85: {  	v0 =	vld.idx.msk [tilespmem:v15+s3+$0x0], $0xffff;
	[tilespmem:s30+$0xFFFFFF20] =	vst v11  }
0x86: {  	[tilespmem:s30+$0xFFFFFF50] =	vst v8;
	v8 =	vld [tilespmem:s29+$0x50];
	v11 =	vmul.f32 v61, v21  }
0x87: {  	s31 =	simm.s32 $0x0;
	s2 =	simm.s32 $0x19300;
	v10 =	vmul.f32 v62, v10;
	[tilespmem:s30+$0xFFFFFF60] =	vst v9;
	v9 =	vld [tilespmem:s29+$0x60]  }
.LBB2_11:
0x88: {  	v12 =	vld [tilespmem:s2+$0x70];
	s31 =	sadd.s32 $0x10, s31;
	[tilespmem:s30+$0x0] =	vst v11;
	v4 =	vmul.f32 v5, v4  }
0x89: {  	v5 =	vld [tilespmem:s2+$0xFFFFFF10];
	p2 =	slt.u32 s31, $0xF0;
	[tilespmem:s30+$0x10] =	vst v10;
	v3 =	vmul.f32 v6, v3  }
0x8a: {  	v6 =	vld [tilespmem:s2+$0xFFFFFF20];
	[tilespmem:s30+$0x20] =	vst v4;
	v2 =	vmul.f32 v7, v2  }
0x8b: {  	v4 =	vld [tilespmem:s2+$0xFFFFFF30];
	[tilespmem:s30+$0x30] =	vst v3;
	v1 =	vmul.f32 v8, v1  }
0x8c: {  	v3 =	vld [tilespmem:s2+$0xFFFFFF40];
	[tilespmem:s30+$0x40] =	vst v2;
	v0 =	vmul.f32 v9, v0  }
0x8d: {  	v2 =	vld [tilespmem:s2+$0xFFFFFF50];
	[tilespmem:s30+$0x50] =	vst v1  }
0x8e: {  	v1 =	vld [tilespmem:s2+$0xFFFFFF60];
	[tilespmem:s30+$0x60] =	vst v0  }
0x8f: {  	v0 =	vld [tilespmem:s2+$0xFFFFFF70]  }
0x90: {  	s29 =	sadd.s32 $0x200, s29;
	v7 =	vld.idx.msk [tilespmem:v12+s3+$0x0], $0xffff  }
0x91: {  	v8 =	vld [tilespmem:s29+$0x70]  }
0x92: {  	v9 =	vld [tilespmem:s2+$0x0]  }
0x93: {  	v10 =	vld [tilespmem:s2+$0x10]  }
0x94: {  	v11 =	vld [tilespmem:s2+$0x20]  }
0x95: {  	v12 =	vld [tilespmem:s2+$0x30]  }
0x96: {  	v13 =	vld [tilespmem:s2+$0x40];
	v7 =	vmul.f32 v8, v7  }
0x97: {  	s30 =	sadd.s32 $0x200, s30;
	v8 =	vld [tilespmem:s2+$0x50]  }
0x98: {  	v14 =	vld [tilespmem:s2+$0x60];
	[tilespmem:s30+$0x70] =	vst v7  }
0x99: {  	v7 =	vld [tilespmem:s2+$0xFFFFFF00]  }
0x9a: {  	v5 =	vld.idx.msk [tilespmem:v5+s3+$0x0], $0xffff  }
0x9b: {  	v6 =	vld.idx.msk [tilespmem:v6+s3+$0x0], $0xffff  }
0x9c: {  	v15 =	vld.idx.msk [tilespmem:v4+s3+$0x0], $0xffff  }
0x9d: {  	v16 =	vld.idx.msk [tilespmem:v3+s3+$0x0], $0xffff  }
0x9e: {  	v17 =	vld.idx.msk [tilespmem:v2+s3+$0x0], $0xffff  }
0x9f: {  	v18 =	vld.idx.msk [tilespmem:v1+s3+$0x0], $0xffff  }
0xa0: {  	v19 =	vld.idx.msk [tilespmem:v0+s3+$0x0], $0xffff  }
0xa1: {  	v7 =	vld.idx.msk [tilespmem:v7+s3+$0x0], $0xffff  }
0xa2: {  	v9 =	vld.idx.msk [tilespmem:v9+s3+$0x0], $0xffff  }
0xa3: {  	v10 =	vld.idx.msk [tilespmem:v10+s3+$0x0], $0xffff  }
0xa4: {  	v4 =	vld.idx.msk [tilespmem:v11+s3+$0x0], $0xffff  }
0xa5: {  	v3 =	vld.idx.msk [tilespmem:v12+s3+$0x0], $0xffff  }
0xa6: {  	v2 =	vld.idx.msk [tilespmem:v13+s3+$0x0], $0xffff  }
0xa7: {  	v1 =	vld.idx.msk [tilespmem:v8+s3+$0x0], $0xffff  }
0xa8: {  	v0 =	vld.idx.msk [tilespmem:v14+s3+$0x0], $0xffff  }
0xa9: {  	v8 =	vld [tilespmem:s29+$0xFFFFFF00]  }
0xaa: {  	v11 =	vld [tilespmem:s29+$0xFFFFFF10]  }
0xab: {  	v12 =	vld [tilespmem:s29+$0xFFFFFF20]  }
0xac: {  	v13 =	vld [tilespmem:s29+$0xFFFFFF30]  }
0xad: {  	v14 =	vld [tilespmem:s29+$0xFFFFFF40]  }
0xae: {  	v7 =	vmul.f32 v8, v7;
	v8 =	vld [tilespmem:s29+$0xFFFFFF50]  }
0xaf: {  	v5 =	vmul.f32 v11, v5;
	v11 =	vld [tilespmem:s29+$0xFFFFFF60]  }
0xb0: {  	[tilespmem:s30+$0xFFFFFF00] =	vst v7;
	v6 =	vmul.f32 v12, v6;
	v7 =	vld [tilespmem:s29+$0xFFFFFF70]  }
0xb1: {  	[tilespmem:s30+$0xFFFFFF10] =	vst v5;
	v5 =	vmul.f32 v13, v15;
	v12 =	vld [tilespmem:s29+$0x0]  }
0xb2: {  	[tilespmem:s30+$0xFFFFFF20] =	vst v6;
	v6 =	vmul.f32 v14, v16;
	v13 =	vld [tilespmem:s29+$0x10]  }
.Ltmp6:
0xb3: {  	[tilespmem:s30+$0xFFFFFF30] =	vst v5;
	v8 =	vmul.f32 v8, v17;
	v5 =	vld [tilespmem:s29+$0x20];
	(pc) =	sbr.rel @p2 .LBB2_11-.Ltmp6, $4  }
0xb4: {  	[tilespmem:s30+$0xFFFFFF40] =	vst v6;
	v11 =	vmul.f32 v11, v18;
	v6 =	vld [tilespmem:s29+$0x30]  }
0xb5: {  	[tilespmem:s30+$0xFFFFFF50] =	vst v8;
	v14 =	vmul.f32 v7, v19;
	v7 =	vld [tilespmem:s29+$0x40]  }
0xb6: {  	[tilespmem:s30+$0xFFFFFF60] =	vst v11;
	v11 =	vmul.f32 v12, v9;
	v8 =	vld [tilespmem:s29+$0x50]  }
0xb7: {  	s2 =	sadd.s32 $0x200, s2;
	[tilespmem:s30+$0xFFFFFF70] =	vst v14;
	v10 =	vmul.f32 v13, v10;
	v9 =	vld [tilespmem:s29+$0x60]  }
0xb8: {  	[tilespmem:s30+$0x0] =	vst v11;
	v4 =	vmul.f32 v5, v4  }
0xb9: {  	[tilespmem:s30+$0x10] =	vst v10;
	v3 =	vmul.f32 v6, v3  }
0xba: {  	[tilespmem:s30+$0x20] =	vst v4;
	v2 =	vmul.f32 v7, v2  }
0xbb: {  	[tilespmem:s30+$0x30] =	vst v3;
	v1 =	vmul.f32 v8, v1  }
0xbc: {  	s2 =	sshll.u32 s26, $0xA;
	[tilespmem:s30+$0x40] =	vst v2;
	v0 =	vmul.f32 v9, v0  }
0xbd: {  	s29 =	simm.s32 $0x1D000;
	s2 =	sadd.s32 s2, s12;
	[tilespmem:s30+$0x50] =	vst v1  }
0xbe: {  	s18 =	simm.s32 $0x1D100;
	s19 =	sadd.s32 $0x0, s2;
	[tilespmem:s30+$0x60] =	vst v0;
	s30 =	simm.s32 $0x10  }
.LBB2_13:
0xbf: {  	[hbm4b:s19+s3] =	stream.linear.scatter [tilespmem:s29], [sflag:$0x3], $0x80, $0x38;
	[tilespmem:$0x1F000] =	vst v63  }
0xc0: {  	s19 =	smov.u32 s30;
	s29 =	smov.u32 s18;
	p2 =	sne.s32 s30, $0x1F0  }
.Ltmp7:
0xc1: {  	s30 =	sadd.s32 $0x10, s30;
	(pc) =	sbr.rel @p2 .LBB2_13-.Ltmp7, $2  }
0xc2: {  	_ =	sdelay $0x2  }
0xc3: {  	s18 =	sadd.s32 $0x100, s18;
	s19 =	sadd.s32 s19, s2  }
0xc4: {  	p2 =	seq.s32 s26, $0xB  }
.Ltmp8:
0xc5: {  	_ = 	snop;
	(pc) =	sbr.rel @p2 .LBB2_20-.Ltmp8, $2  }
0xc6: {  	_ =	sdelay $0x2  }
0xc7: {  	[hbm4b:s19+s3] =	stream.linear.scatter [tilespmem:s29], [sflag:$0x3], $0x80, $0x38;
	[tilespmem:$0x1F000] =	vst v63  }
0xc8: {  	s2 =	sshll.u32 s26, $0x6  }
0xc9: {  	s2 =	sadd.s32 s2, s13  }
0xca: {  	s18 =	sshll.u32 s2, $0x5  }
0xcb: {  	s18 =	sand.u32 $0x1FFFFF00, s18  }
0xcc: {  	s30 =	simm.s32 $0x19000;
	s29 =	sadd.s32 s18, s9  }
0xcd: {  	s31 =	simm.s32 $0x20;
	s18 =	simm.s32 $0x19100;
	s19 =	sadd.s32 $0x0, s29  }
.LBB2_16:
0xce: {  	[tilespmem:s30], [sflag:$0x1] =	stream.linear.gather [hbm4b:s19+s3], $0x80, $0x38;
	[tilespmem:$0x1F000] =	vst v63  }
0xcf: {  	s19 =	smov.u32 s31;
	s30 =	smov.u32 s18;
	p2 =	sne.s32 s31, $0x3E0  }
.Ltmp9:
0xd0: {  	s31 =	sadd.s32 $0x20, s31;
	(pc) =	sbr.rel @p2 .LBB2_16-.Ltmp9, $2  }
0xd1: {  	_ =	sdelay $0x2  }
0xd2: {  	s18 =	sadd.s32 $0x100, s18;
	s19 =	sadd.s32 s19, s29  }
0xd3: {  	[tilespmem:s30], [sflag:$0x1] =	stream.linear.gather [hbm4b:s19+s3], $0x80, $0x38;
	[tilespmem:$0x1F000] =	vst v63  }
0xd4: {  	s2 =	sshll.u32 s2, $0x4  }
0xd5: {  	s2 =	sand.u32 $0x1FFFFF80, s2  }
0xd6: {  	s29 =	simm.s32 $0x1B000;
	s2 =	sadd.s32 s1, s2  }
0xd7: {  	s30 =	simm.s32 $0x10;
	s18 =	simm.s32 $0x1B100;
	s19 =	sadd.s32 $0x0, s2  }
.LBB2_18:
0xd8: {  	[tilespmem:s29], [sflag:$0x1] =	stream.linear.gather [hbm4b:s19+s3], $0x80, $0x38;
	[tilespmem:$0x1F000] =	vst v63  }
0xd9: {  	s19 =	smov.u32 s30;
	s29 =	smov.u32 s18;
	p2 =	sne.s32 s30, $0x1F0  }
.Ltmp10:
0xda: {  	s30 =	sadd.s32 $0x10, s30;
	(pc) =	sbr.rel @p2 .LBB2_18-.Ltmp10, $2  }
0xdb: {  	_ =	sdelay $0x2  }
0xdc: {  	s18 =	sadd.s32 $0x100, s18;
	s19 =	sadd.s32 s19, s2  }
0xdd: {  	[tilespmem:s29], [sflag:$0x1] =	stream.linear.gather [hbm4b:s19+s3], $0x80, $0x38;
	[tilespmem:$0x1F000] =	vst v63  }
.LBB2_20:
0xde: {  	_ =	swait.ge [sflag:s23], $0x1000  }
0xdf: {  	[sflag:s23] =	ssyncset.done $0x0  }
0xe0: {  	[sflag:s23] =	ssyncadd.s32 $0xFFFFF000  }
0xe1: {  	_ =	swait.ge [sflag:s23], $0x1000  }
0xe2: {  	[sflag:s23] =	ssyncset.done $0x0  }
0xe3: {  	s2 =	simm.s32 @!p1 $0x4;
	[sflag:s23] =	ssyncadd.s32 $0xFFFFF000  }
0xe4: {  	_ =	swait.ge @!p1 [sflag:s2], $0x1000  }
0xe5: {  	[sflag:s2] =	ssyncset.done @!p1 $0x0  }
0xe6: {  	s19 =	simm.s32 $0x19180;
	[sflag:s2] =	ssyncadd.s32 @!p1 $0xFFFFF000  }
0xe7: {  	v0 =	vld [tilespmem:s19+$0x70]  }
0xe8: {  	v1 =	vld [tilespmem:s19+$0xFFFFFF10]  }
0xe9: {  	v2 =	vld [tilespmem:s19+$0xFFFFFF20]  }
0xea: {  	v3 =	vld [tilespmem:s19+$0xFFFFFF30]  }
0xeb: {  	v4 =	vld [tilespmem:s19+$0xFFFFFF40]  }
0xec: {  	v5 =	vld [tilespmem:s19+$0xFFFFFF50]  }
0xed: {  	v6 =	vld [tilespmem:s19+$0xFFFFFF60]  }
0xee: {  	s29 =	simm.s32 $0x1B180;
	v7 =	vld [tilespmem:s19+$0xFFFFFF70]  }
0xef: {  	v9 =	vld [tilespmem:s29+$0x70]  }
0xf0: {  	v10 =	vld [tilespmem:s19+$0x10]  }
0xf1: {  	v11 =	vld [tilespmem:s19+$0x20]  }
0xf2: {  	v12 =	vld [tilespmem:s19+$0x30]  }
0xf3: {  	v13 =	vld [tilespmem:s19+$0x40]  }
0xf4: {  	v14 =	vld [tilespmem:s19+$0x50]  }
0xf5: {  	v15 =	vld [tilespmem:s19+$0x60]  }
0xf6: {  	v16 =	vld [tilespmem:s19+$0xFFFFFF00]  }
0xf7: {  	v55 =	vld [tilespmem:s29+$0xFFFFFF10]  }
0xf8: {  	v56 =	vld [tilespmem:s29+$0xFFFFFF20]  }
0xf9: {  	v57 =	vld [tilespmem:s29+$0xFFFFFF30]  }
0xfa: {  	v58 =	vld [tilespmem:s29+$0xFFFFFF50]  }
0xfb: {  	v59 =	vld [tilespmem:s29+$0xFFFFFF60]  }
0xfc: {  	v60 =	vld [tilespmem:s29+$0xFFFFFF70]  }
0xfd: {  	v61 =	vld [tilespmem:s29+$0x0]  }
0xfe: {  	v62 =	vld [tilespmem:s29+$0x10]  }
0xff: {  	v8 =	vld.idx.msk [tilespmem:v0+s3+$0x0], $0xffff  }
0x100: {  	v0 =	vld [tilespmem:s19+$0x0]  }
0x101: {  	v17 =	vld.idx.msk [tilespmem:v1+s3+$0x0], $0xffff  }
0x102: {  	v18 =	vld.idx.msk [tilespmem:v2+s3+$0x0], $0xffff  }
0x103: {  	v19 =	vld.idx.msk [tilespmem:v3+s3+$0x0], $0xffff  }
0x104: {  	v20 =	vld.idx.msk [tilespmem:v4+s3+$0x0], $0xffff  }
0x105: {  	v5 =	vld.idx.msk [tilespmem:v5+s3+$0x0], $0xffff  }
0x106: {  	v16 =	vld.idx.msk [tilespmem:v16+s3+$0x0], $0xffff  }
0x107: {  	v4 =	vld.idx.msk [tilespmem:v11+s3+$0x0], $0xffff  }
0x108: {  	v11 =	vld [tilespmem:s29+$0xFFFFFF00]  }
0x109: {  	v6 =	vld.idx.msk [tilespmem:v6+s3+$0x0], $0xffff  }
0x10a: {  	v7 =	vld.idx.msk [tilespmem:v7+s3+$0x0], $0xffff  }
0x10b: {  	v10 =	vld.idx.msk [tilespmem:v10+s3+$0x0], $0xffff  }
0x10c: {  	v8 =	vmul.f32 v9, v8;
	v9 =	vld [tilespmem:s29+$0xFFFFFF40]  }
0x10d: {  	s30 =	simm.s32 $0x1D180;
	v3 =	vld.idx.msk [tilespmem:v12+s3+$0x0], $0xffff;
	v11 =	vmul.f32 v11, v16  }
0x10e: {  	v2 =	vld.idx.msk [tilespmem:v13+s3+$0x0], $0xffff;
	[tilespmem:s30+$0x70] =	vst v8;
	v8 =	vmul.f32 v55, v17  }
0x10f: {  	v1 =	vld.idx.msk [tilespmem:v14+s3+$0x0], $0xffff;
	v63 =	vmul.f32 v60, v7;
	[tilespmem:s30+$0xFFFFFF00] =	vst v11  }
0x110: {  	v21 =	vld.idx.msk [tilespmem:v0+s3+$0x0], $0xffff;
	[tilespmem:s30+$0xFFFFFF10] =	vst v8;
	v8 =	vmul.f32 v57, v19  }
0x111: {  	v7 =	vld [tilespmem:s29+$0x40];
	[tilespmem:s30+$0xFFFFFF70] =	vst v63;
	v9 =	vmul.f32 v9, v20  }
0x112: {  	v11 =	vmul.f32 v56, v18;
	[tilespmem:s30+$0xFFFFFF30] =	vst v8;
	v8 =	vmul.f32 v58, v5;
	v5 =	vld [tilespmem:s29+$0x20]  }
0x113: {  	[tilespmem:s30+$0xFFFFFF40] =	vst v9;
	v9 =	vmul.f32 v59, v6;
	v6 =	vld [tilespmem:s29+$0x30]  }
0x114: {  	v0 =	vld.idx.msk [tilespmem:v15+s3+$0x0], $0xffff;
	[tilespmem:s30+$0xFFFFFF20] =	vst v11  }
0x115: {  	[tilespmem:s30+$0xFFFFFF50] =	vst v8;
	v8 =	vld [tilespmem:s29+$0x50];
	v11 =	vmul.f32 v61, v21  }
0x116: {  	s31 =	simm.s32 $0x0;
	s2 =	simm.s32 $0x19380;
	v10 =	vmul.f32 v62, v10;
	[tilespmem:s30+$0xFFFFFF60] =	vst v9;
	v9 =	vld [tilespmem:s29+$0x60]  }
.LBB2_21:
0x117: {  	v12 =	vld [tilespmem:s2+$0x70];
	s31 =	sadd.s32 $0x10, s31;
	[tilespmem:s30+$0x0] =	vst v11;
	v4 =	vmul.f32 v5, v4  }
0x118: {  	v5 =	vld [tilespmem:s2+$0xFFFFFF10];
	p1 =	slt.u32 s31, $0xF0;
	[tilespmem:s30+$0x10] =	vst v10;
	v3 =	vmul.f32 v6, v3  }
0x119: {  	v6 =	vld [tilespmem:s2+$0xFFFFFF20];
	[tilespmem:s30+$0x20] =	vst v4;
	v2 =	vmul.f32 v7, v2  }
0x11a: {  	v4 =	vld [tilespmem:s2+$0xFFFFFF30];
	[tilespmem:s30+$0x30] =	vst v3;
	v1 =	vmul.f32 v8, v1  }
0x11b: {  	v3 =	vld [tilespmem:s2+$0xFFFFFF40];
	[tilespmem:s30+$0x40] =	vst v2;
	v0 =	vmul.f32 v9, v0  }
0x11c: {  	v2 =	vld [tilespmem:s2+$0xFFFFFF50];
	[tilespmem:s30+$0x50] =	vst v1  }
0x11d: {  	v1 =	vld [tilespmem:s2+$0xFFFFFF60];
	[tilespmem:s30+$0x60] =	vst v0  }
0x11e: {  	v0 =	vld [tilespmem:s2+$0xFFFFFF70]  }
0x11f: {  	s29 =	sadd.s32 $0x200, s29;
	v7 =	vld.idx.msk [tilespmem:v12+s3+$0x0], $0xffff  }
0x120: {  	v8 =	vld [tilespmem:s29+$0x70]  }
0x121: {  	v9 =	vld [tilespmem:s2+$0x0]  }
0x122: {  	v10 =	vld [tilespmem:s2+$0x10]  }
0x123: {  	v11 =	vld [tilespmem:s2+$0x20]  }
0x124: {  	v12 =	vld [tilespmem:s2+$0x30]  }
0x125: {  	v13 =	vld [tilespmem:s2+$0x40];
	v7 =	vmul.f32 v8, v7  }
0x126: {  	s30 =	sadd.s32 $0x200, s30;
	v8 =	vld [tilespmem:s2+$0x50]  }
0x127: {  	v14 =	vld [tilespmem:s2+$0x60];
	[tilespmem:s30+$0x70] =	vst v7  }
0x128: {  	v7 =	vld [tilespmem:s2+$0xFFFFFF00]  }
0x129: {  	v5 =	vld.idx.msk [tilespmem:v5+s3+$0x0], $0xffff  }
0x12a: {  	v6 =	vld.idx.msk [tilespmem:v6+s3+$0x0], $0xffff  }
0x12b: {  	v15 =	vld.idx.msk [tilespmem:v4+s3+$0x0], $0xffff  }
0x12c: {  	v16 =	vld.idx.msk [tilespmem:v3+s3+$0x0], $0xffff  }
0x12d: {  	v17 =	vld.idx.msk [tilespmem:v2+s3+$0x0], $0xffff  }
0x12e: {  	v18 =	vld.idx.msk [tilespmem:v1+s3+$0x0], $0xffff  }
0x12f: {  	v19 =	vld.idx.msk [tilespmem:v0+s3+$0x0], $0xffff  }
0x130: {  	v7 =	vld.idx.msk [tilespmem:v7+s3+$0x0], $0xffff  }
0x131: {  	v9 =	vld.idx.msk [tilespmem:v9+s3+$0x0], $0xffff  }
0x132: {  	v10 =	vld.idx.msk [tilespmem:v10+s3+$0x0], $0xffff  }
0x133: {  	v4 =	vld.idx.msk [tilespmem:v11+s3+$0x0], $0xffff  }
0x134: {  	v3 =	vld.idx.msk [tilespmem:v12+s3+$0x0], $0xffff  }
0x135: {  	v2 =	vld.idx.msk [tilespmem:v13+s3+$0x0], $0xffff  }
0x136: {  	v1 =	vld.idx.msk [tilespmem:v8+s3+$0x0], $0xffff  }
0x137: {  	v0 =	vld.idx.msk [tilespmem:v14+s3+$0x0], $0xffff  }
0x138: {  	v8 =	vld [tilespmem:s29+$0xFFFFFF00]  }
0x139: {  	v11 =	vld [tilespmem:s29+$0xFFFFFF10]  }
0x13a: {  	v12 =	vld [tilespmem:s29+$0xFFFFFF20]  }
0x13b: {  	v13 =	vld [tilespmem:s29+$0xFFFFFF30]  }
0x13c: {  	v14 =	vld [tilespmem:s29+$0xFFFFFF40]  }
0x13d: {  	v7 =	vmul.f32 v8, v7;
	v8 =	vld [tilespmem:s29+$0xFFFFFF50]  }
0x13e: {  	v5 =	vmul.f32 v11, v5;
	v11 =	vld [tilespmem:s29+$0xFFFFFF60]  }
0x13f: {  	[tilespmem:s30+$0xFFFFFF00] =	vst v7;
	v6 =	vmul.f32 v12, v6;
	v7 =	vld [tilespmem:s29+$0xFFFFFF70]  }
0x140: {  	[tilespmem:s30+$0xFFFFFF10] =	vst v5;
	v5 =	vmul.f32 v13, v15;
	v12 =	vld [tilespmem:s29+$0x0]  }
0x141: {  	[tilespmem:s30+$0xFFFFFF20] =	vst v6;
	v6 =	vmul.f32 v14, v16;
	v13 =	vld [tilespmem:s29+$0x10]  }
.Ltmp11:
0x142: {  	[tilespmem:s30+$0xFFFFFF30] =	vst v5;
	v8 =	vmul.f32 v8, v17;
	v5 =	vld [tilespmem:s29+$0x20];
	(pc) =	sbr.rel @p1 .LBB2_21-.Ltmp11, $4  }
0x143: {  	[tilespmem:s30+$0xFFFFFF40] =	vst v6;
	v11 =	vmul.f32 v11, v18;
	v6 =	vld [tilespmem:s29+$0x30]  }
0x144: {  	[tilespmem:s30+$0xFFFFFF50] =	vst v8;
	v14 =	vmul.f32 v7, v19;
	v7 =	vld [tilespmem:s29+$0x40]  }
0x145: {  	[tilespmem:s30+$0xFFFFFF60] =	vst v11;
	v11 =	vmul.f32 v12, v9;
	v8 =	vld [tilespmem:s29+$0x50]  }
0x146: {  	s2 =	sadd.s32 $0x200, s2;
	[tilespmem:s30+$0xFFFFFF70] =	vst v14;
	v10 =	vmul.f32 v13, v10;
	v9 =	vld [tilespmem:s29+$0x60]  }
0x147: {  	[tilespmem:s30+$0x0] =	vst v11;
	v4 =	vmul.f32 v5, v4  }
0x148: {  	[tilespmem:s30+$0x10] =	vst v10;
	v3 =	vmul.f32 v6, v3  }
0x149: {  	[tilespmem:s30+$0x20] =	vst v4;
	v2 =	vmul.f32 v7, v2  }
0x14a: {  	[tilespmem:s30+$0x30] =	vst v3;
	v1 =	vmul.f32 v8, v1  }
0x14b: {  	s2 =	sshll.u32 s28, $0x9;
	[tilespmem:s30+$0x40] =	vst v2;
	v0 =	vmul.f32 v9, v0  }
0x14c: {  	s28 =	simm.s32 $0x1D080;
	s2 =	sadd.s32 s2, s12;
	[tilespmem:s30+$0x50] =	vst v1  }
0x14d: {  	s29 =	simm.s32 $0x10;
	s18 =	simm.s32 $0x1D180;
	s19 =	sadd.s32 $0x0, s2;
	[tilespmem:s30+$0x60] =	vst v0  }
.LBB2_23:
0x14e: {  	[hbm4b:s19+s3] =	stream.linear.scatter [tilespmem:s28], [sflag:$0x4], $0x80, $0x38;
	[tilespmem:$0x1F000] =	vst v63  }
0x14f: {  	s19 =	smov.u32 s29;
	s28 =	smov.u32 s18;
	p1 =	sne.s32 s29, $0x1F0  }
.Ltmp12:
0x150: {  	s29 =	sadd.s32 $0x10, s29;
	(pc) =	sbr.rel @p1 .LBB2_23-.Ltmp12, $2  }
0x151: {  	_ =	sdelay $0x2  }
0x152: {  	s18 =	sadd.s32 $0x100, s18;
	s19 =	sadd.s32 s19, s2  }
0x153: {  	s26 =	sadd.s32 $0x1, s26  }
0x154: {  	p1 =	sne.s32 s26, $0xC  }
.Ltmp13:
0x155: {  	_ = 	snop;
	(pc) =	sbr.rel @p1 .LBB2_6-.Ltmp13, $2  }
0x156: {  	_ =	sdelay $0x2  }
0x157: {  	[hbm4b:s19+s3] =	stream.linear.scatter [tilespmem:s28], [sflag:$0x4], $0x80, $0x38;
	[tilespmem:$0x1F000] =	vst v63  }
0x158: {  	_ =	swait.ge [sflag:s21], $0x1000  }
.Ltmp14:
0x159: {  	[sflag:s21] =	ssyncset.done $0x0;
	(pc) =	sbr.rel @p0 .LBB2_29-.Ltmp14, $4  }
0x15a: {  	[sflag:s21] =	ssyncadd.s32 $0xFFFFF000  }
0x15b: {  	s30 =	sadd.s32 $0x20, s14;
	_ =	swait.ge [sflag:s24], $0x1000  }
0x15c: {  	s29 =	sadd.s32 $0x40, s14;
	s28 =	sadd.s32 $0x60, s14;
	[sflag:s24] =	ssyncset.done $0x0  }
0x15d: {  	s18 =	sadd.s32 $0x80, s14;
	s26 =	sadd.s32 $0xA0, s14;
	[sflag:s24] =	ssyncadd.s32 $0xFFFFF000  }
0x15e: {  	s2 =	simm.s32 $0x19000  }
0x15f: {  	[tilespmem:s2], [sflag:$0x1] =	stream.linear.gather [hbm4b:s14+s3], $0x80, $0x38;
	[tilespmem:$0x1F000] =	vst v63  }
0x160: {  	s2 =	simm.s32 $0x19100  }
0x161: {  	[tilespmem:s2], [sflag:$0x1] =	stream.linear.gather [hbm4b:s30+s3], $0x80, $0x38;
	[tilespmem:$0x1F000] =	vst v63  }
0x162: {  	s19 =	simm.s32 $0x19200  }
0x163: {  	[tilespmem:s19], [sflag:$0x1] =	stream.linear.gather [hbm4b:s29+s3], $0x80, $0x38;
	[tilespmem:$0x1F000] =	vst v63  }
0x164: {  	s30 =	simm.s32 $0x19300  }
0x165: {  	[tilespmem:s30], [sflag:$0x1] =	stream.linear.gather [hbm4b:s28+s3], $0x80, $0x38;
	[tilespmem:$0x1F000] =	vst v63  }
0x166: {  	s31 =	simm.s32 $0x19400  }
0x167: {  	[tilespmem:s31], [sflag:$0x1] =	stream.linear.gather [hbm4b:s18+s3], $0x80, $0x38;
	[tilespmem:$0x1F000] =	vst v63  }
0x168: {  	s19 =	simm.s32 $0x19500  }
0x169: {  	[tilespmem:s19], [sflag:$0x1] =	stream.linear.gather [hbm4b:s26+s3], $0x80, $0x38;
	[tilespmem:$0x1F000] =	vst v63  }
0x16a: {  	s30 =	sadd.s32 $0xC0, s14;
	s31 =	simm.s32 $0x19600  }
0x16b: {  	[tilespmem:s31], [sflag:$0x1] =	stream.linear.gather [hbm4b:s30+s3], $0x80, $0x38;
	[tilespmem:$0x1F000] =	vst v63  }
0x16c: {  	s19 =	sadd.s32 $0xE0, s14;
	s26 =	simm.s32 $0x19700  }
0x16d: {  	[tilespmem:s26], [sflag:$0x1] =	stream.linear.gather [hbm4b:s19+s3], $0x80, $0x38;
	[tilespmem:$0x1F000] =	vst v63  }
0x16e: {  	s30 =	sadd.s32 $0x100, s14;
	s31 =	simm.s32 $0x19800  }
0x16f: {  	[tilespmem:s31], [sflag:$0x1] =	stream.linear.gather [hbm4b:s30+s3], $0x80, $0x38;
	[tilespmem:$0x1F000] =	vst v63  }
0x170: {  	s19 =	sadd.s32 $0x120, s14;
	s26 =	simm.s32 $0x19900  }
0x171: {  	[tilespmem:s26], [sflag:$0x1] =	stream.linear.gather [hbm4b:s19+s3], $0x80, $0x38;
	[tilespmem:$0x1F000] =	vst v63  }
0x172: {  	s30 =	sadd.s32 $0x140, s14;
	s31 =	simm.s32 $0x19A00  }
0x173: {  	[tilespmem:s31], [sflag:$0x1] =	stream.linear.gather [hbm4b:s30+s3], $0x80, $0x38;
	[tilespmem:$0x1F000] =	vst v63  }
0x174: {  	s19 =	sadd.s32 $0x160, s14;
	s26 =	simm.s32 $0x19B00  }
0x175: {  	[tilespmem:s26], [sflag:$0x1] =	stream.linear.gather [hbm4b:s19+s3], $0x80, $0x38;
	[tilespmem:$0x1F000] =	vst v63  }
0x176: {  	s30 =	sadd.s32 $0x180, s14;
	s31 =	simm.s32 $0x19C00  }
0x177: {  	[tilespmem:s31], [sflag:$0x1] =	stream.linear.gather [hbm4b:s30+s3], $0x80, $0x38;
	[tilespmem:$0x1F000] =	vst v63  }
0x178: {  	s19 =	sadd.s32 $0x1A0, s14;
	s26 =	simm.s32 $0x19D00  }
0x179: {  	[tilespmem:s26], [sflag:$0x1] =	stream.linear.gather [hbm4b:s19+s3], $0x80, $0x38;
	[tilespmem:$0x1F000] =	vst v63  }
0x17a: {  	s30 =	sadd.s32 $0x1C0, s14;
	s31 =	simm.s32 $0x19E00  }
0x17b: {  	[tilespmem:s31], [sflag:$0x1] =	stream.linear.gather [hbm4b:s30+s3], $0x80, $0x38;
	[tilespmem:$0x1F000] =	vst v63  }
0x17c: {  	s26 =	sadd.s32 $0x1E0, s14;
	s30 =	simm.s32 $0x19F00  }
0x17d: {  	[tilespmem:s30], [sflag:$0x1] =	stream.linear.gather [hbm4b:s26+s3], $0x80, $0x38;
	[tilespmem:$0x1F000] =	vst v63  }
0x17e: {  	s31 =	simm.s32 $0x1B000  }
0x17f: {  	[tilespmem:s31], [sflag:$0x1] =	stream.linear.gather [hbm4b:s15+s3], $0x80, $0x38;
	[tilespmem:$0x1F000] =	vst v63  }
0x180: {  	s19 =	sadd.s32 $0x10, s15;
	s26 =	simm.s32 $0x1B100  }
0x181: {  	[tilespmem:s26], [sflag:$0x1] =	stream.linear.gather [hbm4b:s19+s3], $0x80, $0x38;
	[tilespmem:$0x1F000] =	vst v63  }
0x182: {  	s30 =	sadd.s32 $0x20, s15;
	s31 =	simm.s32 $0x1B200  }
0x183: {  	[tilespmem:s31], [sflag:$0x1] =	stream.linear.gather [hbm4b:s30+s3], $0x80, $0x38;
	[tilespmem:$0x1F000] =	vst v63  }
0x184: {  	s30 =	sadd.s32 $0x30, s15;
	s31 =	simm.s32 $0x1B300  }
0x185: {  	[tilespmem:s31], [sflag:$0x1] =	stream.linear.gather [hbm4b:s30+s3], $0x80, $0x38;
	[tilespmem:$0x1F000] =	vst v63  }
0x186: {  	s30 =	sadd.s32 $0x40, s15;
	s31 =	simm.s32 $0x1B400  }
0x187: {  	[tilespmem:s31], [sflag:$0x1] =	stream.linear.gather [hbm4b:s30+s3], $0x80, $0x38;
	[tilespmem:$0x1F000] =	vst v63  }
0x188: {  	s30 =	sadd.s32 $0x50, s15;
	s31 =	simm.s32 $0x1B500  }
0x189: {  	[tilespmem:s31], [sflag:$0x1] =	stream.linear.gather [hbm4b:s30+s3], $0x80, $0x38;
	[tilespmem:$0x1F000] =	vst v63  }
0x18a: {  	s30 =	sadd.s32 $0x60, s15;
	s31 =	simm.s32 $0x1B600  }
0x18b: {  	[tilespmem:s31], [sflag:$0x1] =	stream.linear.gather [hbm4b:s30+s3], $0x80, $0x38;
	[tilespmem:$0x1F000] =	vst v63  }
0x18c: {  	s30 =	sadd.s32 $0x70, s15;
	s31 =	simm.s32 $0x1B700  }
0x18d: {  	[tilespmem:s31], [sflag:$0x1] =	stream.linear.gather [hbm4b:s30+s3], $0x80, $0x38;
	[tilespmem:$0x1F000] =	vst v63  }
0x18e: {  	s30 =	sadd.s32 $0x80, s15;
	s31 =	simm.s32 $0x1B800  }
0x18f: {  	[tilespmem:s31], [sflag:$0x1] =	stream.linear.gather [hbm4b:s30+s3], $0x80, $0x38;
	[tilespmem:$0x1F000] =	vst v63  }
0x190: {  	s30 =	sadd.s32 $0x90, s15;
	s31 =	simm.s32 $0x1B900  }
0x191: {  	[tilespmem:s31], [sflag:$0x1] =	stream.linear.gather [hbm4b:s30+s3], $0x80, $0x38;
	[tilespmem:$0x1F000] =	vst v63  }
0x192: {  	s30 =	sadd.s32 $0xA0, s15;
	s31 =	simm.s32 $0x1BA00  }
0x193: {  	[tilespmem:s31], [sflag:$0x1] =	stream.linear.gather [hbm4b:s30+s3], $0x80, $0x38;
	[tilespmem:$0x1F000] =	vst v63  }
0x194: {  	s30 =	sadd.s32 $0xB0, s15;
	s31 =	simm.s32 $0x1BB00  }
0x195: {  	[tilespmem:s31], [sflag:$0x1] =	stream.linear.gather [hbm4b:s30+s3], $0x80, $0x38;
	[tilespmem:$0x1F000] =	vst v63  }
0x196: {  	s30 =	sadd.s32 $0xC0, s15;
	s31 =	simm.s32 $0x1BC00  }
0x197: {  	[tilespmem:s31], [sflag:$0x1] =	stream.linear.gather [hbm4b:s30+s3], $0x80, $0x38;
	[tilespmem:$0x1F000] =	vst v63  }
0x198: {  	s30 =	sadd.s32 $0xD0, s15;
	s31 =	simm.s32 $0x1BD00  }
0x199: {  	[tilespmem:s31], [sflag:$0x1] =	stream.linear.gather [hbm4b:s30+s3], $0x80, $0x38;
	[tilespmem:$0x1F000] =	vst v63  }
0x19a: {  	s30 =	sadd.s32 $0xE0, s15;
	s31 =	simm.s32 $0x1BE00  }
0x19b: {  	[tilespmem:s31], [sflag:$0x1] =	stream.linear.gather [hbm4b:s30+s3], $0x80, $0x38;
	[tilespmem:$0x1F000] =	vst v63  }
0x19c: {  	s30 =	sadd.s32 $0xF0, s15;
	s31 =	simm.s32 $0x1BF00  }
0x19d: {  	[tilespmem:s31], [sflag:$0x1] =	stream.linear.gather [hbm4b:s30+s3], $0x80, $0x38;
	[tilespmem:$0x1F000] =	vst v63  }
0x19e: {  	_ =	swait.ge [sflag:s22], $0x800  }
0x19f: {  	[sflag:s22] =	ssyncset.done $0x0  }
0x1a0: {  	[sflag:s22] =	ssyncadd.s32 $0xFFFFF800  }
0x1a1: {  	_ =	swait.ge [sflag:s22], $0x800  }
0x1a2: {  	[sflag:s22] =	ssyncset.done $0x0  }
0x1a3: {  	[sflag:s22] =	ssyncadd.s32 $0xFFFFF800  }
0x1a4: {  	v0 =	vld [tilespmem:s2+$0x70]  }
0x1a5: {  	v1 =	vld [tilespmem:s2+$0xFFFFFF10]  }
0x1a6: {  	v2 =	vld [tilespmem:s2+$0xFFFFFF20]  }
0x1a7: {  	v3 =	vld [tilespmem:s2+$0xFFFFFF30]  }
0x1a8: {  	v4 =	vld [tilespmem:s2+$0xFFFFFF40]  }
0x1a9: {  	v5 =	vld [tilespmem:s2+$0xFFFFFF50]  }
0x1aa: {  	v6 =	vld [tilespmem:s2+$0xFFFFFF60]  }
0x1ab: {  	v7 =	vld [tilespmem:s2+$0xFFFFFF70]  }
0x1ac: {  	v9 =	vld [tilespmem:s26+$0x70]  }
0x1ad: {  	v10 =	vld [tilespmem:s2+$0x10]  }
0x1ae: {  	v11 =	vld [tilespmem:s2+$0x20]  }
0x1af: {  	v12 =	vld [tilespmem:s2+$0x30]  }
0x1b0: {  	v13 =	vld [tilespmem:s2+$0x40]  }
0x1b1: {  	v14 =	vld [tilespmem:s2+$0x50]  }
0x1b2: {  	v15 =	vld [tilespmem:s2+$0x60]  }
0x1b3: {  	v16 =	vld [tilespmem:s2+$0xFFFFFF00]  }
0x1b4: {  	v55 =	vld [tilespmem:s26+$0xFFFFFF10]  }
0x1b5: {  	v56 =	vld [tilespmem:s26+$0xFFFFFF20]  }
0x1b6: {  	v57 =	vld [tilespmem:s26+$0xFFFFFF30]  }
0x1b7: {  	v58 =	vld [tilespmem:s26+$0xFFFFFF50]  }
0x1b8: {  	v59 =	vld [tilespmem:s26+$0xFFFFFF60]  }
0x1b9: {  	v60 =	vld [tilespmem:s26+$0xFFFFFF70]  }
0x1ba: {  	v61 =	vld [tilespmem:s26+$0x0]  }
0x1bb: {  	v62 =	vld [tilespmem:s26+$0x10]  }
0x1bc: {  	v8 =	vld.idx.msk [tilespmem:v0+s3+$0x0], $0xffff  }
0x1bd: {  	v0 =	vld [tilespmem:s2+$0x0]  }
0x1be: {  	v17 =	vld.idx.msk [tilespmem:v1+s3+$0x0], $0xffff  }
0x1bf: {  	v18 =	vld.idx.msk [tilespmem:v2+s3+$0x0], $0xffff  }
0x1c0: {  	v19 =	vld.idx.msk [tilespmem:v3+s3+$0x0], $0xffff  }
0x1c1: {  	v20 =	vld.idx.msk [tilespmem:v4+s3+$0x0], $0xffff  }
0x1c2: {  	v5 =	vld.idx.msk [tilespmem:v5+s3+$0x0], $0xffff  }
0x1c3: {  	v16 =	vld.idx.msk [tilespmem:v16+s3+$0x0], $0xffff  }
0x1c4: {  	v4 =	vld.idx.msk [tilespmem:v11+s3+$0x0], $0xffff  }
0x1c5: {  	v11 =	vld [tilespmem:s26+$0xFFFFFF00]  }
0x1c6: {  	v6 =	vld.idx.msk [tilespmem:v6+s3+$0x0], $0xffff  }
0x1c7: {  	v7 =	vld.idx.msk [tilespmem:v7+s3+$0x0], $0xffff  }
0x1c8: {  	v10 =	vld.idx.msk [tilespmem:v10+s3+$0x0], $0xffff  }
0x1c9: {  	v8 =	vmul.f32 v9, v8;
	v9 =	vld [tilespmem:s26+$0xFFFFFF40]  }
0x1ca: {  	s28 =	simm.s32 $0x1D100;
	v3 =	vld.idx.msk [tilespmem:v12+s3+$0x0], $0xffff;
	v11 =	vmul.f32 v11, v16  }
0x1cb: {  	v2 =	vld.idx.msk [tilespmem:v13+s3+$0x0], $0xffff;
	[tilespmem:s28+$0x70] =	vst v8;
	v8 =	vmul.f32 v55, v17  }
0x1cc: {  	v1 =	vld.idx.msk [tilespmem:v14+s3+$0x0], $0xffff;
	v63 =	vmul.f32 v60, v7;
	[tilespmem:s28+$0xFFFFFF00] =	vst v11  }
0x1cd: {  	v21 =	vld.idx.msk [tilespmem:v0+s3+$0x0], $0xffff;
	[tilespmem:s28+$0xFFFFFF10] =	vst v8;
	v8 =	vmul.f32 v57, v19  }
0x1ce: {  	v7 =	vld [tilespmem:s26+$0x40];
	[tilespmem:s28+$0xFFFFFF70] =	vst v63;
	v9 =	vmul.f32 v9, v20  }
0x1cf: {  	v11 =	vmul.f32 v56, v18;
	[tilespmem:s28+$0xFFFFFF30] =	vst v8;
	v8 =	vmul.f32 v58, v5;
	v5 =	vld [tilespmem:s26+$0x20]  }
0x1d0: {  	[tilespmem:s28+$0xFFFFFF40] =	vst v9;
	v9 =	vmul.f32 v59, v6;
	v6 =	vld [tilespmem:s26+$0x30]  }
0x1d1: {  	v0 =	vld.idx.msk [tilespmem:v15+s3+$0x0], $0xffff;
	[tilespmem:s28+$0xFFFFFF20] =	vst v11  }
0x1d2: {  	[tilespmem:s28+$0xFFFFFF50] =	vst v8;
	v8 =	vld [tilespmem:s26+$0x50];
	v11 =	vmul.f32 v61, v21  }
0x1d3: {  	s29 =	simm.s32 $0x0;
	s2 =	simm.s32 $0x19300;
	v10 =	vmul.f32 v62, v10;
	[tilespmem:s28+$0xFFFFFF60] =	vst v9;
	v9 =	vld [tilespmem:s26+$0x60]  }
.LBB2_27:
0x1d4: {  	v12 =	vld [tilespmem:s2+$0x70];
	s29 =	sadd.s32 $0x10, s29;
	[tilespmem:s28+$0x0] =	vst v11;
	v4 =	vmul.f32 v5, v4  }
0x1d5: {  	v5 =	vld [tilespmem:s2+$0xFFFFFF10];
	p1 =	slt.u32 s29, $0x70;
	[tilespmem:s28+$0x10] =	vst v10;
	v3 =	vmul.f32 v6, v3  }
0x1d6: {  	v6 =	vld [tilespmem:s2+$0xFFFFFF20];
	[tilespmem:s28+$0x20] =	vst v4;
	v2 =	vmul.f32 v7, v2  }
0x1d7: {  	v4 =	vld [tilespmem:s2+$0xFFFFFF30];
	[tilespmem:s28+$0x30] =	vst v3;
	v1 =	vmul.f32 v8, v1  }
0x1d8: {  	v3 =	vld [tilespmem:s2+$0xFFFFFF40];
	[tilespmem:s28+$0x40] =	vst v2;
	v0 =	vmul.f32 v9, v0  }
0x1d9: {  	v2 =	vld [tilespmem:s2+$0xFFFFFF50];
	[tilespmem:s28+$0x50] =	vst v1  }
0x1da: {  	v1 =	vld [tilespmem:s2+$0xFFFFFF60];
	[tilespmem:s28+$0x60] =	vst v0  }
0x1db: {  	v0 =	vld [tilespmem:s2+$0xFFFFFF70]  }
0x1dc: {  	s26 =	sadd.s32 $0x200, s26;
	v7 =	vld.idx.msk [tilespmem:v12+s3+$0x0], $0xffff  }
0x1dd: {  	v8 =	vld [tilespmem:s26+$0x70]  }
0x1de: {  	v9 =	vld [tilespmem:s2+$0x0]  }
0x1df: {  	v10 =	vld [tilespmem:s2+$0x10]  }
0x1e0: {  	v11 =	vld [tilespmem:s2+$0x20]  }
0x1e1: {  	v12 =	vld [tilespmem:s2+$0x30]  }
0x1e2: {  	v13 =	vld [tilespmem:s2+$0x40];
	v7 =	vmul.f32 v8, v7  }
0x1e3: {  	s28 =	sadd.s32 $0x200, s28;
	v8 =	vld [tilespmem:s2+$0x50]  }
0x1e4: {  	v14 =	vld [tilespmem:s2+$0x60];
	[tilespmem:s28+$0x70] =	vst v7  }
0x1e5: {  	v7 =	vld [tilespmem:s2+$0xFFFFFF00]  }
0x1e6: {  	v5 =	vld.idx.msk [tilespmem:v5+s3+$0x0], $0xffff  }
0x1e7: {  	v6 =	vld.idx.msk [tilespmem:v6+s3+$0x0], $0xffff  }
0x1e8: {  	v15 =	vld.idx.msk [tilespmem:v4+s3+$0x0], $0xffff  }
0x1e9: {  	v16 =	vld.idx.msk [tilespmem:v3+s3+$0x0], $0xffff  }
0x1ea: {  	v17 =	vld.idx.msk [tilespmem:v2+s3+$0x0], $0xffff  }
0x1eb: {  	v18 =	vld.idx.msk [tilespmem:v1+s3+$0x0], $0xffff  }
0x1ec: {  	v19 =	vld.idx.msk [tilespmem:v0+s3+$0x0], $0xffff  }
0x1ed: {  	v7 =	vld.idx.msk [tilespmem:v7+s3+$0x0], $0xffff  }
0x1ee: {  	v9 =	vld.idx.msk [tilespmem:v9+s3+$0x0], $0xffff  }
0x1ef: {  	v10 =	vld.idx.msk [tilespmem:v10+s3+$0x0], $0xffff  }
0x1f0: {  	v4 =	vld.idx.msk [tilespmem:v11+s3+$0x0], $0xffff  }
0x1f1: {  	v3 =	vld.idx.msk [tilespmem:v12+s3+$0x0], $0xffff  }
0x1f2: {  	v2 =	vld.idx.msk [tilespmem:v13+s3+$0x0], $0xffff  }
0x1f3: {  	v1 =	vld.idx.msk [tilespmem:v8+s3+$0x0], $0xffff  }
0x1f4: {  	v0 =	vld.idx.msk [tilespmem:v14+s3+$0x0], $0xffff  }
0x1f5: {  	v8 =	vld [tilespmem:s26+$0xFFFFFF00]  }
0x1f6: {  	v11 =	vld [tilespmem:s26+$0xFFFFFF10]  }
0x1f7: {  	v12 =	vld [tilespmem:s26+$0xFFFFFF20]  }
0x1f8: {  	v13 =	vld [tilespmem:s26+$0xFFFFFF30]  }
0x1f9: {  	v14 =	vld [tilespmem:s26+$0xFFFFFF40]  }
0x1fa: {  	v7 =	vmul.f32 v8, v7;
	v8 =	vld [tilespmem:s26+$0xFFFFFF50]  }
0x1fb: {  	v5 =	vmul.f32 v11, v5;
	v11 =	vld [tilespmem:s26+$0xFFFFFF60]  }
0x1fc: {  	[tilespmem:s28+$0xFFFFFF00] =	vst v7;
	v6 =	vmul.f32 v12, v6;
	v7 =	vld [tilespmem:s26+$0xFFFFFF70]  }
0x1fd: {  	[tilespmem:s28+$0xFFFFFF10] =	vst v5;
	v5 =	vmul.f32 v13, v15;
	v12 =	vld [tilespmem:s26+$0x0]  }
0x1fe: {  	[tilespmem:s28+$0xFFFFFF20] =	vst v6;
	v6 =	vmul.f32 v14, v16;
	v13 =	vld [tilespmem:s26+$0x10]  }
.Ltmp15:
0x1ff: {  	[tilespmem:s28+$0xFFFFFF30] =	vst v5;
	v8 =	vmul.f32 v8, v17;
	v5 =	vld [tilespmem:s26+$0x20];
	(pc) =	sbr.rel @p1 .LBB2_27-.Ltmp15, $4  }
0x200: {  	[tilespmem:s28+$0xFFFFFF40] =	vst v6;
	v11 =	vmul.f32 v11, v18;
	v6 =	vld [tilespmem:s26+$0x30]  }
0x201: {  	[tilespmem:s28+$0xFFFFFF50] =	vst v8;
	v14 =	vmul.f32 v7, v19;
	v7 =	vld [tilespmem:s26+$0x40]  }
0x202: {  	[tilespmem:s28+$0xFFFFFF60] =	vst v11;
	v11 =	vmul.f32 v12, v9;
	v8 =	vld [tilespmem:s26+$0x50]  }
0x203: {  	s2 =	sadd.s32 $0x200, s2;
	[tilespmem:s28+$0xFFFFFF70] =	vst v14;
	v10 =	vmul.f32 v13, v10;
	v9 =	vld [tilespmem:s26+$0x60]  }
0x204: {  	[tilespmem:s28+$0x0] =	vst v11;
	v4 =	vmul.f32 v5, v4  }
0x205: {  	[tilespmem:s28+$0x10] =	vst v10;
	v3 =	vmul.f32 v6, v3  }
0x206: {  	[tilespmem:s28+$0x20] =	vst v4;
	v2 =	vmul.f32 v7, v2  }
0x207: {  	[tilespmem:s28+$0x30] =	vst v3;
	v1 =	vmul.f32 v8, v1  }
0x208: {  	[tilespmem:s28+$0x40] =	vst v2;
	v0 =	vmul.f32 v9, v0  }
0x209: {  	[tilespmem:s28+$0x50] =	vst v1  }
0x20a: {  	s2 =	simm.s32 $0x1D000;
	[tilespmem:s28+$0x60] =	vst v0  }
0x20b: {  	[hbm4b:s16+s3] =	stream.linear.scatter [tilespmem:s2], [sflag:$0x5], $0x80, $0x38;
	[tilespmem:$0x1F000] =	vst v63  }
0x20c: {  	s26 =	sadd.s32 $0x10, s16;
	s18 =	simm.s32 $0x1D100  }
0x20d: {  	[hbm4b:s26+s3] =	stream.linear.scatter [tilespmem:s18], [sflag:$0x5], $0x80, $0x38;
	[tilespmem:$0x1F000] =	vst v63  }
0x20e: {  	s29 =	simm.s32 $0x1D200;
	s28 =	sadd.s32 $0x20, s16  }
0x20f: {  	[hbm4b:s28+s3] =	stream.linear.scatter [tilespmem:s29], [sflag:$0x5], $0x80, $0x38;
	[tilespmem:$0x1F000] =	vst v63  }
0x210: {  	s30 =	sadd.s32 $0x30, s16;
	s31 =	simm.s32 $0x1D300  }
0x211: {  	[hbm4b:s30+s3] =	stream.linear.scatter [tilespmem:s31], [sflag:$0x5], $0x80, $0x38;
	[tilespmem:$0x1F000] =	vst v63  }
0x212: {  	s19 =	sadd.s32 $0x40, s16;
	s26 =	simm.s32 $0x1D400  }
0x213: {  	[hbm4b:s19+s3] =	stream.linear.scatter [tilespmem:s26], [sflag:$0x5], $0x80, $0x38;
	[tilespmem:$0x1F000] =	vst v63  }
0x214: {  	s28 =	sadd.s32 $0x50, s16;
	s29 =	simm.s32 $0x1D500  }
0x215: {  	[hbm4b:s28+s3] =	stream.linear.scatter [tilespmem:s29], [sflag:$0x5], $0x80, $0x38;
	[tilespmem:$0x1F000] =	vst v63  }
0x216: {  	s30 =	sadd.s32 $0x60, s16;
	s31 =	simm.s32 $0x1D600  }
0x217: {  	[hbm4b:s30+s3] =	stream.linear.scatter [tilespmem:s31], [sflag:$0x5], $0x80, $0x38;
	[tilespmem:$0x1F000] =	vst v63  }
0x218: {  	s19 =	sadd.s32 $0x70, s16;
	s26 =	simm.s32 $0x1D700  }
0x219: {  	[hbm4b:s19+s3] =	stream.linear.scatter [tilespmem:s26], [sflag:$0x5], $0x80, $0x38;
	[tilespmem:$0x1F000] =	vst v63  }
0x21a: {  	s28 =	sadd.s32 $0x80, s16;
	s29 =	simm.s32 $0x1D800  }
0x21b: {  	[hbm4b:s28+s3] =	stream.linear.scatter [tilespmem:s29], [sflag:$0x5], $0x80, $0x38;
	[tilespmem:$0x1F000] =	vst v63  }
0x21c: {  	s30 =	sadd.s32 $0x90, s16;
	s31 =	simm.s32 $0x1D900  }
0x21d: {  	[hbm4b:s30+s3] =	stream.linear.scatter [tilespmem:s31], [sflag:$0x5], $0x80, $0x38;
	[tilespmem:$0x1F000] =	vst v63  }
0x21e: {  	s19 =	sadd.s32 $0xA0, s16;
	s26 =	simm.s32 $0x1DA00  }
0x21f: {  	[hbm4b:s19+s3] =	stream.linear.scatter [tilespmem:s26], [sflag:$0x5], $0x80, $0x38;
	[tilespmem:$0x1F000] =	vst v63  }
0x220: {  	s28 =	sadd.s32 $0xB0, s16;
	s29 =	simm.s32 $0x1DB00  }
0x221: {  	[hbm4b:s28+s3] =	stream.linear.scatter [tilespmem:s29], [sflag:$0x5], $0x80, $0x38;
	[tilespmem:$0x1F000] =	vst v63  }
0x222: {  	s30 =	sadd.s32 $0xC0, s16;
	s31 =	simm.s32 $0x1DC00  }
0x223: {  	[hbm4b:s30+s3] =	stream.linear.scatter [tilespmem:s31], [sflag:$0x5], $0x80, $0x38;
	[tilespmem:$0x1F000] =	vst v63  }
0x224: {  	s19 =	sadd.s32 $0xD0, s16;
	s26 =	simm.s32 $0x1DD00  }
0x225: {  	[hbm4b:s19+s3] =	stream.linear.scatter [tilespmem:s26], [sflag:$0x5], $0x80, $0x38;
	[tilespmem:$0x1F000] =	vst v63  }
0x226: {  	s28 =	sadd.s32 $0xE0, s16;
	s29 =	simm.s32 $0x1DE00  }
0x227: {  	[hbm4b:s28+s3] =	stream.linear.scatter [tilespmem:s29], [sflag:$0x5], $0x80, $0x38;
	[tilespmem:$0x1F000] =	vst v63  }
.Ltmp16:
0x228: {  	s30 =	sadd.s32 $0xF0, s16;
	s31 =	simm.s32 $0x1DF00;
	(pc) =	sbr.rel .LBB2_32-.Ltmp16, $4  }
0x229: {  	[hbm4b:s30+s3] =	stream.linear.scatter [tilespmem:s31], [sflag:$0x5], $0x80, $0x38;
	[tilespmem:$0x1F000] =	vst v63  }
0x22a: {  	_ =	swait.ge [sflag:s0], $0x800  }
0x22b: {  	[sflag:s0] =	ssyncset.done $0x0  }
0x22c: {  	[sflag:s0] =	ssyncadd.s32 $0xFFFFF800  }
.LBB2_29:
0x22d: {  	s2 =	simm.s32 $0x19080  }
0x22e: {  	[tilespmem:s2], [sflag:$0x2] =	stream.linear.gather [hbm4b:s14+s3], $0x80, $0x38;
	[tilespmem:$0x1F000] =	vst v63  }
0x22f: {  	s2 =	simm.s32 $0x19180  }
0x230: {  	[tilespmem:s2], [sflag:$0x2] =	stream.linear.gather [hbm4b:s30+s3], $0x80, $0x38;
	[tilespmem:$0x1F000] =	vst v63  }
0x231: {  	s19 =	simm.s32 $0x19280  }
0x232: {  	[tilespmem:s19], [sflag:$0x2] =	stream.linear.gather [hbm4b:s29+s3], $0x80, $0x38;
	[tilespmem:$0x1F000] =	vst v63  }
0x233: {  	s30 =	simm.s32 $0x19380  }
0x234: {  	[tilespmem:s30], [sflag:$0x2] =	stream.linear.gather [hbm4b:s28+s3], $0x80, $0x38;
	[tilespmem:$0x1F000] =	vst v63  }
0x235: {  	s31 =	simm.s32 $0x19480  }
0x236: {  	[tilespmem:s31], [sflag:$0x2] =	stream.linear.gather [hbm4b:s18+s3], $0x80, $0x38;
	[tilespmem:$0x1F000] =	vst v63  }
0x237: {  	s19 =	simm.s32 $0x19580  }
0x238: {  	[tilespmem:s19], [sflag:$0x2] =	stream.linear.gather [hbm4b:s26+s3], $0x80, $0x38;
	[tilespmem:$0x1F000] =	vst v63  }
0x239: {  	s30 =	sadd.s32 $0xC0, s14;
	s31 =	simm.s32 $0x19680  }
0x23a: {  	[tilespmem:s31], [sflag:$0x2] =	stream.linear.gather [hbm4b:s30+s3], $0x80, $0x38;
	[tilespmem:$0x1F000] =	vst v63  }
0x23b: {  	s26 =	sadd.s32 $0xE0, s14;
	s30 =	simm.s32 $0x19780  }
0x23c: {  	[tilespmem:s30], [sflag:$0x2] =	stream.linear.gather [hbm4b:s26+s3], $0x80, $0x38;
	[tilespmem:$0x1F000] =	vst v63  }
0x23d: {  	s31 =	simm.s32 $0x1B080  }
0x23e: {  	[tilespmem:s31], [sflag:$0x2] =	stream.linear.gather [hbm4b:s15+s3], $0x80, $0x38;
	[tilespmem:$0x1F000] =	vst v63  }
0x23f: {  	s19 =	sadd.s32 $0x10, s15;
	s26 =	simm.s32 $0x1B180  }
0x240: {  	[tilespmem:s26], [sflag:$0x2] =	stream.linear.gather [hbm4b:s19+s3], $0x80, $0x38;
	[tilespmem:$0x1F000] =	vst v63  }
0x241: {  	s30 =	sadd.s32 $0x20, s15;
	s31 =	simm.s32 $0x1B280  }
0x242: {  	[tilespmem:s31], [sflag:$0x2] =	stream.linear.gather [hbm4b:s30+s3], $0x80, $0x38;
	[tilespmem:$0x1F000] =	vst v63  }
0x243: {  	s30 =	sadd.s32 $0x30, s15;
	s31 =	simm.s32 $0x1B380  }
0x244: {  	[tilespmem:s31], [sflag:$0x2] =	stream.linear.gather [hbm4b:s30+s3], $0x80, $0x38;
	[tilespmem:$0x1F000] =	vst v63  }
0x245: {  	s30 =	sadd.s32 $0x40, s15;
	s31 =	simm.s32 $0x1B480  }
0x246: {  	[tilespmem:s31], [sflag:$0x2] =	stream.linear.gather [hbm4b:s30+s3], $0x80, $0x38;
	[tilespmem:$0x1F000] =	vst v63  }
0x247: {  	s30 =	sadd.s32 $0x50, s15;
	s31 =	simm.s32 $0x1B580  }
0x248: {  	[tilespmem:s31], [sflag:$0x2] =	stream.linear.gather [hbm4b:s30+s3], $0x80, $0x38;
	[tilespmem:$0x1F000] =	vst v63  }
0x249: {  	s30 =	sadd.s32 $0x60, s15;
	s31 =	simm.s32 $0x1B680  }
0x24a: {  	[tilespmem:s31], [sflag:$0x2] =	stream.linear.gather [hbm4b:s30+s3], $0x80, $0x38;
	[tilespmem:$0x1F000] =	vst v63  }
0x24b: {  	s30 =	sadd.s32 $0x70, s15;
	s31 =	simm.s32 $0x1B780  }
0x24c: {  	[tilespmem:s31], [sflag:$0x2] =	stream.linear.gather [hbm4b:s30+s3], $0x80, $0x38;
	[tilespmem:$0x1F000] =	vst v63  }
0x24d: {  	_ =	swait.ge [sflag:s23], $0x400  }
0x24e: {  	[sflag:s23] =	ssyncset.done $0x0  }
0x24f: {  	[sflag:s23] =	ssyncadd.s32 $0xFFFFFC00  }
0x250: {  	_ =	swait.ge [sflag:s23], $0x400  }
0x251: {  	[sflag:s23] =	ssyncset.done $0x0  }
0x252: {  	[sflag:s23] =	ssyncadd.s32 $0xFFFFFC00  }
0x253: {  	v0 =	vld [tilespmem:s2+$0x70]  }
0x254: {  	v1 =	vld [tilespmem:s2+$0xFFFFFF10]  }
0x255: {  	v2 =	vld [tilespmem:s2+$0xFFFFFF20]  }
0x256: {  	v3 =	vld [tilespmem:s2+$0xFFFFFF30]  }
0x257: {  	v4 =	vld [tilespmem:s2+$0xFFFFFF40]  }
0x258: {  	v5 =	vld [tilespmem:s2+$0xFFFFFF50]  }
0x259: {  	v6 =	vld [tilespmem:s2+$0xFFFFFF60]  }
0x25a: {  	v7 =	vld [tilespmem:s2+$0xFFFFFF70]  }
0x25b: {  	v9 =	vld [tilespmem:s26+$0x70]  }
0x25c: {  	v10 =	vld [tilespmem:s2+$0x10]  }
0x25d: {  	v11 =	vld [tilespmem:s2+$0x20]  }
0x25e: {  	v12 =	vld [tilespmem:s2+$0x30]  }
0x25f: {  	v13 =	vld [tilespmem:s2+$0x40]  }
0x260: {  	v14 =	vld [tilespmem:s2+$0x50]  }
0x261: {  	v15 =	vld [tilespmem:s2+$0x60]  }
0x262: {  	v16 =	vld [tilespmem:s2+$0xFFFFFF00]  }
0x263: {  	v55 =	vld [tilespmem:s26+$0xFFFFFF10]  }
0x264: {  	v56 =	vld [tilespmem:s26+$0xFFFFFF20]  }
0x265: {  	v57 =	vld [tilespmem:s26+$0xFFFFFF30]  }
0x266: {  	v58 =	vld [tilespmem:s26+$0xFFFFFF50]  }
0x267: {  	v59 =	vld [tilespmem:s26+$0xFFFFFF60]  }
0x268: {  	v60 =	vld [tilespmem:s26+$0xFFFFFF70]  }
0x269: {  	v61 =	vld [tilespmem:s26+$0x0]  }
0x26a: {  	v62 =	vld [tilespmem:s26+$0x10]  }
0x26b: {  	v8 =	vld.idx.msk [tilespmem:v0+s3+$0x0], $0xffff  }
0x26c: {  	v0 =	vld [tilespmem:s2+$0x0]  }
0x26d: {  	v17 =	vld.idx.msk [tilespmem:v1+s3+$0x0], $0xffff  }
0x26e: {  	v18 =	vld.idx.msk [tilespmem:v2+s3+$0x0], $0xffff  }
0x26f: {  	v19 =	vld.idx.msk [tilespmem:v3+s3+$0x0], $0xffff  }
0x270: {  	v20 =	vld.idx.msk [tilespmem:v4+s3+$0x0], $0xffff  }
0x271: {  	v5 =	vld.idx.msk [tilespmem:v5+s3+$0x0], $0xffff  }
0x272: {  	v16 =	vld.idx.msk [tilespmem:v16+s3+$0x0], $0xffff  }
0x273: {  	v4 =	vld.idx.msk [tilespmem:v11+s3+$0x0], $0xffff  }
0x274: {  	v11 =	vld [tilespmem:s26+$0xFFFFFF00]  }
0x275: {  	v6 =	vld.idx.msk [tilespmem:v6+s3+$0x0], $0xffff  }
0x276: {  	v7 =	vld.idx.msk [tilespmem:v7+s3+$0x0], $0xffff  }
0x277: {  	v10 =	vld.idx.msk [tilespmem:v10+s3+$0x0], $0xffff  }
0x278: {  	v8 =	vmul.f32 v9, v8;
	v9 =	vld [tilespmem:s26+$0xFFFFFF40]  }
0x279: {  	s28 =	simm.s32 $0x1D180;
	v3 =	vld.idx.msk [tilespmem:v12+s3+$0x0], $0xffff;
	v11 =	vmul.f32 v11, v16  }
0x27a: {  	v2 =	vld.idx.msk [tilespmem:v13+s3+$0x0], $0xffff;
	[tilespmem:s28+$0x70] =	vst v8;
	v8 =	vmul.f32 v55, v17  }
0x27b: {  	v1 =	vld.idx.msk [tilespmem:v14+s3+$0x0], $0xffff;
	v63 =	vmul.f32 v60, v7;
	[tilespmem:s28+$0xFFFFFF00] =	vst v11  }
0x27c: {  	v21 =	vld.idx.msk [tilespmem:v0+s3+$0x0], $0xffff;
	[tilespmem:s28+$0xFFFFFF10] =	vst v8;
	v8 =	vmul.f32 v57, v19  }
0x27d: {  	v7 =	vld [tilespmem:s26+$0x40];
	[tilespmem:s28+$0xFFFFFF70] =	vst v63;
	v9 =	vmul.f32 v9, v20  }
0x27e: {  	v11 =	vmul.f32 v56, v18;
	[tilespmem:s28+$0xFFFFFF30] =	vst v8;
	v8 =	vmul.f32 v58, v5;
	v5 =	vld [tilespmem:s26+$0x20]  }
0x27f: {  	[tilespmem:s28+$0xFFFFFF40] =	vst v9;
	v9 =	vmul.f32 v59, v6;
	v6 =	vld [tilespmem:s26+$0x30]  }
0x280: {  	v0 =	vld.idx.msk [tilespmem:v15+s3+$0x0], $0xffff;
	[tilespmem:s28+$0xFFFFFF20] =	vst v11  }
0x281: {  	[tilespmem:s28+$0xFFFFFF50] =	vst v8;
	v8 =	vld [tilespmem:s26+$0x50];
	v11 =	vmul.f32 v61, v21  }
0x282: {  	s29 =	simm.s32 $0x0;
	s2 =	simm.s32 $0x19380;
	v10 =	vmul.f32 v62, v10;
	[tilespmem:s28+$0xFFFFFF60] =	vst v9;
	v9 =	vld [tilespmem:s26+$0x60]  }
.LBB2_30:
0x283: {  	v12 =	vld [tilespmem:s2+$0x70];
	s29 =	sadd.s32 $0x10, s29;
	[tilespmem:s28+$0x0] =	vst v11;
	v4 =	vmul.f32 v5, v4  }
0x284: {  	v5 =	vld [tilespmem:s2+$0xFFFFFF10];
	p1 =	slt.u32 s29, $0x30;
	[tilespmem:s28+$0x10] =	vst v10;
	v3 =	vmul.f32 v6, v3  }
0x285: {  	v6 =	vld [tilespmem:s2+$0xFFFFFF20];
	[tilespmem:s28+$0x20] =	vst v4;
	v2 =	vmul.f32 v7, v2  }
0x286: {  	v4 =	vld [tilespmem:s2+$0xFFFFFF30];
	[tilespmem:s28+$0x30] =	vst v3;
	v1 =	vmul.f32 v8, v1  }
0x287: {  	v3 =	vld [tilespmem:s2+$0xFFFFFF40];
	[tilespmem:s28+$0x40] =	vst v2;
	v0 =	vmul.f32 v9, v0  }
0x288: {  	v2 =	vld [tilespmem:s2+$0xFFFFFF50];
	[tilespmem:s28+$0x50] =	vst v1  }
0x289: {  	v1 =	vld [tilespmem:s2+$0xFFFFFF60];
	[tilespmem:s28+$0x60] =	vst v0  }
0x28a: {  	v0 =	vld [tilespmem:s2+$0xFFFFFF70]  }
0x28b: {  	s26 =	sadd.s32 $0x200, s26;
	v7 =	vld.idx.msk [tilespmem:v12+s3+$0x0], $0xffff  }
0x28c: {  	v8 =	vld [tilespmem:s26+$0x70]  }
0x28d: {  	v9 =	vld [tilespmem:s2+$0x0]  }
0x28e: {  	v10 =	vld [tilespmem:s2+$0x10]  }
0x28f: {  	v11 =	vld [tilespmem:s2+$0x20]  }
0x290: {  	v12 =	vld [tilespmem:s2+$0x30]  }
0x291: {  	v13 =	vld [tilespmem:s2+$0x40];
	v7 =	vmul.f32 v8, v7  }
0x292: {  	s28 =	sadd.s32 $0x200, s28;
	v8 =	vld [tilespmem:s2+$0x50]  }
0x293: {  	v14 =	vld [tilespmem:s2+$0x60];
	[tilespmem:s28+$0x70] =	vst v7  }
0x294: {  	v7 =	vld [tilespmem:s2+$0xFFFFFF00]  }
0x295: {  	v5 =	vld.idx.msk [tilespmem:v5+s3+$0x0], $0xffff  }
0x296: {  	v6 =	vld.idx.msk [tilespmem:v6+s3+$0x0], $0xffff  }
0x297: {  	v15 =	vld.idx.msk [tilespmem:v4+s3+$0x0], $0xffff  }
0x298: {  	v16 =	vld.idx.msk [tilespmem:v3+s3+$0x0], $0xffff  }
0x299: {  	v17 =	vld.idx.msk [tilespmem:v2+s3+$0x0], $0xffff  }
0x29a: {  	v18 =	vld.idx.msk [tilespmem:v1+s3+$0x0], $0xffff  }
0x29b: {  	v19 =	vld.idx.msk [tilespmem:v0+s3+$0x0], $0xffff  }
0x29c: {  	v7 =	vld.idx.msk [tilespmem:v7+s3+$0x0], $0xffff  }
0x29d: {  	v9 =	vld.idx.msk [tilespmem:v9+s3+$0x0], $0xffff  }
0x29e: {  	v10 =	vld.idx.msk [tilespmem:v10+s3+$0x0], $0xffff  }
0x29f: {  	v4 =	vld.idx.msk [tilespmem:v11+s3+$0x0], $0xffff  }
0x2a0: {  	v3 =	vld.idx.msk [tilespmem:v12+s3+$0x0], $0xffff  }
0x2a1: {  	v2 =	vld.idx.msk [tilespmem:v13+s3+$0x0], $0xffff  }
0x2a2: {  	v1 =	vld.idx.msk [tilespmem:v8+s3+$0x0], $0xffff  }
0x2a3: {  	v0 =	vld.idx.msk [tilespmem:v14+s3+$0x0], $0xffff  }
0x2a4: {  	v8 =	vld [tilespmem:s26+$0xFFFFFF00]  }
0x2a5: {  	v11 =	vld [tilespmem:s26+$0xFFFFFF10]  }
0x2a6: {  	v12 =	vld [tilespmem:s26+$0xFFFFFF20]  }
0x2a7: {  	v13 =	vld [tilespmem:s26+$0xFFFFFF30]  }
0x2a8: {  	v14 =	vld [tilespmem:s26+$0xFFFFFF40]  }
0x2a9: {  	v7 =	vmul.f32 v8, v7;
	v8 =	vld [tilespmem:s26+$0xFFFFFF50]  }
0x2aa: {  	v5 =	vmul.f32 v11, v5;
	v11 =	vld [tilespmem:s26+$0xFFFFFF60]  }
0x2ab: {  	[tilespmem:s28+$0xFFFFFF00] =	vst v7;
	v6 =	vmul.f32 v12, v6;
	v7 =	vld [tilespmem:s26+$0xFFFFFF70]  }
0x2ac: {  	[tilespmem:s28+$0xFFFFFF10] =	vst v5;
	v5 =	vmul.f32 v13, v15;
	v12 =	vld [tilespmem:s26+$0x0]  }
0x2ad: {  	[tilespmem:s28+$0xFFFFFF20] =	vst v6;
	v6 =	vmul.f32 v14, v16;
	v13 =	vld [tilespmem:s26+$0x10]  }
.Ltmp17:
0x2ae: {  	[tilespmem:s28+$0xFFFFFF30] =	vst v5;
	v8 =	vmul.f32 v8, v17;
	v5 =	vld [tilespmem:s26+$0x20];
	(pc) =	sbr.rel @p1 .LBB2_30-.Ltmp17, $4  }
0x2af: {  	[tilespmem:s28+$0xFFFFFF40] =	vst v6;
	v11 =	vmul.f32 v11, v18;
	v6 =	vld [tilespmem:s26+$0x30]  }
0x2b0: {  	[tilespmem:s28+$0xFFFFFF50] =	vst v8;
	v14 =	vmul.f32 v7, v19;
	v7 =	vld [tilespmem:s26+$0x40]  }
0x2b1: {  	[tilespmem:s28+$0xFFFFFF60] =	vst v11;
	v11 =	vmul.f32 v12, v9;
	v8 =	vld [tilespmem:s26+$0x50]  }
0x2b2: {  	s2 =	sadd.s32 $0x200, s2;
	[tilespmem:s28+$0xFFFFFF70] =	vst v14;
	v10 =	vmul.f32 v13, v10;
	v9 =	vld [tilespmem:s26+$0x60]  }
0x2b3: {  	[tilespmem:s28+$0x0] =	vst v11;
	v4 =	vmul.f32 v5, v4  }
0x2b4: {  	[tilespmem:s28+$0x10] =	vst v10;
	v3 =	vmul.f32 v6, v3  }
0x2b5: {  	[tilespmem:s28+$0x20] =	vst v4;
	v2 =	vmul.f32 v7, v2  }
0x2b6: {  	[tilespmem:s28+$0x30] =	vst v3;
	v1 =	vmul.f32 v8, v1  }
0x2b7: {  	[tilespmem:s28+$0x40] =	vst v2;
	v0 =	vmul.f32 v9, v0  }
0x2b8: {  	[tilespmem:s28+$0x50] =	vst v1  }
0x2b9: {  	s2 =	simm.s32 $0x1D080;
	[tilespmem:s28+$0x60] =	vst v0  }
0x2ba: {  	[hbm4b:s16+s3] =	stream.linear.scatter [tilespmem:s2], [sflag:$0x5], $0x80, $0x38;
	[tilespmem:$0x1F000] =	vst v63  }
0x2bb: {  	s31 =	sadd.s32 $0x10, s16;
	s18 =	simm.s32 $0x1D180  }
0x2bc: {  	[hbm4b:s31+s3] =	stream.linear.scatter [tilespmem:s18], [sflag:$0x5], $0x80, $0x38;
	[tilespmem:$0x1F000] =	vst v63  }
0x2bd: {  	s19 =	sadd.s32 $0x20, s16;
	s26 =	simm.s32 $0x1D280  }
0x2be: {  	[hbm4b:s19+s3] =	stream.linear.scatter [tilespmem:s26], [sflag:$0x5], $0x80, $0x38;
	[tilespmem:$0x1F000] =	vst v63  }
0x2bf: {  	s29 =	simm.s32 $0x1D380;
	s28 =	sadd.s32 $0x30, s16  }
0x2c0: {  	[hbm4b:s28+s3] =	stream.linear.scatter [tilespmem:s29], [sflag:$0x5], $0x80, $0x38;
	[tilespmem:$0x1F000] =	vst v63  }
0x2c1: {  	s30 =	sadd.s32 $0x40, s16;
	s31 =	simm.s32 $0x1D480  }
0x2c2: {  	[hbm4b:s30+s3] =	stream.linear.scatter [tilespmem:s31], [sflag:$0x5], $0x80, $0x38;
	[tilespmem:$0x1F000] =	vst v63  }
0x2c3: {  	s19 =	sadd.s32 $0x50, s16;
	s26 =	simm.s32 $0x1D580  }
0x2c4: {  	[hbm4b:s19+s3] =	stream.linear.scatter [tilespmem:s26], [sflag:$0x5], $0x80, $0x38;
	[tilespmem:$0x1F000] =	vst v63  }
0x2c5: {  	s28 =	sadd.s32 $0x60, s16;
	s29 =	simm.s32 $0x1D680  }
0x2c6: {  	[hbm4b:s28+s3] =	stream.linear.scatter [tilespmem:s29], [sflag:$0x5], $0x80, $0x38;
	[tilespmem:$0x1F000] =	vst v63  }
.Ltmp18:
0x2c7: {  	s30 =	sadd.s32 $0x70, s16;
	s31 =	simm.s32 $0x1D780;
	(pc) =	sbr.rel .LBB2_32-.Ltmp18, $4  }
0x2c8: {  	[hbm4b:s30+s3] =	stream.linear.scatter [tilespmem:s31], [sflag:$0x5], $0x80, $0x38;
	[tilespmem:$0x1F000] =	vst v63  }
0x2c9: {  	_ =	swait.ge [sflag:s0], $0x400  }
0x2ca: {  	[sflag:s0] =	ssyncset.done $0x0  }
0x2cb: {  	[sflag:s0] =	ssyncadd.s32 $0xFFFFFC00  }
.LBB2_33:
0x2cc: {  	_ =	sfence.sel $0x180000  }
0x2cd: {  	[bflag:$0x0] =	sbarrier.arrive $0xFFFF  }
0x2ce: {  	_ =	strace $0x9000004A  }
0x2cf: {  	s0 =	stileid.u32;
	[bflag:$0x2] =	sbarrier.arrive $0xFFFF  }
0x2d0: {  	p0 =	sne.s32 s0, $0x0;
	s0 =	rddreg [dreg:$0x4]  }
0x2d1: {  	s0 =	sadd.s32 @!p0 $0x100000, s0  }
0x2d2: {  	[sflag:s0] =	ssyncadd.tile.s32 @!p0 $0x1;
	_ =	shalt  }
.Lfunc_end2:
_tile_overlayer_lowered:
.L_overlay_start_2:
0x2d3: {  	(tag) =	ssettag $0x2  }
0x2d4: {  	s0 =	rddreg [dreg:$0x0];
	s2 =	stileid.u32  }
0x2d5: {  	s1 =	rddreg [dreg:$0x1];
	p0 =	sne.s32 s2, $0x0  }
0x2d6: {  	s3 =	rddreg [dreg:$0x2];
	[bflag:$0x3] =	sbarrier.arrive $0xFFFF;
	s2 =	simm.s32 @!p0 $0x1C05  }
0x2d7: {  	[timem:s3], [sflag:s2] =	dma.local @!p0 [hbm:s0], s1  }
0x2d8: {  	s0 =	simm.s32 @!p0 $0x5  }
0x2d9: {  	_ =	swait.ge @!p0 [sflag:s0], s1  }
0x2da: {  	s1 =	ssub.s32 @!p0 $0x0, s1;
	[sflag:s0] =	ssyncset.done @!p0 $0x0  }
0x2db: {  	[sflag:s0] =	ssyncadd.s32 @!p0 s1  }
0x2dc: {  	[bflag:$0x3] =	sbarrier.arrive $0xFFFF  }
0x2dd: {  	_ =	shalt  }

</sc_bundles>
